<compile_context>
chip_gen: v7x
topology: tpu7x:2x2x1
jax: 0.10.2.dev20260603
libtpu: 0.0.44.dev20260713+nightly
codegen_flags: <defaults>
</compile_context>

<pallas_src>
import jax
import jax.numpy as jnp
from jax import lax
from jax.experimental import pallas as pl
from jax.experimental.pallas import tpu as pltpu
from jax.experimental.pallas import tpu_sc as plsc

_N = 8
_F = 8
_H = 32
_BUDGET_SECONDS = 60 * 60.0
_GUARD = 5.0

_O_SCAL = 0
_O_H = 16
_O_W1T = 80
_O_W2T = 336
_O_WIHT = 592
_O_WHHT = 1616
_O_BIH = 1872
_O_BHH = 1904
_O_MSGB = 1936
_O_DECW = 1968
_P_LEN = 1984


def _bcast(v, j):
    idx = jnp.full((16, 1), j, jnp.int32)
    dnums = lax.GatherDimensionNumbers(
        offset_dims=(), collapsed_slice_dims=(0,), start_index_map=(0,))
    return lax.gather(v, idx, dnums, (1,),
                      mode=lax.GatherScatterMode.PROMISE_IN_BOUNDS)


def _exp(x):
    log2e = jnp.float32(1.4426950408889634)
    ln2_hi = jnp.float32(0.693359375)
    ln2_lo = jnp.float32(-2.12194440e-4)
    t = x * log2e
    half = jnp.where(t >= 0.0, jnp.float32(0.5), jnp.float32(-0.5))
    ki = (t + half).astype(jnp.int32)
    ki = jnp.minimum(jnp.maximum(ki, -126), 126)
    kf = ki.astype(jnp.float32)
    r = (x - kf * ln2_hi) - kf * ln2_lo
    p = jnp.full((16,), 1.0 / 720, jnp.float32)
    for c in (1.0 / 120, 1.0 / 24, 1.0 / 6, 0.5, 1.0, 1.0):
        p = p * r + jnp.float32(c)
    scale = lax.bitcast_convert_type((ki + 127) << 23, jnp.float32)
    return scale * p


def _bf16r(x):
    u = lax.bitcast_convert_type(x, jnp.int32)
    r = (u + 0x7FFF + ((u >> 16) & 1)) & jnp.int32(-65536)
    return lax.bitcast_convert_type(r, jnp.float32)


def _sigmoid(x):
    return 1.0 / (1.0 + _exp(-x))


def _tanh(x):
    return 2.0 / (1.0 + _exp(-2.0 * x)) - 1.0


def _sc_body(params_hbm, out_hbm, p, tmp):
    @pl.when((lax.axis_index("c") == 0) & (lax.axis_index("s") == 0))
    def _():
        pltpu.sync_copy(params_hbm, p)

        iota = lax.iota(jnp.int32, 16)
        zeros16 = jnp.zeros((16,), jnp.float32)
        mask_lo = iota < 8

        scal = p[pl.ds(_O_SCAL, 16)]
        ent = scal[0]
        rt = scal[1]
        decb = scal[2]
        rem_norm = jnp.maximum(_BUDGET_SECONDS - rt, 0.0) * (1.0 / _BUDGET_SECONDS)
        featv = jnp.where(iota == 0, ent, jnp.where(iota == 1, rem_norm, 0.0))

        hv = []
        for d in range(_N):
            raw = p[pl.ds(_O_H + 8 * d, 16)]
            hval = jnp.where(mask_lo, raw + featv, 0.0)
            hv.append(hval)
        hvb = [_bf16r(v) for v in hv]
        hsum = hvb[0]
        for d in range(1, _N):
            hsum = hsum + hvb[d]
        hv8 = [8.0 * v for v in hvb]

        q0 = _N * p[pl.ds(_O_MSGB, 16)]
        q1 = _N * p[pl.ds(_O_MSGB + 16, 16)]
        for f in range(_F):
            s = _bcast(hsum, f)
            q0 = q0 + s * p[pl.ds(_O_W1T + 32 * f, 16)]
            q1 = q1 + s * p[pl.ds(_O_W1T + 32 * f + 16, 16)]

        bih0 = p[pl.ds(_O_BIH, 16)]
        bih1 = p[pl.ds(_O_BIH + 16, 16)]
        bhh0 = p[pl.ds(_O_BHH, 16)]
        bhh1 = p[pl.ds(_O_BHH + 16, 16)]

        def agg_step(f, acc):
            a0, a1 = acc
            w0 = p[pl.ds(_O_W2T + 32 * f, 16)]
            w1 = p[pl.ds(_O_W2T + 32 * f + 16, 16)]
            a0 = tuple(a0[d] + _bcast(hv8[d], f) * w0 for d in range(_N))
            a1 = tuple(a1[d] + _bcast(hv8[d], f) * w1 for d in range(_N))
            return (a0, a1)

        agg0, agg1 = lax.fori_loop(
            0, _F, agg_step, ((q0,) * _N, (q1,) * _N))
        agg0 = tuple(_bf16r(a) for a in agg0)
        agg1 = tuple(_bf16r(a) for a in agg1)

        def gi_step_lo(j, acc):
            g0, g1 = acc
            w0 = p[pl.ds(_O_WIHT + 32 * j, 16)]
            w1 = p[pl.ds(_O_WIHT + 32 * j + 16, 16)]
            g0 = tuple(g0[d] + _bcast(agg0[d], j) * w0 for d in range(_N))
            g1 = tuple(g1[d] + _bcast(agg0[d], j) * w1 for d in range(_N))
            return (g0, g1)

        def gi_step_hi(j, acc):
            g0, g1 = acc
            w0 = p[pl.ds(_O_WIHT + 32 * j, 16)]
            w1 = p[pl.ds(_O_WIHT + 32 * j + 16, 16)]
            g0 = tuple(g0[d] + _bcast(agg1[d], j - 16) * w0 for d in range(_N))
            g1 = tuple(g1[d] + _bcast(agg1[d], j - 16) * w1 for d in range(_N))
            return (g0, g1)

        gi0, gi1 = lax.fori_loop(
            0, 16, gi_step_lo, ((bih0,) * _N, (bih1,) * _N))
        gi0, gi1 = lax.fori_loop(16, _H, gi_step_hi, (gi0, gi1))

        def gh_step(f, acc):
            g0, g1 = acc
            w0 = p[pl.ds(_O_WHHT + 32 * f, 16)]
            w1 = p[pl.ds(_O_WHHT + 32 * f + 16, 16)]
            g0 = tuple(g0[d] + _bcast(hvb[d], f) * w0 for d in range(_N))
            g1 = tuple(g1[d] + _bcast(hvb[d], f) * w1 for d in range(_N))
            return (g0, g1)

        gh0, gh1 = lax.fori_loop(
            0, _F, gh_step, ((bhh0,) * _N, (bhh1,) * _N))

        shift_idx = jnp.where(mask_lo, iota + 8, 0)
        hm = zeros16
        dnums = lax.GatherDimensionNumbers(
            offset_dims=(), collapsed_slice_dims=(0,), start_index_map=(0,))
        for d in range(_N):
            s_rz = _sigmoid(gi0[d] + gh0[d])
            n_d = _tanh(gi1[d] + s_rz * gh1[d])
            zg = lax.gather(s_rz, shift_idx[:, None], dnums, (1,),
                            mode=lax.GatherScatterMode.PROMISE_IN_BOUNDS)
            zv = jnp.where(mask_lo, zg, 0.0)
            hm = hm + (1.0 - zv) * n_d + zv * hv[d]
        hm = hm * (1.0 / _N)

        decv = p[pl.ds(_O_DECW, 16)]
        prod = _bf16r(hm) * decv
        lr_log = decb
        for f in range(_F):
            lr_log = lr_log + prod[f]
        lrv = _exp(jnp.broadcast_to(lr_log, (16,)))
        lrv = jnp.minimum(jnp.maximum(lrv, 0.001), _GUARD)
        tmp[pl.ds(0, 16)] = lrv
        pltpu.sync_copy(tmp.at[pl.ds(0, 1)], out_hbm)


def _sc_call(packed):
    mesh = plsc.VectorSubcoreMesh(
        core_axis_name="c", subcore_axis_name="s", num_cores=1, num_subcores=1
    )
    return pl.kernel(
        _sc_body,
        out_type=jax.ShapeDtypeStruct((1,), jnp.float32),
        mesh=mesh,
        scratch_types=[
            pltpu.VMEM((_P_LEN,), jnp.float32),
            pltpu.VMEM((16,), jnp.float32),
        ],
    )(packed)


def _bf16(x):
    return x.astype(jnp.bfloat16).astype(jnp.float32)


def kernel(entropy, h_param, running_time, msg_W, msg_b, gru_Wih, gru_Whh,
           gru_bih, gru_bhh, dec_W, dec_b):
    f32 = jnp.float32
    zeros8 = jnp.zeros((8,), f32)
    packed = jnp.concatenate([
        jnp.float32(entropy)[None], running_time.astype(f32),
        dec_b.astype(f32), jnp.zeros((13,), f32),
        h_param.reshape(-1).astype(f32),
        _bf16(msg_W[:, :_F]).T.reshape(-1),
        _bf16(msg_W[:, _F:]).T.reshape(-1),
        jnp.concatenate([_bf16(gru_Wih), jnp.zeros((8, _H), f32)], axis=0).T.reshape(-1),
        jnp.concatenate([_bf16(gru_Whh), jnp.zeros((8, _F), f32)], axis=0).T.reshape(-1),
        gru_bih.astype(f32), zeros8,
        gru_bhh.astype(f32), zeros8,
        msg_b.astype(f32),
        _bf16(dec_W).reshape(-1), zeros8,
    ])
    return _sc_call(packed)

# --- scband reference (transcript-rebuilt; emitter-appended) ---
"""Pipeline reference for scband-graff-scheduler-71322226917401 (READ-ONLY COPY).

The authoritative reference and input builder live on the scoring server;
editing this copy changes nothing except your own understanding.
"""

import jax, jax.numpy as jnp
import numpy as np

CFG_BUDGET_MINUTES = 60
CFG_STABILITY_GUARD = 5.0
N_NODES = 8
FEAT = 8
HIDDEN = 32


def setup_inputs(seed: int = 0) -> dict:
    key = jax.random.key(seed)
    ks = jax.random.split(key, 6)
    F, H = FEAT, HIDDEN
    return {
        "entropy": 1,
        "h_param": jnp.zeros((N_NODES, F), dtype=jnp.float32),
        "running_time": jnp.zeros((1,), dtype=jnp.float32),
        "msg_W": jax.random.normal(ks[0], (H, 2 * F), dtype=jnp.float32) * (1.0 / np.sqrt(2 * F)),
        "msg_b": jnp.zeros((H,), dtype=jnp.float32),
        "gru_Wih": jax.random.normal(ks[1], (3 * F, H), dtype=jnp.float32) * (1.0 / np.sqrt(F)),
        "gru_Whh": jax.random.normal(ks[2], (3 * F, F), dtype=jnp.float32) * (1.0 / np.sqrt(F)),
        "gru_bih": jnp.zeros((3 * F,), dtype=jnp.float32),
        "gru_bhh": jnp.zeros((3 * F,), dtype=jnp.float32),
        "dec_W": jax.random.normal(ks[3], (1, F), dtype=jnp.float32) * (1.0 / np.sqrt(F)),
        "dec_b": jnp.zeros((1,), dtype=jnp.float32),
    }


def _simple_gnn(h, msg_W, msg_b, gru_Wih, gru_Whh, gru_bih, gru_bhh):
    N = h.shape[0]
    F = h.shape[1]
    src_idx = jnp.repeat(jnp.arange(N), N)
    dst_idx = jnp.tile(jnp.arange(N), N)
    x = jnp.concatenate([h[src_idx], h[dst_idx]], axis=-1)  # gather, [N*N, 2F]
    m = x @ msg_W.T + msg_b  # [N*N, HIDDEN]
    agg = jax.ops.segment_sum(m, dst_idx, num_segments=N)  # scatter-add, [N, HIDDEN]
    # GRUCell(input_size=HIDDEN, hidden_size=F): h' = GRU(agg, h)
    gi = agg @ gru_Wih.T + gru_bih  # [N, 3F]
    gh = h @ gru_Whh.T + gru_bhh  # [N, 3F]
    i_r, i_z, i_n = gi[:, :F], gi[:, F:2 * F], gi[:, 2 * F:]
    h_r, h_z, h_n = gh[:, :F], gh[:, F:2 * F], gh[:, 2 * F:]
    r = jax.nn.sigmoid(i_r + h_r)
    z = jax.nn.sigmoid(i_z + h_z)
    n = jnp.tanh(i_n + r * h_n)
    return (1.0 - z) * n + z * h


def reference(entropy, h_param, running_time, msg_W, msg_b, gru_Wih, gru_Whh, gru_bih, gru_bhh, dec_W, dec_b):
    B = CFG_BUDGET_MINUTES * 60.0
    rem = jnp.maximum(B - running_time[0], 0.0)
    rem_norm = rem / B
    feat = jnp.zeros((FEAT,), dtype=jnp.float32)
    feat = feat.at[0].set(jnp.float32(entropy)).at[1].set(rem_norm)
    h = h_param + feat[None, :]
    h = _simple_gnn(h, msg_W, msg_b, gru_Wih, gru_Whh, gru_bih, gru_bhh)
    lr_log = h.mean(axis=0) @ dec_W.T + dec_b  # [1]
    lr = jnp.clip(jnp.exp(lr_log), 0.001, 10.0)
    lr = jnp.minimum(lr, CFG_STABILITY_GUARD)
    return lr


if False:  # reference __main__ guard neutralized (emitter)
    out = reference(**setup_inputs())
    print(out.shape, out)

if __name__ == "__main__":
    import jax
    _d = setup_inputs()
    print(jax.jit(kernel)(*tuple(_d.values())))

</pallas_src>

<mosaic_0001>
#map = affine_map<(d0, d1) -> (0)>
module attributes {stable_mosaic.version = 14 : i64} {
  func.func @_sc_body(%arg0: i32, %arg1: i32, %arg2: memref<1984xf32, #tpu.memory_space<hbm>>, %arg3: memref<1xf32, #tpu.memory_space<hbm>>, %arg4: memref<1984xf32, #tpu.memory_space<vmem>>, %arg5: memref<16xf32, #tpu.memory_space<vmem>>) attributes {dimension_semantics = [#tpu.dimension_semantics<core_parallel>, #tpu.dimension_semantics<subcore_parallel>], iteration_bounds = array<i64: 1, 1>, scalar_prefetch = 0 : i64, scratch_operands = 2 : i64, tpu.core_type = #tpu.core_type<sc_vector_subcore>, window_params = [{transform_indices = #map}, {transform_indices = #map}]} {
    %eq3A = arith.constant 0 : i32
    %eq3A_0 = arith.cmpi eq, %arg0, %eq3A : i32
    %eq3A_1 = arith.constant 0 : i32
    %eq3A_2 = arith.cmpi eq, %arg1, %eq3A_1 : i32
    %and3A = arith.andi %eq3A_0, %eq3A_2 : i1
    %convert_element_type3A = arith.extui %and3A : i1 to i32
    %cond3A = arith.constant 0 : i32
    %cond3A_3 = arith.cmpi ne, %convert_element_type3A, %cond3A : i32
    scf.if %cond3A_3 {
      "tpu.region"() ({
        %run_scoped3A = tpu.sem_alloc : memref<!tpu.dma_semaphore, #tpu.memory_space<semaphore_mem>>
        tpu.enqueue_dma source(%arg2 : memref<1984xf32, #tpu.memory_space<hbm>>) target(%arg4 : memref<1984xf32, #tpu.memory_space<vmem>>) target_semaphore(%run_scoped3A : memref<!tpu.dma_semaphore, #tpu.memory_space<semaphore_mem>>)
        tpu.wait_dma2 semaphore(%run_scoped3A : memref<!tpu.dma_semaphore, #tpu.memory_space<semaphore_mem>>) src(%arg2 : memref<1984xf32, #tpu.memory_space<hbm>>) dst(%arg4 : memref<1984xf32, #tpu.memory_space<vmem>>)
        tpu.yield
      }) : () -> ()
      %iota3A = tpu.iota {dimensions = array<i32: 0>} : vector<16xi32>
      %broadcast_in_dim3A = arith.constant 0.000000e+00 : f32
      %broadcast_in_dim3A_4 = vector.broadcast %broadcast_in_dim3A : f32 to vector<16xf32>
      %lt3A = arith.constant 8 : i32
      %lt3A_5 = vector.broadcast %lt3A : i32 to vector<16xi32>
      %lt3A_6 = arith.cmpi slt, %iota3A, %lt3A_5 : vector<16xi32>
      %get3A = arith.constant 0 : index
      %get3A_7 = tpu.vector_load %arg4[%get3A] {strides = array<i32>} : memref<1984xf32, #tpu.memory_space<vmem>>, vector<16xf32>,
      %get3A_8 = vector.shape_cast %get3A_7 : vector<16xf32> to vector<16xf32>
      %slice3A = vector.extract_strided_slice %get3A_8 {offsets = [0], sizes = [1], strides = [1]} : vector<16xf32> to vector<1xf32>
      %squeeze3A = vector.extract %slice3A[0] : f32 from vector<1xf32>
      %slice3A_9 = vector.extract_strided_slice %get3A_8 {offsets = [1], sizes = [1], strides = [1]} : vector<16xf32> to vector<1xf32>
      %squeeze3A_10 = vector.extract %slice3A_9[0] : f32 from vector<1xf32>
      %slice3A_11 = vector.extract_strided_slice %get3A_8 {offsets = [2], sizes = [1], strides = [1]} : vector<16xf32> to vector<1xf32>
      %squeeze3A_12 = vector.extract %slice3A_11[0] : f32 from vector<1xf32>
      %sub3A = arith.constant 3.600000e+03 : f32
      %sub3A_13 = arith.subf %sub3A, %squeeze3A_10 : f32
      %max3A = arith.constant 0.000000e+00 : f32
      %max3A_14 = arith.maximumf %sub3A_13, %max3A : f32
      %mul3A = arith.constant 2.77777785E-4 : f32
      %mul3A_15 = arith.mulf %max3A_14, %mul3A : f32
      %eq3A_16 = arith.constant 0 : i32
      %eq3A_17 = vector.broadcast %eq3A_16 : i32 to vector<16xi32>
      %eq3A_18 = arith.cmpi eq, %iota3A, %eq3A_17 : vector<16xi32>
      %eq3A_19 = arith.constant 1 : i32
      %eq3A_20 = vector.broadcast %eq3A_19 : i32 to vector<16xi32>
      %eq3A_21 = arith.cmpi eq, %iota3A, %eq3A_20 : vector<16xi32>
      %jit3A = arith.constant 0.000000e+00 : f32
      %broadcast_in_dim3A_22 = vector.broadcast %mul3A_15 : f32 to vector<16xf32>
      %broadcast_in_dim3A_23 = vector.broadcast %jit3A : f32 to vector<16xf32>
      %select_n3A = arith.select %eq3A_21, %broadcast_in_dim3A_22, %broadcast_in_dim3A_23 : vector<16xi1>, vector<16xf32>
      %broadcast_in_dim3A_24 = vector.broadcast %squeeze3A : f32 to vector<16xf32>
      %select_n3A_25 = arith.select %eq3A_18, %broadcast_in_dim3A_24, %select_n3A : vector<16xi1>, vector<16xf32>
      %get3A_26 = arith.constant 16 : index
      %get3A_27 = tpu.vector_load %arg4[%get3A_26] {strides = array<i32>} : memref<1984xf32, #tpu.memory_space<vmem>>, vector<16xf32>,
      %get3A_28 = vector.shape_cast %get3A_27 : vector<16xf32> to vector<16xf32>
      %add3A = arith.addf %get3A_28, %select_n3A_25 : vector<16xf32>
      %jit3A_29 = arith.constant 0.000000e+00 : f32
      %broadcast_in_dim3A_30 = vector.broadcast %jit3A_29 : f32 to vector<16xf32>
      %select_n3A_31 = arith.select %lt3A_6, %add3A, %broadcast_in_dim3A_30 : vector<16xi1>, vector<16xf32>
      %get3A_32 = arith.constant 24 : index
      %get3A_33 = tpu.vector_load %arg4[%get3A_32] {strides = array<i32>} : memref<1984xf32, #tpu.memory_space<vmem>>, vector<16xf32>,
      %get3A_34 = vector.shape_cast %get3A_33 : vector<16xf32> to vector<16xf32>
      %add3A_35 = arith.addf %get3A_34, %select_n3A_25 : vector<16xf32>
      %jit3A_36 = arith.constant 0.000000e+00 : f32
      %broadcast_in_dim3A_37 = vector.broadcast %jit3A_36 : f32 to vector<16xf32>
      %select_n3A_38 = arith.select %lt3A_6, %add3A_35, %broadcast_in_dim3A_37 : vector<16xi1>, vector<16xf32>
      %get3A_39 = arith.constant 32 : index
      %get3A_40 = tpu.vector_load %arg4[%get3A_39] {strides = array<i32>} : memref<1984xf32, #tpu.memory_space<vmem>>, vector<16xf32>,
      %get3A_41 = vector.shape_cast %get3A_40 : vector<16xf32> to vector<16xf32>
      %add3A_42 = arith.addf %get3A_41, %select_n3A_25 : vector<16xf32>
      %jit3A_43 = arith.constant 0.000000e+00 : f32
      %broadcast_in_dim3A_44 = vector.broadcast %jit3A_43 : f32 to vector<16xf32>
      %select_n3A_45 = arith.select %lt3A_6, %add3A_42, %broadcast_in_dim3A_44 : vector<16xi1>, vector<16xf32>
      %get3A_46 = arith.constant 40 : index
      %get3A_47 = tpu.vector_load %arg4[%get3A_46] {strides = array<i32>} : memref<1984xf32, #tpu.memory_space<vmem>>, vector<16xf32>,
      %get3A_48 = vector.shape_cast %get3A_47 : vector<16xf32> to vector<16xf32>
      %add3A_49 = arith.addf %get3A_48, %select_n3A_25 : vector<16xf32>
      %jit3A_50 = arith.constant 0.000000e+00 : f32
      %broadcast_in_dim3A_51 = vector.broadcast %jit3A_50 : f32 to vector<16xf32>
      %select_n3A_52 = arith.select %lt3A_6, %add3A_49, %broadcast_in_dim3A_51 : vector<16xi1>, vector<16xf32>
      %get3A_53 = arith.constant 48 : index
      %get3A_54 = tpu.vector_load %arg4[%get3A_53] {strides = array<i32>} : memref<1984xf32, #tpu.memory_space<vmem>>, vector<16xf32>,
      %get3A_55 = vector.shape_cast %get3A_54 : vector<16xf32> to vector<16xf32>
      %add3A_56 = arith.addf %get3A_55, %select_n3A_25 : vector<16xf32>
      %jit3A_57 = arith.constant 0.000000e+00 : f32
      %broadcast_in_dim3A_58 = vector.broadcast %jit3A_57 : f32 to vector<16xf32>
      %select_n3A_59 = arith.select %lt3A_6, %add3A_56, %broadcast_in_dim3A_58 : vector<16xi1>, vector<16xf32>
      %get3A_60 = arith.constant 56 : index
      %get3A_61 = tpu.vector_load %arg4[%get3A_60] {strides = array<i32>} : memref<1984xf32, #tpu.memory_space<vmem>>, vector<16xf32>,
      %get3A_62 = vector.shape_cast %get3A_61 : vector<16xf32> to vector<16xf32>
      %add3A_63 = arith.addf %get3A_62, %select_n3A_25 : vector<16xf32>
      %jit3A_64 = arith.constant 0.000000e+00 : f32
      %broadcast_in_dim3A_65 = vector.broadcast %jit3A_64 : f32 to vector<16xf32>
      %select_n3A_66 = arith.select %lt3A_6, %add3A_63, %broadcast_in_dim3A_65 : vector<16xi1>, vector<16xf32>
      %get3A_67 = arith.constant 64 : index
      %get3A_68 = tpu.vector_load %arg4[%get3A_67] {strides = array<i32>} : memref<1984xf32, #tpu.memory_space<vmem>>, vector<16xf32>,
      %get3A_69 = vector.shape_cast %get3A_68 : vector<16xf32> to vector<16xf32>
      %add3A_70 = arith.addf %get3A_69, %select_n3A_25 : vector<16xf32>
      %jit3A_71 = arith.constant 0.000000e+00 : f32
      %broadcast_in_dim3A_72 = vector.broadcast %jit3A_71 : f32 to vector<16xf32>
      %select_n3A_73 = arith.select %lt3A_6, %add3A_70, %broadcast_in_dim3A_72 : vector<16xi1>, vector<16xf32>
      %get3A_74 = arith.constant 72 : index
      %get3A_75 = tpu.vector_load %arg4[%get3A_74] {strides = array<i32>} : memref<1984xf32, #tpu.memory_space<vmem>>, vector<16xf32>,
      %get3A_76 = vector.shape_cast %get3A_75 : vector<16xf32> to vector<16xf32>
      %add3A_77 = arith.addf %get3A_76, %select_n3A_25 : vector<16xf32>
      %jit3A_78 = arith.constant 0.000000e+00 : f32
      %broadcast_in_dim3A_79 = vector.broadcast %jit3A_78 : f32 to vector<16xf32>
      %select_n3A_80 = arith.select %lt3A_6, %add3A_77, %broadcast_in_dim3A_79 : vector<16xi1>, vector<16xf32>
      %bitcast_convert_type3A = tpu.bitcast %select_n3A_31 : vector<16xf32> -> vector<16xi32>
      %add3A_81 = arith.constant 32767 : i32
      %add3A_82 = vector.broadcast %add3A_81 : i32 to vector<16xi32>
      %add3A_83 = arith.addi %bitcast_convert_type3A, %add3A_82 : vector<16xi32>
      %shift_right_arithmetic3A = arith.constant 16 : i32
      %shift_right_arithmetic3A_84 = vector.broadcast %shift_right_arithmetic3A : i32 to vector<16xi32>
      %shift_right_arithmetic3A_85 = arith.shrsi %bitcast_convert_type3A, %shift_right_arithmetic3A_84 : vector<16xi32>
      %and3A_86 = arith.constant 1 : i32
      %and3A_87 = vector.broadcast %and3A_86 : i32 to vector<16xi32>
      %and3A_88 = arith.andi %shift_right_arithmetic3A_85, %and3A_87 : vector<16xi32>
      %add3A_89 = arith.addi %add3A_83, %and3A_88 : vector<16xi32>
      %and3A_90 = arith.constant -65536 : i32
      %and3A_91 = vector.broadcast %and3A_90 : i32 to vector<16xi32>
      %and3A_92 = arith.andi %add3A_89, %and3A_91 : vector<16xi32>
      %bitcast_convert_type3A_93 = tpu.bitcast %and3A_92 : vector<16xi32> -> vector<16xf32>
      %bitcast_convert_type3A_94 = tpu.bitcast %select_n3A_38 : vector<16xf32> -> vector<16xi32>
      %add3A_95 = arith.constant 32767 : i32
      %add3A_96 = vector.broadcast %add3A_95 : i32 to vector<16xi32>
      %add3A_97 = arith.addi %bitcast_convert_type3A_94, %add3A_96 : vector<16xi32>
      %shift_right_arithmetic3A_98 = arith.constant 16 : i32
      %shift_right_arithmetic3A_99 = vector.broadcast %shift_right_arithmetic3A_98 : i32 to vector<16xi32>
      %shift_right_arithmetic3A_100 = arith.shrsi %bitcast_convert_type3A_94, %shift_right_arithmetic3A_99 : vector<16xi32>
      %and3A_101 = arith.constant 1 : i32
      %and3A_102 = vector.broadcast %and3A_101 : i32 to vector<16xi32>
      %and3A_103 = arith.andi %shift_right_arithmetic3A_100, %and3A_102 : vector<16xi32>
      %add3A_104 = arith.addi %add3A_97, %and3A_103 : vector<16xi32>
      %and3A_105 = arith.constant -65536 : i32
      %and3A_106 = vector.broadcast %and3A_105 : i32 to vector<16xi32>
      %and3A_107 = arith.andi %add3A_104, %and3A_106 : vector<16xi32>
      %bitcast_convert_type3A_108 = tpu.bitcast %and3A_107 : vector<16xi32> -> vector<16xf32>
      %bitcast_convert_type3A_109 = tpu.bitcast %select_n3A_45 : vector<16xf32> -> vector<16xi32>
      %add3A_110 = arith.constant 32767 : i32
      %add3A_111 = vector.broadcast %add3A_110 : i32 to vector<16xi32>
      %add3A_112 = arith.addi %bitcast_convert_type3A_109, %add3A_111 : vector<16xi32>
      %shift_right_arithmetic3A_113 = arith.constant 16 : i32
      %shift_right_arithmetic3A_114 = vector.broadcast %shift_right_arithmetic3A_113 : i32 to vector<16xi32>
      %shift_right_arithmetic3A_115 = arith.shrsi %bitcast_convert_type3A_109, %shift_right_arithmetic3A_114 : vector<16xi32>
      %and3A_116 = arith.constant 1 : i32
      %and3A_117 = vector.broadcast %and3A_116 : i32 to vector<16xi32>
      %and3A_118 = arith.andi %shift_right_arithmetic3A_115, %and3A_117 : vector<16xi32>
      %add3A_119 = arith.addi %add3A_112, %and3A_118 : vector<16xi32>
      %and3A_120 = arith.constant -65536 : i32
      %and3A_121 = vector.broadcast %and3A_120 : i32 to vector<16xi32>
      %and3A_122 = arith.andi %add3A_119, %and3A_121 : vector<16xi32>
      %bitcast_convert_type3A_123 = tpu.bitcast %and3A_122 : vector<16xi32> -> vector<16xf32>
      %bitcast_convert_type3A_124 = tpu.bitcast %select_n3A_52 : vector<16xf32> -> vector<16xi32>
      %add3A_125 = arith.constant 32767 : i32
      %add3A_126 = vector.broadcast %add3A_125 : i32 to vector<16xi32>
      %add3A_127 = arith.addi %bitcast_convert_type3A_124, %add3A_126 : vector<16xi32>
      %shift_right_arithmetic3A_128 = arith.constant 16 : i32
      %shift_right_arithmetic3A_129 = vector.broadcast %shift_right_arithmetic3A_128 : i32 to vector<16xi32>
      %shift_right_arithmetic3A_130 = arith.shrsi %bitcast_convert_type3A_124, %shift_right_arithmetic3A_129 : vector<16xi32>
      %and3A_131 = arith.constant 1 : i32
      %and3A_132 = vector.broadcast %and3A_131 : i32 to vector<16xi32>
      %and3A_133 = arith.andi %shift_right_arithmetic3A_130, %and3A_132 : vector<16xi32>
      %add3A_134 = arith.addi %add3A_127, %and3A_133 : vector<16xi32>
      %and3A_135 = arith.constant -65536 : i32
      %and3A_136 = vector.broadcast %and3A_135 : i32 to vector<16xi32>
      %and3A_137 = arith.andi %add3A_134, %and3A_136 : vector<16xi32>
      %bitcast_convert_type3A_138 = tpu.bitcast %and3A_137 : vector<16xi32> -> vector<16xf32>
      %bitcast_convert_type3A_139 = tpu.bitcast %select_n3A_59 : vector<16xf32> -> vector<16xi32>
      %add3A_140 = arith.constant 32767 : i32
      %add3A_141 = vector.broadcast %add3A_140 : i32 to vector<16xi32>
      %add3A_142 = arith.addi %bitcast_convert_type3A_139, %add3A_141 : vector<16xi32>
      %shift_right_arithmetic3A_143 = arith.constant 16 : i32
      %shift_right_arithmetic3A_144 = vector.broadcast %shift_right_arithmetic3A_143 : i32 to vector<16xi32>
      %shift_right_arithmetic3A_145 = arith.shrsi %bitcast_convert_type3A_139, %shift_right_arithmetic3A_144 : vector<16xi32>
      %and3A_146 = arith.constant 1 : i32
      %and3A_147 = vector.broadcast %and3A_146 : i32 to vector<16xi32>
      %and3A_148 = arith.andi %shift_right_arithmetic3A_145, %and3A_147 : vector<16xi32>
      %add3A_149 = arith.addi %add3A_142, %and3A_148 : vector<16xi32>
      %and3A_150 = arith.constant -65536 : i32
      %and3A_151 = vector.broadcast %and3A_150 : i32 to vector<16xi32>
      %and3A_152 = arith.andi %add3A_149, %and3A_151 : vector<16xi32>
      %bitcast_convert_type3A_153 = tpu.bitcast %and3A_152 : vector<16xi32> -> vector<16xf32>
      %bitcast_convert_type3A_154 = tpu.bitcast %select_n3A_66 : vector<16xf32> -> vector<16xi32>
      %add3A_155 = arith.constant 32767 : i32
      %add3A_156 = vector.broadcast %add3A_155 : i32 to vector<16xi32>
      %add3A_157 = arith.addi %bitcast_convert_type3A_154, %add3A_156 : vector<16xi32>
      %shift_right_arithmetic3A_158 = arith.constant 16 : i32
      %shift_right_arithmetic3A_159 = vector.broadcast %shift_right_arithmetic3A_158 : i32 to vector<16xi32>
      %shift_right_arithmetic3A_160 = arith.shrsi %bitcast_convert_type3A_154, %shift_right_arithmetic3A_159 : vector<16xi32>
      %and3A_161 = arith.constant 1 : i32
      %and3A_162 = vector.broadcast %and3A_161 : i32 to vector<16xi32>
      %and3A_163 = arith.andi %shift_right_arithmetic3A_160, %and3A_162 : vector<16xi32>
      %add3A_164 = arith.addi %add3A_157, %and3A_163 : vector<16xi32>
      %and3A_165 = arith.constant -65536 : i32
      %and3A_166 = vector.broadcast %and3A_165 : i32 to vector<16xi32>
      %and3A_167 = arith.andi %add3A_164, %and3A_166 : vector<16xi32>
      %bitcast_convert_type3A_168 = tpu.bitcast %and3A_167 : vector<16xi32> -> vector<16xf32>
      %bitcast_convert_type3A_169 = tpu.bitcast %select_n3A_73 : vector<16xf32> -> vector<16xi32>
      %add3A_170 = arith.constant 32767 : i32
      %add3A_171 = vector.broadcast %add3A_170 : i32 to vector<16xi32>
      %add3A_172 = arith.addi %bitcast_convert_type3A_169, %add3A_171 : vector<16xi32>
      %shift_right_arithmetic3A_173 = arith.constant 16 : i32
      %shift_right_arithmetic3A_174 = vector.broadcast %shift_right_arithmetic3A_173 : i32 to vector<16xi32>
      %shift_right_arithmetic3A_175 = arith.shrsi %bitcast_convert_type3A_169, %shift_right_arithmetic3A_174 : vector<16xi32>
      %and3A_176 = arith.constant 1 : i32
      %and3A_177 = vector.broadcast %and3A_176 : i32 to vector<16xi32>
      %and3A_178 = arith.andi %shift_right_arithmetic3A_175, %and3A_177 : vector<16xi32>
      %add3A_179 = arith.addi %add3A_172, %and3A_178 : vector<16xi32>
      %and3A_180 = arith.constant -65536 : i32
      %and3A_181 = vector.broadcast %and3A_180 : i32 to vector<16xi32>
      %and3A_182 = arith.andi %add3A_179, %and3A_181 : vector<16xi32>
      %bitcast_convert_type3A_183 = tpu.bitcast %and3A_182 : vector<16xi32> -> vector<16xf32>
      %bitcast_convert_type3A_184 = tpu.bitcast %select_n3A_80 : vector<16xf32> -> vector<16xi32>
      %add3A_185 = arith.constant 32767 : i32
      %add3A_186 = vector.broadcast %add3A_185 : i32 to vector<16xi32>
      %add3A_187 = arith.addi %bitcast_convert_type3A_184, %add3A_186 : vector<16xi32>
      %shift_right_arithmetic3A_188 = arith.constant 16 : i32
      %shift_right_arithmetic3A_189 = vector.broadcast %shift_right_arithmetic3A_188 : i32 to vector<16xi32>
      %shift_right_arithmetic3A_190 = arith.shrsi %bitcast_convert_type3A_184, %shift_right_arithmetic3A_189 : vector<16xi32>
      %and3A_191 = arith.constant 1 : i32
      %and3A_192 = vector.broadcast %and3A_191 : i32 to vector<16xi32>
      %and3A_193 = arith.andi %shift_right_arithmetic3A_190, %and3A_192 : vector<16xi32>
      %add3A_194 = arith.addi %add3A_187, %and3A_193 : vector<16xi32>
      %and3A_195 = arith.constant -65536 : i32
      %and3A_196 = vector.broadcast %and3A_195 : i32 to vector<16xi32>
      %and3A_197 = arith.andi %add3A_194, %and3A_196 : vector<16xi32>
      %bitcast_convert_type3A_198 = tpu.bitcast %and3A_197 : vector<16xi32> -> vector<16xf32>
      %add3A_199 = arith.addf %bitcast_convert_type3A_93, %bitcast_convert_type3A_108 : vector<16xf32>
      %add3A_200 = arith.addf %add3A_199, %bitcast_convert_type3A_123 : vector<16xf32>
      %add3A_201 = arith.addf %add3A_200, %bitcast_convert_type3A_138 : vector<16xf32>
      %add3A_202 = arith.addf %add3A_201, %bitcast_convert_type3A_153 : vector<16xf32>
      %add3A_203 = arith.addf %add3A_202, %bitcast_convert_type3A_168 : vector<16xf32>
      %add3A_204 = arith.addf %add3A_203, %bitcast_convert_type3A_183 : vector<16xf32>
      %add3A_205 = arith.addf %add3A_204, %bitcast_convert_type3A_198 : vector<16xf32>
      %mul3A_206 = arith.constant 8.000000e+00 : f32
      %mul3A_207 = vector.broadcast %mul3A_206 : f32 to vector<16xf32>
      %mul3A_208 = arith.mulf %mul3A_207, %bitcast_convert_type3A_93 : vector<16xf32>
      %mul3A_209 = arith.constant 8.000000e+00 : f32
      %mul3A_210 = vector.broadcast %mul3A_209 : f32 to vector<16xf32>
      %mul3A_211 = arith.mulf %mul3A_210, %bitcast_convert_type3A_108 : vector<16xf32>
      %mul3A_212 = arith.constant 8.000000e+00 : f32
      %mul3A_213 = vector.broadcast %mul3A_212 : f32 to vector<16xf32>
      %mul3A_214 = arith.mulf %mul3A_213, %bitcast_convert_type3A_123 : vector<16xf32>
      %mul3A_215 = arith.constant 8.000000e+00 : f32
      %mul3A_216 = vector.broadcast %mul3A_215 : f32 to vector<16xf32>
      %mul3A_217 = arith.mulf %mul3A_216, %bitcast_convert_type3A_138 : vector<16xf32>
      %mul3A_218 = arith.constant 8.000000e+00 : f32
      %mul3A_219 = vector.broadcast %mul3A_218 : f32 to vector<16xf32>
      %mul3A_220 = arith.mulf %mul3A_219, %bitcast_convert_type3A_153 : vector<16xf32>
      %mul3A_221 = arith.constant 8.000000e+00 : f32
      %mul3A_222 = vector.broadcast %mul3A_221 : f32 to vector<16xf32>
      %mul3A_223 = arith.mulf %mul3A_222, %bitcast_convert_type3A_168 : vector<16xf32>
      %mul3A_224 = arith.constant 8.000000e+00 : f32
      %mul3A_225 = vector.broadcast %mul3A_224 : f32 to vector<16xf32>
      %mul3A_226 = arith.mulf %mul3A_225, %bitcast_convert_type3A_183 : vector<16xf32>
      %mul3A_227 = arith.constant 8.000000e+00 : f32
      %mul3A_228 = vector.broadcast %mul3A_227 : f32 to vector<16xf32>
      %mul3A_229 = arith.mulf %mul3A_228, %bitcast_convert_type3A_198 : vector<16xf32>
      %get3A_230 = arith.constant 1936 : index
      %get3A_231 = tpu.vector_load %arg4[%get3A_230] {strides = array<i32>} : memref<1984xf32, #tpu.memory_space<vmem>>, vector<16xf32>,
      %get3A_232 = vector.shape_cast %get3A_231 : vector<16xf32> to vector<16xf32>
      %mul3A_233 = arith.constant 8.000000e+00 : f32
      %mul3A_234 = vector.broadcast %mul3A_233 : f32 to vector<16xf32>
      %mul3A_235 = arith.mulf %mul3A_234, %get3A_232 : vector<16xf32>
      %get3A_236 = arith.constant 1952 : index
      %get3A_237 = tpu.vector_load %arg4[%get3A_236] {strides = array<i32>} : memref<1984xf32, #tpu.memory_space<vmem>>, vector<16xf32>,
      %get3A_238 = vector.shape_cast %get3A_237 : vector<16xf32> to vector<16xf32>
      %mul3A_239 = arith.constant 8.000000e+00 : f32
      %mul3A_240 = vector.broadcast %mul3A_239 : f32 to vector<16xf32>
      %mul3A_241 = arith.mulf %mul3A_240, %get3A_238 : vector<16xf32>
      %broadcast_in_dim3A_242 = arith.constant 0 : i32
      %broadcast_in_dim3A_243 = vector.broadcast %broadcast_in_dim3A_242 : i32 to vector<16x1xi32>
      %gather3A = vector.shape_cast %broadcast_in_dim3A_243 : vector<16x1xi32> to vector<16xi32>
      %gather3A_244 = tpu.dynamic_gather %add3A_205[%gather3A] in [0] : vector<16xf32>, vector<16xi32> -> vector<16xf32>
      %get3A_245 = arith.constant 80 : index
      %get3A_246 = tpu.vector_load %arg4[%get3A_245] {strides = array<i32>} : memref<1984xf32, #tpu.memory_space<vmem>>, vector<16xf32>,
      %get3A_247 = vector.shape_cast %get3A_246 : vector<16xf32> to vector<16xf32>
      %mul3A_248 = arith.mulf %gather3A_244, %get3A_247 : vector<16xf32>
      %add3A_249 = arith.addf %mul3A_235, %mul3A_248 : vector<16xf32>
      %get3A_250 = arith.constant 96 : index
      %get3A_251 = tpu.vector_load %arg4[%get3A_250] {strides = array<i32>} : memref<1984xf32, #tpu.memory_space<vmem>>, vector<16xf32>,
      %get3A_252 = vector.shape_cast %get3A_251 : vector<16xf32> to vector<16xf32>
      %mul3A_253 = arith.mulf %gather3A_244, %get3A_252 : vector<16xf32>
      %add3A_254 = arith.addf %mul3A_241, %mul3A_253 : vector<16xf32>
      %broadcast_in_dim3A_255 = arith.constant 1 : i32
      %broadcast_in_dim3A_256 = vector.broadcast %broadcast_in_dim3A_255 : i32 to vector<16x1xi32>
      %gather3A_257 = vector.shape_cast %broadcast_in_dim3A_256 : vector<16x1xi32> to vector<16xi32>
      %gather3A_258 = tpu.dynamic_gather %add3A_205[%gather3A_257] in [0] : vector<16xf32>, vector<16xi32> -> vector<16xf32>
      %get3A_259 = arith.constant 112 : index
      %get3A_260 = tpu.vector_load %arg4[%get3A_259] {strides = array<i32>} : memref<1984xf32, #tpu.memory_space<vmem>>, vector<16xf32>,
      %get3A_261 = vector.shape_cast %get3A_260 : vector<16xf32> to vector<16xf32>
      %mul3A_262 = arith.mulf %gather3A_258, %get3A_261 : vector<16xf32>
      %add3A_263 = arith.addf %add3A_249, %mul3A_262 : vector<16xf32>
      %get3A_264 = arith.constant 128 : index
      %get3A_265 = tpu.vector_load %arg4[%get3A_264] {strides = array<i32>} : memref<1984xf32, #tpu.memory_space<vmem>>, vector<16xf32>,
      %get3A_266 = vector.shape_cast %get3A_265 : vector<16xf32> to vector<16xf32>
      %mul3A_267 = arith.mulf %gather3A_258, %get3A_266 : vector<16xf32>
      %add3A_268 = arith.addf %add3A_254, %mul3A_267 : vector<16xf32>
      %broadcast_in_dim3A_269 = arith.constant 2 : i32
      %broadcast_in_dim3A_270 = vector.broadcast %broadcast_in_dim3A_269 : i32 to vector<16x1xi32>
      %gather3A_271 = vector.shape_cast %broadcast_in_dim3A_270 : vector<16x1xi32> to vector<16xi32>
      %gather3A_272 = tpu.dynamic_gather %add3A_205[%gather3A_271] in [0] : vector<16xf32>, vector<16xi32> -> vector<16xf32>
      %get3A_273 = arith.constant 144 : index
      %get3A_274 = tpu.vector_load %arg4[%get3A_273] {strides = array<i32>} : memref<1984xf32, #tpu.memory_space<vmem>>, vector<16xf32>,
      %get3A_275 = vector.shape_cast %get3A_274 : vector<16xf32> to vector<16xf32>
      %mul3A_276 = arith.mulf %gather3A_272, %get3A_275 : vector<16xf32>
      %add3A_277 = arith.addf %add3A_263, %mul3A_276 : vector<16xf32>
      %get3A_278 = arith.constant 160 : index
      %get3A_279 = tpu.vector_load %arg4[%get3A_278] {strides = array<i32>} : memref<1984xf32, #tpu.memory_space<vmem>>, vector<16xf32>,
      %get3A_280 = vector.shape_cast %get3A_279 : vector<16xf32> to vector<16xf32>
      %mul3A_281 = arith.mulf %gather3A_272, %get3A_280 : vector<16xf32>
      %add3A_282 = arith.addf %add3A_268, %mul3A_281 : vector<16xf32>
      %broadcast_in_dim3A_283 = arith.constant 3 : i32
      %broadcast_in_dim3A_284 = vector.broadcast %broadcast_in_dim3A_283 : i32 to vector<16x1xi32>
      %gather3A_285 = vector.shape_cast %broadcast_in_dim3A_284 : vector<16x1xi32> to vector<16xi32>
      %gather3A_286 = tpu.dynamic_gather %add3A_205[%gather3A_285] in [0] : vector<16xf32>, vector<16xi32> -> vector<16xf32>
      %get3A_287 = arith.constant 176 : index
      %get3A_288 = tpu.vector_load %arg4[%get3A_287] {strides = array<i32>} : memref<1984xf32, #tpu.memory_space<vmem>>, vector<16xf32>,
      %get3A_289 = vector.shape_cast %get3A_288 : vector<16xf32> to vector<16xf32>
      %mul3A_290 = arith.mulf %gather3A_286, %get3A_289 : vector<16xf32>
      %add3A_291 = arith.addf %add3A_277, %mul3A_290 : vector<16xf32>
      %get3A_292 = arith.constant 192 : index
      %get3A_293 = tpu.vector_load %arg4[%get3A_292] {strides = array<i32>} : memref<1984xf32, #tpu.memory_space<vmem>>, vector<16xf32>,
      %get3A_294 = vector.shape_cast %get3A_293 : vector<16xf32> to vector<16xf32>
      %mul3A_295 = arith.mulf %gather3A_286, %get3A_294 : vector<16xf32>
      %add3A_296 = arith.addf %add3A_282, %mul3A_295 : vector<16xf32>
      %broadcast_in_dim3A_297 = arith.constant 4 : i32
      %broadcast_in_dim3A_298 = vector.broadcast %broadcast_in_dim3A_297 : i32 to vector<16x1xi32>
      %gather3A_299 = vector.shape_cast %broadcast_in_dim3A_298 : vector<16x1xi32> to vector<16xi32>
      %gather3A_300 = tpu.dynamic_gather %add3A_205[%gather3A_299] in [0] : vector<16xf32>, vector<16xi32> -> vector<16xf32>
      %get3A_301 = arith.constant 208 : index
      %get3A_302 = tpu.vector_load %arg4[%get3A_301] {strides = array<i32>} : memref<1984xf32, #tpu.memory_space<vmem>>, vector<16xf32>,
      %get3A_303 = vector.shape_cast %get3A_302 : vector<16xf32> to vector<16xf32>
      %mul3A_304 = arith.mulf %gather3A_300, %get3A_303 : vector<16xf32>
      %add3A_305 = arith.addf %add3A_291, %mul3A_304 : vector<16xf32>
      %get3A_306 = arith.constant 224 : index
      %get3A_307 = tpu.vector_load %arg4[%get3A_306] {strides = array<i32>} : memref<1984xf32, #tpu.memory_space<vmem>>, vector<16xf32>,
      %get3A_308 = vector.shape_cast %get3A_307 : vector<16xf32> to vector<16xf32>
      %mul3A_309 = arith.mulf %gather3A_300, %get3A_308 : vector<16xf32>
      %add3A_310 = arith.addf %add3A_296, %mul3A_309 : vector<16xf32>
      %broadcast_in_dim3A_311 = arith.constant 5 : i32
      %broadcast_in_dim3A_312 = vector.broadcast %broadcast_in_dim3A_311 : i32 to vector<16x1xi32>
      %gather3A_313 = vector.shape_cast %broadcast_in_dim3A_312 : vector<16x1xi32> to vector<16xi32>
      %gather3A_314 = tpu.dynamic_gather %add3A_205[%gather3A_313] in [0] : vector<16xf32>, vector<16xi32> -> vector<16xf32>
      %get3A_315 = arith.constant 240 : index
      %get3A_316 = tpu.vector_load %arg4[%get3A_315] {strides = array<i32>} : memref<1984xf32, #tpu.memory_space<vmem>>, vector<16xf32>,
      %get3A_317 = vector.shape_cast %get3A_316 : vector<16xf32> to vector<16xf32>
      %mul3A_318 = arith.mulf %gather3A_314, %get3A_317 : vector<16xf32>
      %add3A_319 = arith.addf %add3A_305, %mul3A_318 : vector<16xf32>
      %get3A_320 = arith.constant 256 : index
      %get3A_321 = tpu.vector_load %arg4[%get3A_320] {strides = array<i32>} : memref<1984xf32, #tpu.memory_space<vmem>>, vector<16xf32>,
      %get3A_322 = vector.shape_cast %get3A_321 : vector<16xf32> to vector<16xf32>
      %mul3A_323 = arith.mulf %gather3A_314, %get3A_322 : vector<16xf32>
      %add3A_324 = arith.addf %add3A_310, %mul3A_323 : vector<16xf32>
      %broadcast_in_dim3A_325 = arith.constant 6 : i32
      %broadcast_in_dim3A_326 = vector.broadcast %broadcast_in_dim3A_325 : i32 to vector<16x1xi32>
      %gather3A_327 = vector.shape_cast %broadcast_in_dim3A_326 : vector<16x1xi32> to vector<16xi32>
      %gather3A_328 = tpu.dynamic_gather %add3A_205[%gather3A_327] in [0] : vector<16xf32>, vector<16xi32> -> vector<16xf32>
      %get3A_329 = arith.constant 272 : index
      %get3A_330 = tpu.vector_load %arg4[%get3A_329] {strides = array<i32>} : memref<1984xf32, #tpu.memory_space<vmem>>, vector<16xf32>,
      %get3A_331 = vector.shape_cast %get3A_330 : vector<16xf32> to vector<16xf32>
      %mul3A_332 = arith.mulf %gather3A_328, %get3A_331 : vector<16xf32>
      %add3A_333 = arith.addf %add3A_319, %mul3A_332 : vector<16xf32>
      %get3A_334 = arith.constant 288 : index
      %get3A_335 = tpu.vector_load %arg4[%get3A_334] {strides = array<i32>} : memref<1984xf32, #tpu.memory_space<vmem>>, vector<16xf32>,
      %get3A_336 = vector.shape_cast %get3A_335 : vector<16xf32> to vector<16xf32>
      %mul3A_337 = arith.mulf %gather3A_328, %get3A_336 : vector<16xf32>
      %add3A_338 = arith.addf %add3A_324, %mul3A_337 : vector<16xf32>
      %broadcast_in_dim3A_339 = arith.constant 7 : i32
      %broadcast_in_dim3A_340 = vector.broadcast %broadcast_in_dim3A_339 : i32 to vector<16x1xi32>
      %gather3A_341 = vector.shape_cast %broadcast_in_dim3A_340 : vector<16x1xi32> to vector<16xi32>
      %gather3A_342 = tpu.dynamic_gather %add3A_205[%gather3A_341] in [0] : vector<16xf32>, vector<16xi32> -> vector<16xf32>
      %get3A_343 = arith.constant 304 : index
      %get3A_344 = tpu.vector_load %arg4[%get3A_343] {strides = array<i32>} : memref<1984xf32, #tpu.memory_space<vmem>>, vector<16xf32>,
      %get3A_345 = vector.shape_cast %get3A_344 : vector<16xf32> to vector<16xf32>
      %mul3A_346 = arith.mulf %gather3A_342, %get3A_345 : vector<16xf32>
      %add3A_347 = arith.addf %add3A_333, %mul3A_346 : vector<16xf32>
      %get3A_348 = arith.constant 320 : index
      %get3A_349 = tpu.vector_load %arg4[%get3A_348] {strides = array<i32>} : memref<1984xf32, #tpu.memory_space<vmem>>, vector<16xf32>,
      %get3A_350 = vector.shape_cast %get3A_349 : vector<16xf32> to vector<16xf32>
      %mul3A_351 = arith.mulf %gather3A_342, %get3A_350 : vector<16xf32>
      %add3A_352 = arith.addf %add3A_338, %mul3A_351 : vector<16xf32>
      %get3A_353 = arith.constant 1872 : index
      %get3A_354 = tpu.vector_load %arg4[%get3A_353] {strides = array<i32>} : memref<1984xf32, #tpu.memory_space<vmem>>, vector<16xf32>,
      %get3A_355 = vector.shape_cast %get3A_354 : vector<16xf32> to vector<16xf32>
      %get3A_356 = arith.constant 1888 : index
      %get3A_357 = tpu.vector_load %arg4[%get3A_356] {strides = array<i32>} : memref<1984xf32, #tpu.memory_space<vmem>>, vector<16xf32>,
      %get3A_358 = vector.shape_cast %get3A_357 : vector<16xf32> to vector<16xf32>
      %get3A_359 = arith.constant 1904 : index
      %get3A_360 = tpu.vector_load %arg4[%get3A_359] {strides = array<i32>} : memref<1984xf32, #tpu.memory_space<vmem>>, vector<16xf32>,
      %get3A_361 = vector.shape_cast %get3A_360 : vector<16xf32> to vector<16xf32>
      %get3A_362 = arith.constant 1920 : index
      %get3A_363 = tpu.vector_load %arg4[%get3A_362] {strides = array<i32>} : memref<1984xf32, #tpu.memory_space<vmem>>, vector<16xf32>,
      %get3A_364 = vector.shape_cast %get3A_363 : vector<16xf32> to vector<16xf32>
      %scan3A = arith.constant 0 : i32
      %scan3A_365 = arith.constant 8 : i32
      %scan3A_366 = arith.addi %scan3A, %scan3A_365 : i32
      %scan3A_367 = arith.constant 1 : i32
      %scan3A_368:16 = scf.for %scan3A_2035 = %scan3A to %scan3A_366 step %scan3A_367 iter_args(%scan3A_2036 = %add3A_347, %scan3A_2037 = %add3A_347, %scan3A_2038 = %add3A_347, %scan3A_2039 = %add3A_347, %scan3A_2040 = %add3A_347, %scan3A_2041 = %add3A_347, %scan3A_2042 = %add3A_347, %scan3A_2043 = %add3A_347, %scan3A_2044 = %add3A_352, %scan3A_2045 = %add3A_352, %scan3A_2046 = %add3A_352, %scan3A_2047 = %add3A_352, %scan3A_2048 = %add3A_352, %scan3A_2049 = %add3A_352, %scan3A_2050 = %add3A_352, %scan3A_2051 = %add3A_352) -> (vector<16xf32>, vector<16xf32>, vector<16xf32>, vector<16xf32>, vector<16xf32>, vector<16xf32>, vector<16xf32>, vector<16xf32>, vector<16xf32>, vector<16xf32>, vector<16xf32>, vector<16xf32>, vector<16xf32>, vector<16xf32>, vector<16xf32>, vector<16xf32>)  : i32 {
        %mul3A_2052 = arith.constant 32 : i32
        %mul3A_2053 = arith.muli %mul3A_2052, %scan3A_2035 : i32
        %add3A_2054 = arith.constant 336 : i32
        %add3A_2055 = arith.addi %add3A_2054, %mul3A_2053 : i32
        %get3A_2056 = arith.index_cast %add3A_2055 : i32 to index
        %get3A_2057 = tpu.vector_load %arg4[%get3A_2056] {strides = array<i32>} : memref<1984xf32, #tpu.memory_space<vmem>>, vector<16xf32>,
        %get3A_2058 = vector.shape_cast %get3A_2057 : vector<16xf32> to vector<16xf32>
        %mul3A_2059 = arith.constant 32 : i32
        %mul3A_2060 = arith.muli %mul3A_2059, %scan3A_2035 : i32
        %add3A_2061 = arith.constant 336 : i32
        %add3A_2062 = arith.addi %add3A_2061, %mul3A_2060 : i32
        %add3A_2063 = arith.constant 16 : i32
        %add3A_2064 = arith.addi %add3A_2062, %add3A_2063 : i32
        %get3A_2065 = arith.index_cast %add3A_2064 : i32 to index
        %get3A_2066 = tpu.vector_load %arg4[%get3A_2065] {strides = array<i32>} : memref<1984xf32, #tpu.memory_space<vmem>>, vector<16xf32>,
        %get3A_2067 = vector.shape_cast %get3A_2066 : vector<16xf32> to vector<16xf32>
        %broadcast_in_dim3A_2068 = vector.broadcast %scan3A_2035 : i32 to vector<16x1xi32>
        %gather3A_2069 = vector.shape_cast %broadcast_in_dim3A_2068 : vector<16x1xi32> to vector<16xi32>
        %gather3A_2070 = tpu.dynamic_gather %mul3A_208[%gather3A_2069] in [0] : vector<16xf32>, vector<16xi32> -> vector<16xf32>
        %mul3A_2071 = arith.mulf %gather3A_2070, %get3A_2058 : vector<16xf32>
        %add3A_2072 = arith.addf %scan3A_2036, %mul3A_2071 : vector<16xf32>
        %broadcast_in_dim3A_2073 = vector.broadcast %scan3A_2035 : i32 to vector<16x1xi32>
        %gather3A_2074 = vector.shape_cast %broadcast_in_dim3A_2073 : vector<16x1xi32> to vector<16xi32>
        %gather3A_2075 = tpu.dynamic_gather %mul3A_211[%gather3A_2074] in [0] : vector<16xf32>, vector<16xi32> -> vector<16xf32>
        %mul3A_2076 = arith.mulf %gather3A_2075, %get3A_2058 : vector<16xf32>
        %add3A_2077 = arith.addf %scan3A_2037, %mul3A_2076 : vector<16xf32>
        %broadcast_in_dim3A_2078 = vector.broadcast %scan3A_2035 : i32 to vector<16x1xi32>
        %gather3A_2079 = vector.shape_cast %broadcast_in_dim3A_2078 : vector<16x1xi32> to vector<16xi32>
        %gather3A_2080 = tpu.dynamic_gather %mul3A_214[%gather3A_2079] in [0] : vector<16xf32>, vector<16xi32> -> vector<16xf32>
        %mul3A_2081 = arith.mulf %gather3A_2080, %get3A_2058 : vector<16xf32>
        %add3A_2082 = arith.addf %scan3A_2038, %mul3A_2081 : vector<16xf32>
        %broadcast_in_dim3A_2083 = vector.broadcast %scan3A_2035 : i32 to vector<16x1xi32>
        %gather3A_2084 = vector.shape_cast %broadcast_in_dim3A_2083 : vector<16x1xi32> to vector<16xi32>
        %gather3A_2085 = tpu.dynamic_gather %mul3A_217[%gather3A_2084] in [0] : vector<16xf32>, vector<16xi32> -> vector<16xf32>
        %mul3A_2086 = arith.mulf %gather3A_2085, %get3A_2058 : vector<16xf32>
        %add3A_2087 = arith.addf %scan3A_2039, %mul3A_2086 : vector<16xf32>
        %broadcast_in_dim3A_2088 = vector.broadcast %scan3A_2035 : i32 to vector<16x1xi32>
        %gather3A_2089 = vector.shape_cast %broadcast_in_dim3A_2088 : vector<16x1xi32> to vector<16xi32>
        %gather3A_2090 = tpu.dynamic_gather %mul3A_220[%gather3A_2089] in [0] : vector<16xf32>, vector<16xi32> -> vector<16xf32>
        %mul3A_2091 = arith.mulf %gather3A_2090, %get3A_2058 : vector<16xf32>
        %add3A_2092 = arith.addf %scan3A_2040, %mul3A_2091 : vector<16xf32>
        %broadcast_in_dim3A_2093 = vector.broadcast %scan3A_2035 : i32 to vector<16x1xi32>
        %gather3A_2094 = vector.shape_cast %broadcast_in_dim3A_2093 : vector<16x1xi32> to vector<16xi32>
        %gather3A_2095 = tpu.dynamic_gather %mul3A_223[%gather3A_2094] in [0] : vector<16xf32>, vector<16xi32> -> vector<16xf32>
        %mul3A_2096 = arith.mulf %gather3A_2095, %get3A_2058 : vector<16xf32>
        %add3A_2097 = arith.addf %scan3A_2041, %mul3A_2096 : vector<16xf32>
        %broadcast_in_dim3A_2098 = vector.broadcast %scan3A_2035 : i32 to vector<16x1xi32>
        %gather3A_2099 = vector.shape_cast %broadcast_in_dim3A_2098 : vector<16x1xi32> to vector<16xi32>
        %gather3A_2100 = tpu.dynamic_gather %mul3A_226[%gather3A_2099] in [0] : vector<16xf32>, vector<16xi32> -> vector<16xf32>
        %mul3A_2101 = arith.mulf %gather3A_2100, %get3A_2058 : vector<16xf32>
        %add3A_2102 = arith.addf %scan3A_2042, %mul3A_2101 : vector<16xf32>
        %broadcast_in_dim3A_2103 = vector.broadcast %scan3A_2035 : i32 to vector<16x1xi32>
        %gather3A_2104 = vector.shape_cast %broadcast_in_dim3A_2103 : vector<16x1xi32> to vector<16xi32>
        %gather3A_2105 = tpu.dynamic_gather %mul3A_229[%gather3A_2104] in [0] : vector<16xf32>, vector<16xi32> -> vector<16xf32>
        %mul3A_2106 = arith.mulf %gather3A_2105, %get3A_2058 : vector<16xf32>
        %add3A_2107 = arith.addf %scan3A_2043, %mul3A_2106 : vector<16xf32>
        %broadcast_in_dim3A_2108 = vector.broadcast %scan3A_2035 : i32 to vector<16x1xi32>
        %gather3A_2109 = vector.shape_cast %broadcast_in_dim3A_2108 : vector<16x1xi32> to vector<16xi32>
        %gather3A_2110 = tpu.dynamic_gather %mul3A_208[%gather3A_2109] in [0] : vector<16xf32>, vector<16xi32> -> vector<16xf32>
        %mul3A_2111 = arith.mulf %gather3A_2110, %get3A_2067 : vector<16xf32>
        %add3A_2112 = arith.addf %scan3A_2044, %mul3A_2111 : vector<16xf32>
        %broadcast_in_dim3A_2113 = vector.broadcast %scan3A_2035 : i32 to vector<16x1xi32>
        %gather3A_2114 = vector.shape_cast %broadcast_in_dim3A_2113 : vector<16x1xi32> to vector<16xi32>
        %gather3A_2115 = tpu.dynamic_gather %mul3A_211[%gather3A_2114] in [0] : vector<16xf32>, vector<16xi32> -> vector<16xf32>
        %mul3A_2116 = arith.mulf %gather3A_2115, %get3A_2067 : vector<16xf32>
        %add3A_2117 = arith.addf %scan3A_2045, %mul3A_2116 : vector<16xf32>
        %broadcast_in_dim3A_2118 = vector.broadcast %scan3A_2035 : i32 to vector<16x1xi32>
        %gather3A_2119 = vector.shape_cast %broadcast_in_dim3A_2118 : vector<16x1xi32> to vector<16xi32>
        %gather3A_2120 = tpu.dynamic_gather %mul3A_214[%gather3A_2119] in [0] : vector<16xf32>, vector<16xi32> -> vector<16xf32>
        %mul3A_2121 = arith.mulf %gather3A_2120, %get3A_2067 : vector<16xf32>
        %add3A_2122 = arith.addf %scan3A_2046, %mul3A_2121 : vector<16xf32>
        %broadcast_in_dim3A_2123 = vector.broadcast %scan3A_2035 : i32 to vector<16x1xi32>
        %gather3A_2124 = vector.shape_cast %broadcast_in_dim3A_2123 : vector<16x1xi32> to vector<16xi32>
        %gather3A_2125 = tpu.dynamic_gather %mul3A_217[%gather3A_2124] in [0] : vector<16xf32>, vector<16xi32> -> vector<16xf32>
        %mul3A_2126 = arith.mulf %gather3A_2125, %get3A_2067 : vector<16xf32>
        %add3A_2127 = arith.addf %scan3A_2047, %mul3A_2126 : vector<16xf32>
        %broadcast_in_dim3A_2128 = vector.broadcast %scan3A_2035 : i32 to vector<16x1xi32>
        %gather3A_2129 = vector.shape_cast %broadcast_in_dim3A_2128 : vector<16x1xi32> to vector<16xi32>
        %gather3A_2130 = tpu.dynamic_gather %mul3A_220[%gather3A_2129] in [0] : vector<16xf32>, vector<16xi32> -> vector<16xf32>
        %mul3A_2131 = arith.mulf %gather3A_2130, %get3A_2067 : vector<16xf32>
        %add3A_2132 = arith.addf %scan3A_2048, %mul3A_2131 : vector<16xf32>
        %broadcast_in_dim3A_2133 = vector.broadcast %scan3A_2035 : i32 to vector<16x1xi32>
        %gather3A_2134 = vector.shape_cast %broadcast_in_dim3A_2133 : vector<16x1xi32> to vector<16xi32>
        %gather3A_2135 = tpu.dynamic_gather %mul3A_223[%gather3A_2134] in [0] : vector<16xf32>, vector<16xi32> -> vector<16xf32>
        %mul3A_2136 = arith.mulf %gather3A_2135, %get3A_2067 : vector<16xf32>
        %add3A_2137 = arith.addf %scan3A_2049, %mul3A_2136 : vector<16xf32>
        %broadcast_in_dim3A_2138 = vector.broadcast %scan3A_2035 : i32 to vector<16x1xi32>
        %gather3A_2139 = vector.shape_cast %broadcast_in_dim3A_2138 : vector<16x1xi32> to vector<16xi32>
        %gather3A_2140 = tpu.dynamic_gather %mul3A_226[%gather3A_2139] in [0] : vector<16xf32>, vector<16xi32> -> vector<16xf32>
        %mul3A_2141 = arith.mulf %gather3A_2140, %get3A_2067 : vector<16xf32>
        %add3A_2142 = arith.addf %scan3A_2050, %mul3A_2141 : vector<16xf32>
        %broadcast_in_dim3A_2143 = vector.broadcast %scan3A_2035 : i32 to vector<16x1xi32>
        %gather3A_2144 = vector.shape_cast %broadcast_in_dim3A_2143 : vector<16x1xi32> to vector<16xi32>
        %gather3A_2145 = tpu.dynamic_gather %mul3A_229[%gather3A_2144] in [0] : vector<16xf32>, vector<16xi32> -> vector<16xf32>
        %mul3A_2146 = arith.mulf %gather3A_2145, %get3A_2067 : vector<16xf32>
        %add3A_2147 = arith.addf %scan3A_2051, %mul3A_2146 : vector<16xf32>
        scf.yield %add3A_2072, %add3A_2077, %add3A_2082, %add3A_2087, %add3A_2092, %add3A_2097, %add3A_2102, %add3A_2107, %add3A_2112, %add3A_2117, %add3A_2122, %add3A_2127, %add3A_2132, %add3A_2137, %add3A_2142, %add3A_2147 : vector<16xf32>, vector<16xf32>, vector<16xf32>, vector<16xf32>, vector<16xf32>, vector<16xf32>, vector<16xf32>, vector<16xf32>, vector<16xf32>, vector<16xf32>, vector<16xf32>, vector<16xf32>, vector<16xf32>, vector<16xf32>, vector<16xf32>, vector<16xf32>
      }
      %scan3A_369 = arith.constant 8 : i32
      %bitcast_convert_type3A_370 = tpu.bitcast %scan3A_368#0 : vector<16xf32> -> vector<16xi32>
      %add3A_371 = arith.constant 32767 : i32
      %add3A_372 = vector.broadcast %add3A_371 : i32 to vector<16xi32>
      %add3A_373 = arith.addi %bitcast_convert_type3A_370, %add3A_372 : vector<16xi32>
      %shift_right_arithmetic3A_374 = arith.constant 16 : i32
      %shift_right_arithmetic3A_375 = vector.broadcast %shift_right_arithmetic3A_374 : i32 to vector<16xi32>
      %shift_right_arithmetic3A_376 = arith.shrsi %bitcast_convert_type3A_370, %shift_right_arithmetic3A_375 : vector<16xi32>
      %and3A_377 = arith.constant 1 : i32
      %and3A_378 = vector.broadcast %and3A_377 : i32 to vector<16xi32>
      %and3A_379 = arith.andi %shift_right_arithmetic3A_376, %and3A_378 : vector<16xi32>
      %add3A_380 = arith.addi %add3A_373, %and3A_379 : vector<16xi32>
      %and3A_381 = arith.constant -65536 : i32
      %and3A_382 = vector.broadcast %and3A_381 : i32 to vector<16xi32>
      %and3A_383 = arith.andi %add3A_380, %and3A_382 : vector<16xi32>
      %bitcast_convert_type3A_384 = tpu.bitcast %and3A_383 : vector<16xi32> -> vector<16xf32>
      %bitcast_convert_type3A_385 = tpu.bitcast %scan3A_368#1 : vector<16xf32> -> vector<16xi32>
      %add3A_386 = arith.constant 32767 : i32
      %add3A_387 = vector.broadcast %add3A_386 : i32 to vector<16xi32>
      %add3A_388 = arith.addi %bitcast_convert_type3A_385, %add3A_387 : vector<16xi32>
      %shift_right_arithmetic3A_389 = arith.constant 16 : i32
      %shift_right_arithmetic3A_390 = vector.broadcast %shift_right_arithmetic3A_389 : i32 to vector<16xi32>
      %shift_right_arithmetic3A_391 = arith.shrsi %bitcast_convert_type3A_385, %shift_right_arithmetic3A_390 : vector<16xi32>
      %and3A_392 = arith.constant 1 : i32
      %and3A_393 = vector.broadcast %and3A_392 : i32 to vector<16xi32>
      %and3A_394 = arith.andi %shift_right_arithmetic3A_391, %and3A_393 : vector<16xi32>
      %add3A_395 = arith.addi %add3A_388, %and3A_394 : vector<16xi32>
      %and3A_396 = arith.constant -65536 : i32
      %and3A_397 = vector.broadcast %and3A_396 : i32 to vector<16xi32>
      %and3A_398 = arith.andi %add3A_395, %and3A_397 : vector<16xi32>
      %bitcast_convert_type3A_399 = tpu.bitcast %and3A_398 : vector<16xi32> -> vector<16xf32>
      %bitcast_convert_type3A_400 = tpu.bitcast %scan3A_368#2 : vector<16xf32> -> vector<16xi32>
      %add3A_401 = arith.constant 32767 : i32
      %add3A_402 = vector.broadcast %add3A_401 : i32 to vector<16xi32>
      %add3A_403 = arith.addi %bitcast_convert_type3A_400, %add3A_402 : vector<16xi32>
      %shift_right_arithmetic3A_404 = arith.constant 16 : i32
      %shift_right_arithmetic3A_405 = vector.broadcast %shift_right_arithmetic3A_404 : i32 to vector<16xi32>
      %shift_right_arithmetic3A_406 = arith.shrsi %bitcast_convert_type3A_400, %shift_right_arithmetic3A_405 : vector<16xi32>
      %and3A_407 = arith.constant 1 : i32
      %and3A_408 = vector.broadcast %and3A_407 : i32 to vector<16xi32>
      %and3A_409 = arith.andi %shift_right_arithmetic3A_406, %and3A_408 : vector<16xi32>
      %add3A_410 = arith.addi %add3A_403, %and3A_409 : vector<16xi32>
      %and3A_411 = arith.constant -65536 : i32
      %and3A_412 = vector.broadcast %and3A_411 : i32 to vector<16xi32>
      %and3A_413 = arith.andi %add3A_410, %and3A_412 : vector<16xi32>
      %bitcast_convert_type3A_414 = tpu.bitcast %and3A_413 : vector<16xi32> -> vector<16xf32>
      %bitcast_convert_type3A_415 = tpu.bitcast %scan3A_368#3 : vector<16xf32> -> vector<16xi32>
      %add3A_416 = arith.constant 32767 : i32
      %add3A_417 = vector.broadcast %add3A_416 : i32 to vector<16xi32>
      %add3A_418 = arith.addi %bitcast_convert_type3A_415, %add3A_417 : vector<16xi32>
      %shift_right_arithmetic3A_419 = arith.constant 16 : i32
      %shift_right_arithmetic3A_420 = vector.broadcast %shift_right_arithmetic3A_419 : i32 to vector<16xi32>
      %shift_right_arithmetic3A_421 = arith.shrsi %bitcast_convert_type3A_415, %shift_right_arithmetic3A_420 : vector<16xi32>
      %and3A_422 = arith.constant 1 : i32
      %and3A_423 = vector.broadcast %and3A_422 : i32 to vector<16xi32>
      %and3A_424 = arith.andi %shift_right_arithmetic3A_421, %and3A_423 : vector<16xi32>
      %add3A_425 = arith.addi %add3A_418, %and3A_424 : vector<16xi32>
      %and3A_426 = arith.constant -65536 : i32
      %and3A_427 = vector.broadcast %and3A_426 : i32 to vector<16xi32>
      %and3A_428 = arith.andi %add3A_425, %and3A_427 : vector<16xi32>
      %bitcast_convert_type3A_429 = tpu.bitcast %and3A_428 : vector<16xi32> -> vector<16xf32>
      %bitcast_convert_type3A_430 = tpu.bitcast %scan3A_368#4 : vector<16xf32> -> vector<16xi32>
      %add3A_431 = arith.constant 32767 : i32
      %add3A_432 = vector.broadcast %add3A_431 : i32 to vector<16xi32>
      %add3A_433 = arith.addi %bitcast_convert_type3A_430, %add3A_432 : vector<16xi32>
      %shift_right_arithmetic3A_434 = arith.constant 16 : i32
      %shift_right_arithmetic3A_435 = vector.broadcast %shift_right_arithmetic3A_434 : i32 to vector<16xi32>
      %shift_right_arithmetic3A_436 = arith.shrsi %bitcast_convert_type3A_430, %shift_right_arithmetic3A_435 : vector<16xi32>
      %and3A_437 = arith.constant 1 : i32
      %and3A_438 = vector.broadcast %and3A_437 : i32 to vector<16xi32>
      %and3A_439 = arith.andi %shift_right_arithmetic3A_436, %and3A_438 : vector<16xi32>
      %add3A_440 = arith.addi %add3A_433, %and3A_439 : vector<16xi32>
      %and3A_441 = arith.constant -65536 : i32
      %and3A_442 = vector.broadcast %and3A_441 : i32 to vector<16xi32>
      %and3A_443 = arith.andi %add3A_440, %and3A_442 : vector<16xi32>
      %bitcast_convert_type3A_444 = tpu.bitcast %and3A_443 : vector<16xi32> -> vector<16xf32>
      %bitcast_convert_type3A_445 = tpu.bitcast %scan3A_368#5 : vector<16xf32> -> vector<16xi32>
      %add3A_446 = arith.constant 32767 : i32
      %add3A_447 = vector.broadcast %add3A_446 : i32 to vector<16xi32>
      %add3A_448 = arith.addi %bitcast_convert_type3A_445, %add3A_447 : vector<16xi32>
      %shift_right_arithmetic3A_449 = arith.constant 16 : i32
      %shift_right_arithmetic3A_450 = vector.broadcast %shift_right_arithmetic3A_449 : i32 to vector<16xi32>
      %shift_right_arithmetic3A_451 = arith.shrsi %bitcast_convert_type3A_445, %shift_right_arithmetic3A_450 : vector<16xi32>
      %and3A_452 = arith.constant 1 : i32
      %and3A_453 = vector.broadcast %and3A_452 : i32 to vector<16xi32>
      %and3A_454 = arith.andi %shift_right_arithmetic3A_451, %and3A_453 : vector<16xi32>
      %add3A_455 = arith.addi %add3A_448, %and3A_454 : vector<16xi32>
      %and3A_456 = arith.constant -65536 : i32
      %and3A_457 = vector.broadcast %and3A_456 : i32 to vector<16xi32>
      %and3A_458 = arith.andi %add3A_455, %and3A_457 : vector<16xi32>
      %bitcast_convert_type3A_459 = tpu.bitcast %and3A_458 : vector<16xi32> -> vector<16xf32>
      %bitcast_convert_type3A_460 = tpu.bitcast %scan3A_368#6 : vector<16xf32> -> vector<16xi32>
      %add3A_461 = arith.constant 32767 : i32
      %add3A_462 = vector.broadcast %add3A_461 : i32 to vector<16xi32>
      %add3A_463 = arith.addi %bitcast_convert_type3A_460, %add3A_462 : vector<16xi32>
      %shift_right_arithmetic3A_464 = arith.constant 16 : i32
      %shift_right_arithmetic3A_465 = vector.broadcast %shift_right_arithmetic3A_464 : i32 to vector<16xi32>
      %shift_right_arithmetic3A_466 = arith.shrsi %bitcast_convert_type3A_460, %shift_right_arithmetic3A_465 : vector<16xi32>
      %and3A_467 = arith.constant 1 : i32
      %and3A_468 = vector.broadcast %and3A_467 : i32 to vector<16xi32>
      %and3A_469 = arith.andi %shift_right_arithmetic3A_466, %and3A_468 : vector<16xi32>
      %add3A_470 = arith.addi %add3A_463, %and3A_469 : vector<16xi32>
      %and3A_471 = arith.constant -65536 : i32
      %and3A_472 = vector.broadcast %and3A_471 : i32 to vector<16xi32>
      %and3A_473 = arith.andi %add3A_470, %and3A_472 : vector<16xi32>
      %bitcast_convert_type3A_474 = tpu.bitcast %and3A_473 : vector<16xi32> -> vector<16xf32>
      %bitcast_convert_type3A_475 = tpu.bitcast %scan3A_368#7 : vector<16xf32> -> vector<16xi32>
      %add3A_476 = arith.constant 32767 : i32
      %add3A_477 = vector.broadcast %add3A_476 : i32 to vector<16xi32>
      %add3A_478 = arith.addi %bitcast_convert_type3A_475, %add3A_477 : vector<16xi32>
      %shift_right_arithmetic3A_479 = arith.constant 16 : i32
      %shift_right_arithmetic3A_480 = vector.broadcast %shift_right_arithmetic3A_479 : i32 to vector<16xi32>
      %shift_right_arithmetic3A_481 = arith.shrsi %bitcast_convert_type3A_475, %shift_right_arithmetic3A_480 : vector<16xi32>
      %and3A_482 = arith.constant 1 : i32
      %and3A_483 = vector.broadcast %and3A_482 : i32 to vector<16xi32>
      %and3A_484 = arith.andi %shift_right_arithmetic3A_481, %and3A_483 : vector<16xi32>
      %add3A_485 = arith.addi %add3A_478, %and3A_484 : vector<16xi32>
      %and3A_486 = arith.constant -65536 : i32
      %and3A_487 = vector.broadcast %and3A_486 : i32 to vector<16xi32>
      %and3A_488 = arith.andi %add3A_485, %and3A_487 : vector<16xi32>
      %bitcast_convert_type3A_489 = tpu.bitcast %and3A_488 : vector<16xi32> -> vector<16xf32>
      %bitcast_convert_type3A_490 = tpu.bitcast %scan3A_368#8 : vector<16xf32> -> vector<16xi32>
      %add3A_491 = arith.constant 32767 : i32
      %add3A_492 = vector.broadcast %add3A_491 : i32 to vector<16xi32>
      %add3A_493 = arith.addi %bitcast_convert_type3A_490, %add3A_492 : vector<16xi32>
      %shift_right_arithmetic3A_494 = arith.constant 16 : i32
      %shift_right_arithmetic3A_495 = vector.broadcast %shift_right_arithmetic3A_494 : i32 to vector<16xi32>
      %shift_right_arithmetic3A_496 = arith.shrsi %bitcast_convert_type3A_490, %shift_right_arithmetic3A_495 : vector<16xi32>
      %and3A_497 = arith.constant 1 : i32
      %and3A_498 = vector.broadcast %and3A_497 : i32 to vector<16xi32>
      %and3A_499 = arith.andi %shift_right_arithmetic3A_496, %and3A_498 : vector<16xi32>
      %add3A_500 = arith.addi %add3A_493, %and3A_499 : vector<16xi32>
      %and3A_501 = arith.constant -65536 : i32
      %and3A_502 = vector.broadcast %and3A_501 : i32 to vector<16xi32>
      %and3A_503 = arith.andi %add3A_500, %and3A_502 : vector<16xi32>
      %bitcast_convert_type3A_504 = tpu.bitcast %and3A_503 : vector<16xi32> -> vector<16xf32>
      %bitcast_convert_type3A_505 = tpu.bitcast %scan3A_368#9 : vector<16xf32> -> vector<16xi32>
      %add3A_506 = arith.constant 32767 : i32
      %add3A_507 = vector.broadcast %add3A_506 : i32 to vector<16xi32>
      %add3A_508 = arith.addi %bitcast_convert_type3A_505, %add3A_507 : vector<16xi32>
      %shift_right_arithmetic3A_509 = arith.constant 16 : i32
      %shift_right_arithmetic3A_510 = vector.broadcast %shift_right_arithmetic3A_509 : i32 to vector<16xi32>
      %shift_right_arithmetic3A_511 = arith.shrsi %bitcast_convert_type3A_505, %shift_right_arithmetic3A_510 : vector<16xi32>
      %and3A_512 = arith.constant 1 : i32
      %and3A_513 = vector.broadcast %and3A_512 : i32 to vector<16xi32>
      %and3A_514 = arith.andi %shift_right_arithmetic3A_511, %and3A_513 : vector<16xi32>
      %add3A_515 = arith.addi %add3A_508, %and3A_514 : vector<16xi32>
      %and3A_516 = arith.constant -65536 : i32
      %and3A_517 = vector.broadcast %and3A_516 : i32 to vector<16xi32>
      %and3A_518 = arith.andi %add3A_515, %and3A_517 : vector<16xi32>
      %bitcast_convert_type3A_519 = tpu.bitcast %and3A_518 : vector<16xi32> -> vector<16xf32>
      %bitcast_convert_type3A_520 = tpu.bitcast %scan3A_368#10 : vector<16xf32> -> vector<16xi32>
      %add3A_521 = arith.constant 32767 : i32
      %add3A_522 = vector.broadcast %add3A_521 : i32 to vector<16xi32>
      %add3A_523 = arith.addi %bitcast_convert_type3A_520, %add3A_522 : vector<16xi32>
      %shift_right_arithmetic3A_524 = arith.constant 16 : i32
      %shift_right_arithmetic3A_525 = vector.broadcast %shift_right_arithmetic3A_524 : i32 to vector<16xi32>
      %shift_right_arithmetic3A_526 = arith.shrsi %bitcast_convert_type3A_520, %shift_right_arithmetic3A_525 : vector<16xi32>
      %and3A_527 = arith.constant 1 : i32
      %and3A_528 = vector.broadcast %and3A_527 : i32 to vector<16xi32>
      %and3A_529 = arith.andi %shift_right_arithmetic3A_526, %and3A_528 : vector<16xi32>
      %add3A_530 = arith.addi %add3A_523, %and3A_529 : vector<16xi32>
      %and3A_531 = arith.constant -65536 : i32
      %and3A_532 = vector.broadcast %and3A_531 : i32 to vector<16xi32>
      %and3A_533 = arith.andi %add3A_530, %and3A_532 : vector<16xi32>
      %bitcast_convert_type3A_534 = tpu.bitcast %and3A_533 : vector<16xi32> -> vector<16xf32>
      %bitcast_convert_type3A_535 = tpu.bitcast %scan3A_368#11 : vector<16xf32> -> vector<16xi32>
      %add3A_536 = arith.constant 32767 : i32
      %add3A_537 = vector.broadcast %add3A_536 : i32 to vector<16xi32>
      %add3A_538 = arith.addi %bitcast_convert_type3A_535, %add3A_537 : vector<16xi32>
      %shift_right_arithmetic3A_539 = arith.constant 16 : i32
      %shift_right_arithmetic3A_540 = vector.broadcast %shift_right_arithmetic3A_539 : i32 to vector<16xi32>
      %shift_right_arithmetic3A_541 = arith.shrsi %bitcast_convert_type3A_535, %shift_right_arithmetic3A_540 : vector<16xi32>
      %and3A_542 = arith.constant 1 : i32
      %and3A_543 = vector.broadcast %and3A_542 : i32 to vector<16xi32>
      %and3A_544 = arith.andi %shift_right_arithmetic3A_541, %and3A_543 : vector<16xi32>
      %add3A_545 = arith.addi %add3A_538, %and3A_544 : vector<16xi32>
      %and3A_546 = arith.constant -65536 : i32
      %and3A_547 = vector.broadcast %and3A_546 : i32 to vector<16xi32>
      %and3A_548 = arith.andi %add3A_545, %and3A_547 : vector<16xi32>
      %bitcast_convert_type3A_549 = tpu.bitcast %and3A_548 : vector<16xi32> -> vector<16xf32>
      %bitcast_convert_type3A_550 = tpu.bitcast %scan3A_368#12 : vector<16xf32> -> vector<16xi32>
      %add3A_551 = arith.constant 32767 : i32
      %add3A_552 = vector.broadcast %add3A_551 : i32 to vector<16xi32>
      %add3A_553 = arith.addi %bitcast_convert_type3A_550, %add3A_552 : vector<16xi32>
      %shift_right_arithmetic3A_554 = arith.constant 16 : i32
      %shift_right_arithmetic3A_555 = vector.broadcast %shift_right_arithmetic3A_554 : i32 to vector<16xi32>
      %shift_right_arithmetic3A_556 = arith.shrsi %bitcast_convert_type3A_550, %shift_right_arithmetic3A_555 : vector<16xi32>
      %and3A_557 = arith.constant 1 : i32
      %and3A_558 = vector.broadcast %and3A_557 : i32 to vector<16xi32>
      %and3A_559 = arith.andi %shift_right_arithmetic3A_556, %and3A_558 : vector<16xi32>
      %add3A_560 = arith.addi %add3A_553, %and3A_559 : vector<16xi32>
      %and3A_561 = arith.constant -65536 : i32
      %and3A_562 = vector.broadcast %and3A_561 : i32 to vector<16xi32>
      %and3A_563 = arith.andi %add3A_560, %and3A_562 : vector<16xi32>
      %bitcast_convert_type3A_564 = tpu.bitcast %and3A_563 : vector<16xi32> -> vector<16xf32>
      %bitcast_convert_type3A_565 = tpu.bitcast %scan3A_368#13 : vector<16xf32> -> vector<16xi32>
      %add3A_566 = arith.constant 32767 : i32
      %add3A_567 = vector.broadcast %add3A_566 : i32 to vector<16xi32>
      %add3A_568 = arith.addi %bitcast_convert_type3A_565, %add3A_567 : vector<16xi32>
      %shift_right_arithmetic3A_569 = arith.constant 16 : i32
      %shift_right_arithmetic3A_570 = vector.broadcast %shift_right_arithmetic3A_569 : i32 to vector<16xi32>
      %shift_right_arithmetic3A_571 = arith.shrsi %bitcast_convert_type3A_565, %shift_right_arithmetic3A_570 : vector<16xi32>
      %and3A_572 = arith.constant 1 : i32
      %and3A_573 = vector.broadcast %and3A_572 : i32 to vector<16xi32>
      %and3A_574 = arith.andi %shift_right_arithmetic3A_571, %and3A_573 : vector<16xi32>
      %add3A_575 = arith.addi %add3A_568, %and3A_574 : vector<16xi32>
      %and3A_576 = arith.constant -65536 : i32
      %and3A_577 = vector.broadcast %and3A_576 : i32 to vector<16xi32>
      %and3A_578 = arith.andi %add3A_575, %and3A_577 : vector<16xi32>
      %bitcast_convert_type3A_579 = tpu.bitcast %and3A_578 : vector<16xi32> -> vector<16xf32>
      %bitcast_convert_type3A_580 = tpu.bitcast %scan3A_368#14 : vector<16xf32> -> vector<16xi32>
      %add3A_581 = arith.constant 32767 : i32
      %add3A_582 = vector.broadcast %add3A_581 : i32 to vector<16xi32>
      %add3A_583 = arith.addi %bitcast_convert_type3A_580, %add3A_582 : vector<16xi32>
      %shift_right_arithmetic3A_584 = arith.constant 16 : i32
      %shift_right_arithmetic3A_585 = vector.broadcast %shift_right_arithmetic3A_584 : i32 to vector<16xi32>
      %shift_right_arithmetic3A_586 = arith.shrsi %bitcast_convert_type3A_580, %shift_right_arithmetic3A_585 : vector<16xi32>
      %and3A_587 = arith.constant 1 : i32
      %and3A_588 = vector.broadcast %and3A_587 : i32 to vector<16xi32>
      %and3A_589 = arith.andi %shift_right_arithmetic3A_586, %and3A_588 : vector<16xi32>
      %add3A_590 = arith.addi %add3A_583, %and3A_589 : vector<16xi32>
      %and3A_591 = arith.constant -65536 : i32
      %and3A_592 = vector.broadcast %and3A_591 : i32 to vector<16xi32>
      %and3A_593 = arith.andi %add3A_590, %and3A_592 : vector<16xi32>
      %bitcast_convert_type3A_594 = tpu.bitcast %and3A_593 : vector<16xi32> -> vector<16xf32>
      %bitcast_convert_type3A_595 = tpu.bitcast %scan3A_368#15 : vector<16xf32> -> vector<16xi32>
      %add3A_596 = arith.constant 32767 : i32
      %add3A_597 = vector.broadcast %add3A_596 : i32 to vector<16xi32>
      %add3A_598 = arith.addi %bitcast_convert_type3A_595, %add3A_597 : vector<16xi32>
      %shift_right_arithmetic3A_599 = arith.constant 16 : i32
      %shift_right_arithmetic3A_600 = vector.broadcast %shift_right_arithmetic3A_599 : i32 to vector<16xi32>
      %shift_right_arithmetic3A_601 = arith.shrsi %bitcast_convert_type3A_595, %shift_right_arithmetic3A_600 : vector<16xi32>
      %and3A_602 = arith.constant 1 : i32
      %and3A_603 = vector.broadcast %and3A_602 : i32 to vector<16xi32>
      %and3A_604 = arith.andi %shift_right_arithmetic3A_601, %and3A_603 : vector<16xi32>
      %add3A_605 = arith.addi %add3A_598, %and3A_604 : vector<16xi32>
      %and3A_606 = arith.constant -65536 : i32
      %and3A_607 = vector.broadcast %and3A_606 : i32 to vector<16xi32>
      %and3A_608 = arith.andi %add3A_605, %and3A_607 : vector<16xi32>
      %bitcast_convert_type3A_609 = tpu.bitcast %and3A_608 : vector<16xi32> -> vector<16xf32>
      %scan3A_610 = arith.constant 0 : i32
      %scan3A_611 = arith.constant 16 : i32
      %scan3A_612 = arith.addi %scan3A_610, %scan3A_611 : i32
      %scan3A_613 = arith.constant 1 : i32
      %scan3A_614:16 = scf.for %scan3A_2035 = %scan3A_610 to %scan3A_612 step %scan3A_613 iter_args(%scan3A_2036 = %get3A_355, %scan3A_2037 = %get3A_355, %scan3A_2038 = %get3A_355, %scan3A_2039 = %get3A_355, %scan3A_2040 = %get3A_355, %scan3A_2041 = %get3A_355, %scan3A_2042 = %get3A_355, %scan3A_2043 = %get3A_355, %scan3A_2044 = %get3A_358, %scan3A_2045 = %get3A_358, %scan3A_2046 = %get3A_358, %scan3A_2047 = %get3A_358, %scan3A_2048 = %get3A_358, %scan3A_2049 = %get3A_358, %scan3A_2050 = %get3A_358, %scan3A_2051 = %get3A_358) -> (vector<16xf32>, vector<16xf32>, vector<16xf32>, vector<16xf32>, vector<16xf32>, vector<16xf32>, vector<16xf32>, vector<16xf32>, vector<16xf32>, vector<16xf32>, vector<16xf32>, vector<16xf32>, vector<16xf32>, vector<16xf32>, vector<16xf32>, vector<16xf32>)  : i32 {
        %mul3A_2052 = arith.constant 32 : i32
        %mul3A_2053 = arith.muli %mul3A_2052, %scan3A_2035 : i32
        %add3A_2054 = arith.constant 592 : i32
        %add3A_2055 = arith.addi %add3A_2054, %mul3A_2053 : i32
        %get3A_2056 = arith.index_cast %add3A_2055 : i32 to index
        %get3A_2057 = tpu.vector_load %arg4[%get3A_2056] {strides = array<i32>} : memref<1984xf32, #tpu.memory_space<vmem>>, vector<16xf32>,
        %get3A_2058 = vector.shape_cast %get3A_2057 : vector<16xf32> to vector<16xf32>
        %mul3A_2059 = arith.constant 32 : i32
        %mul3A_2060 = arith.muli %mul3A_2059, %scan3A_2035 : i32
        %add3A_2061 = arith.constant 592 : i32
        %add3A_2062 = arith.addi %add3A_2061, %mul3A_2060 : i32
        %add3A_2063 = arith.constant 16 : i32
        %add3A_2064 = arith.addi %add3A_2062, %add3A_2063 : i32
        %get3A_2065 = arith.index_cast %add3A_2064 : i32 to index
        %get3A_2066 = tpu.vector_load %arg4[%get3A_2065] {strides = array<i32>} : memref<1984xf32, #tpu.memory_space<vmem>>, vector<16xf32>,
        %get3A_2067 = vector.shape_cast %get3A_2066 : vector<16xf32> to vector<16xf32>
        %broadcast_in_dim3A_2068 = vector.broadcast %scan3A_2035 : i32 to vector<16x1xi32>
        %gather3A_2069 = vector.shape_cast %broadcast_in_dim3A_2068 : vector<16x1xi32> to vector<16xi32>
        %gather3A_2070 = tpu.dynamic_gather %bitcast_convert_type3A_384[%gather3A_2069] in [0] : vector<16xf32>, vector<16xi32> -> vector<16xf32>
        %mul3A_2071 = arith.mulf %gather3A_2070, %get3A_2058 : vector<16xf32>
        %add3A_2072 = arith.addf %scan3A_2036, %mul3A_2071 : vector<16xf32>
        %broadcast_in_dim3A_2073 = vector.broadcast %scan3A_2035 : i32 to vector<16x1xi32>
        %gather3A_2074 = vector.shape_cast %broadcast_in_dim3A_2073 : vector<16x1xi32> to vector<16xi32>
        %gather3A_2075 = tpu.dynamic_gather %bitcast_convert_type3A_399[%gather3A_2074] in [0] : vector<16xf32>, vector<16xi32> -> vector<16xf32>
        %mul3A_2076 = arith.mulf %gather3A_2075, %get3A_2058 : vector<16xf32>
        %add3A_2077 = arith.addf %scan3A_2037, %mul3A_2076 : vector<16xf32>
        %broadcast_in_dim3A_2078 = vector.broadcast %scan3A_2035 : i32 to vector<16x1xi32>
        %gather3A_2079 = vector.shape_cast %broadcast_in_dim3A_2078 : vector<16x1xi32> to vector<16xi32>
        %gather3A_2080 = tpu.dynamic_gather %bitcast_convert_type3A_414[%gather3A_2079] in [0] : vector<16xf32>, vector<16xi32> -> vector<16xf32>
        %mul3A_2081 = arith.mulf %gather3A_2080, %get3A_2058 : vector<16xf32>
        %add3A_2082 = arith.addf %scan3A_2038, %mul3A_2081 : vector<16xf32>
        %broadcast_in_dim3A_2083 = vector.broadcast %scan3A_2035 : i32 to vector<16x1xi32>
        %gather3A_2084 = vector.shape_cast %broadcast_in_dim3A_2083 : vector<16x1xi32> to vector<16xi32>
        %gather3A_2085 = tpu.dynamic_gather %bitcast_convert_type3A_429[%gather3A_2084] in [0] : vector<16xf32>, vector<16xi32> -> vector<16xf32>
        %mul3A_2086 = arith.mulf %gather3A_2085, %get3A_2058 : vector<16xf32>
        %add3A_2087 = arith.addf %scan3A_2039, %mul3A_2086 : vector<16xf32>
        %broadcast_in_dim3A_2088 = vector.broadcast %scan3A_2035 : i32 to vector<16x1xi32>
        %gather3A_2089 = vector.shape_cast %broadcast_in_dim3A_2088 : vector<16x1xi32> to vector<16xi32>
        %gather3A_2090 = tpu.dynamic_gather %bitcast_convert_type3A_444[%gather3A_2089] in [0] : vector<16xf32>, vector<16xi32> -> vector<16xf32>
        %mul3A_2091 = arith.mulf %gather3A_2090, %get3A_2058 : vector<16xf32>
        %add3A_2092 = arith.addf %scan3A_2040, %mul3A_2091 : vector<16xf32>
        %broadcast_in_dim3A_2093 = vector.broadcast %scan3A_2035 : i32 to vector<16x1xi32>
        %gather3A_2094 = vector.shape_cast %broadcast_in_dim3A_2093 : vector<16x1xi32> to vector<16xi32>
        %gather3A_2095 = tpu.dynamic_gather %bitcast_convert_type3A_459[%gather3A_2094] in [0] : vector<16xf32>, vector<16xi32> -> vector<16xf32>
        %mul3A_2096 = arith.mulf %gather3A_2095, %get3A_2058 : vector<16xf32>
        %add3A_2097 = arith.addf %scan3A_2041, %mul3A_2096 : vector<16xf32>
        %broadcast_in_dim3A_2098 = vector.broadcast %scan3A_2035 : i32 to vector<16x1xi32>
        %gather3A_2099 = vector.shape_cast %broadcast_in_dim3A_2098 : vector<16x1xi32> to vector<16xi32>
        %gather3A_2100 = tpu.dynamic_gather %bitcast_convert_type3A_474[%gather3A_2099] in [0] : vector<16xf32>, vector<16xi32> -> vector<16xf32>
        %mul3A_2101 = arith.mulf %gather3A_2100, %get3A_2058 : vector<16xf32>
        %add3A_2102 = arith.addf %scan3A_2042, %mul3A_2101 : vector<16xf32>
        %broadcast_in_dim3A_2103 = vector.broadcast %scan3A_2035 : i32 to vector<16x1xi32>
        %gather3A_2104 = vector.shape_cast %broadcast_in_dim3A_2103 : vector<16x1xi32> to vector<16xi32>
        %gather3A_2105 = tpu.dynamic_gather %bitcast_convert_type3A_489[%gather3A_2104] in [0] : vector<16xf32>, vector<16xi32> -> vector<16xf32>
        %mul3A_2106 = arith.mulf %gather3A_2105, %get3A_2058 : vector<16xf32>
        %add3A_2107 = arith.addf %scan3A_2043, %mul3A_2106 : vector<16xf32>
        %broadcast_in_dim3A_2108 = vector.broadcast %scan3A_2035 : i32 to vector<16x1xi32>
        %gather3A_2109 = vector.shape_cast %broadcast_in_dim3A_2108 : vector<16x1xi32> to vector<16xi32>
        %gather3A_2110 = tpu.dynamic_gather %bitcast_convert_type3A_384[%gather3A_2109] in [0] : vector<16xf32>, vector<16xi32> -> vector<16xf32>
        %mul3A_2111 = arith.mulf %gather3A_2110, %get3A_2067 : vector<16xf32>
        %add3A_2112 = arith.addf %scan3A_2044, %mul3A_2111 : vector<16xf32>
        %broadcast_in_dim3A_2113 = vector.broadcast %scan3A_2035 : i32 to vector<16x1xi32>
        %gather3A_2114 = vector.shape_cast %broadcast_in_dim3A_2113 : vector<16x1xi32> to vector<16xi32>
        %gather3A_2115 = tpu.dynamic_gather %bitcast_convert_type3A_399[%gather3A_2114] in [0] : vector<16xf32>, vector<16xi32> -> vector<16xf32>
        %mul3A_2116 = arith.mulf %gather3A_2115, %get3A_2067 : vector<16xf32>
        %add3A_2117 = arith.addf %scan3A_2045, %mul3A_2116 : vector<16xf32>
        %broadcast_in_dim3A_2118 = vector.broadcast %scan3A_2035 : i32 to vector<16x1xi32>
        %gather3A_2119 = vector.shape_cast %broadcast_in_dim3A_2118 : vector<16x1xi32> to vector<16xi32>
        %gather3A_2120 = tpu.dynamic_gather %bitcast_convert_type3A_414[%gather3A_2119] in [0] : vector<16xf32>, vector<16xi32> -> vector<16xf32>
        %mul3A_2121 = arith.mulf %gather3A_2120, %get3A_2067 : vector<16xf32>
        %add3A_2122 = arith.addf %scan3A_2046, %mul3A_2121 : vector<16xf32>
        %broadcast_in_dim3A_2123 = vector.broadcast %scan3A_2035 : i32 to vector<16x1xi32>
        %gather3A_2124 = vector.shape_cast %broadcast_in_dim3A_2123 : vector<16x1xi32> to vector<16xi32>
        %gather3A_2125 = tpu.dynamic_gather %bitcast_convert_type3A_429[%gather3A_2124] in [0] : vector<16xf32>, vector<16xi32> -> vector<16xf32>
        %mul3A_2126 = arith.mulf %gather3A_2125, %get3A_2067 : vector<16xf32>
        %add3A_2127 = arith.addf %scan3A_2047, %mul3A_2126 : vector<16xf32>
        %broadcast_in_dim3A_2128 = vector.broadcast %scan3A_2035 : i32 to vector<16x1xi32>
        %gather3A_2129 = vector.shape_cast %broadcast_in_dim3A_2128 : vector<16x1xi32> to vector<16xi32>
        %gather3A_2130 = tpu.dynamic_gather %bitcast_convert_type3A_444[%gather3A_2129] in [0] : vector<16xf32>, vector<16xi32> -> vector<16xf32>
        %mul3A_2131 = arith.mulf %gather3A_2130, %get3A_2067 : vector<16xf32>
        %add3A_2132 = arith.addf %scan3A_2048, %mul3A_2131 : vector<16xf32>
        %broadcast_in_dim3A_2133 = vector.broadcast %scan3A_2035 : i32 to vector<16x1xi32>
        %gather3A_2134 = vector.shape_cast %broadcast_in_dim3A_2133 : vector<16x1xi32> to vector<16xi32>
        %gather3A_2135 = tpu.dynamic_gather %bitcast_convert_type3A_459[%gather3A_2134] in [0] : vector<16xf32>, vector<16xi32> -> vector<16xf32>
        %mul3A_2136 = arith.mulf %gather3A_2135, %get3A_2067 : vector<16xf32>
        %add3A_2137 = arith.addf %scan3A_2049, %mul3A_2136 : vector<16xf32>
        %broadcast_in_dim3A_2138 = vector.broadcast %scan3A_2035 : i32 to vector<16x1xi32>
        %gather3A_2139 = vector.shape_cast %broadcast_in_dim3A_2138 : vector<16x1xi32> to vector<16xi32>
        %gather3A_2140 = tpu.dynamic_gather %bitcast_convert_type3A_474[%gather3A_2139] in [0] : vector<16xf32>, vector<16xi32> -> vector<16xf32>
        %mul3A_2141 = arith.mulf %gather3A_2140, %get3A_2067 : vector<16xf32>
        %add3A_2142 = arith.addf %scan3A_2050, %mul3A_2141 : vector<16xf32>
        %broadcast_in_dim3A_2143 = vector.broadcast %scan3A_2035 : i32 to vector<16x1xi32>
        %gather3A_2144 = vector.shape_cast %broadcast_in_dim3A_2143 : vector<16x1xi32> to vector<16xi32>
        %gather3A_2145 = tpu.dynamic_gather %bitcast_convert_type3A_489[%gather3A_2144] in [0] : vector<16xf32>, vector<16xi32> -> vector<16xf32>
        %mul3A_2146 = arith.mulf %gather3A_2145, %get3A_2067 : vector<16xf32>
        %add3A_2147 = arith.addf %scan3A_2051, %mul3A_2146 : vector<16xf32>
        scf.yield %add3A_2072, %add3A_2077, %add3A_2082, %add3A_2087, %add3A_2092, %add3A_2097, %add3A_2102, %add3A_2107, %add3A_2112, %add3A_2117, %add3A_2122, %add3A_2127, %add3A_2132, %add3A_2137, %add3A_2142, %add3A_2147 : vector<16xf32>, vector<16xf32>, vector<16xf32>, vector<16xf32>, vector<16xf32>, vector<16xf32>, vector<16xf32>, vector<16xf32>, vector<16xf32>, vector<16xf32>, vector<16xf32>, vector<16xf32>, vector<16xf32>, vector<16xf32>, vector<16xf32>, vector<16xf32>
      }
      %scan3A_615 = arith.constant 16 : i32
      %scan3A_616 = arith.constant 16 : i32
      %scan3A_617 = arith.constant 16 : i32
      %scan3A_618 = arith.addi %scan3A_616, %scan3A_617 : i32
      %scan3A_619 = arith.constant 1 : i32
      %scan3A_620:16 = scf.for %scan3A_2035 = %scan3A_616 to %scan3A_618 step %scan3A_619 iter_args(%scan3A_2036 = %scan3A_614#0, %scan3A_2037 = %scan3A_614#1, %scan3A_2038 = %scan3A_614#2, %scan3A_2039 = %scan3A_614#3, %scan3A_2040 = %scan3A_614#4, %scan3A_2041 = %scan3A_614#5, %scan3A_2042 = %scan3A_614#6, %scan3A_2043 = %scan3A_614#7, %scan3A_2044 = %scan3A_614#8, %scan3A_2045 = %scan3A_614#9, %scan3A_2046 = %scan3A_614#10, %scan3A_2047 = %scan3A_614#11, %scan3A_2048 = %scan3A_614#12, %scan3A_2049 = %scan3A_614#13, %scan3A_2050 = %scan3A_614#14, %scan3A_2051 = %scan3A_614#15) -> (vector<16xf32>, vector<16xf32>, vector<16xf32>, vector<16xf32>, vector<16xf32>, vector<16xf32>, vector<16xf32>, vector<16xf32>, vector<16xf32>, vector<16xf32>, vector<16xf32>, vector<16xf32>, vector<16xf32>, vector<16xf32>, vector<16xf32>, vector<16xf32>)  : i32 {
        %mul3A_2052 = arith.constant 32 : i32
        %mul3A_2053 = arith.muli %mul3A_2052, %scan3A_2035 : i32
        %add3A_2054 = arith.constant 592 : i32
        %add3A_2055 = arith.addi %add3A_2054, %mul3A_2053 : i32
        %get3A_2056 = arith.index_cast %add3A_2055 : i32 to index
        %get3A_2057 = tpu.vector_load %arg4[%get3A_2056] {strides = array<i32>} : memref<1984xf32, #tpu.memory_space<vmem>>, vector<16xf32>,
        %get3A_2058 = vector.shape_cast %get3A_2057 : vector<16xf32> to vector<16xf32>
        %mul3A_2059 = arith.constant 32 : i32
        %mul3A_2060 = arith.muli %mul3A_2059, %scan3A_2035 : i32
        %add3A_2061 = arith.constant 592 : i32
        %add3A_2062 = arith.addi %add3A_2061, %mul3A_2060 : i32
        %add3A_2063 = arith.constant 16 : i32
        %add3A_2064 = arith.addi %add3A_2062, %add3A_2063 : i32
        %get3A_2065 = arith.index_cast %add3A_2064 : i32 to index
        %get3A_2066 = tpu.vector_load %arg4[%get3A_2065] {strides = array<i32>} : memref<1984xf32, #tpu.memory_space<vmem>>, vector<16xf32>,
        %get3A_2067 = vector.shape_cast %get3A_2066 : vector<16xf32> to vector<16xf32>
        %sub3A_2068 = arith.constant 16 : i32
        %sub3A_2069 = arith.subi %scan3A_2035, %sub3A_2068 : i32
        %broadcast_in_dim3A_2070 = vector.broadcast %sub3A_2069 : i32 to vector<16x1xi32>
        %gather3A_2071 = vector.shape_cast %broadcast_in_dim3A_2070 : vector<16x1xi32> to vector<16xi32>
        %gather3A_2072 = tpu.dynamic_gather %bitcast_convert_type3A_504[%gather3A_2071] in [0] : vector<16xf32>, vector<16xi32> -> vector<16xf32>
        %mul3A_2073 = arith.mulf %gather3A_2072, %get3A_2058 : vector<16xf32>
        %add3A_2074 = arith.addf %scan3A_2036, %mul3A_2073 : vector<16xf32>
        %sub3A_2075 = arith.constant 16 : i32
        %sub3A_2076 = arith.subi %scan3A_2035, %sub3A_2075 : i32
        %broadcast_in_dim3A_2077 = vector.broadcast %sub3A_2076 : i32 to vector<16x1xi32>
        %gather3A_2078 = vector.shape_cast %broadcast_in_dim3A_2077 : vector<16x1xi32> to vector<16xi32>
        %gather3A_2079 = tpu.dynamic_gather %bitcast_convert_type3A_519[%gather3A_2078] in [0] : vector<16xf32>, vector<16xi32> -> vector<16xf32>
        %mul3A_2080 = arith.mulf %gather3A_2079, %get3A_2058 : vector<16xf32>
        %add3A_2081 = arith.addf %scan3A_2037, %mul3A_2080 : vector<16xf32>
        %sub3A_2082 = arith.constant 16 : i32
        %sub3A_2083 = arith.subi %scan3A_2035, %sub3A_2082 : i32
        %broadcast_in_dim3A_2084 = vector.broadcast %sub3A_2083 : i32 to vector<16x1xi32>
        %gather3A_2085 = vector.shape_cast %broadcast_in_dim3A_2084 : vector<16x1xi32> to vector<16xi32>
        %gather3A_2086 = tpu.dynamic_gather %bitcast_convert_type3A_534[%gather3A_2085] in [0] : vector<16xf32>, vector<16xi32> -> vector<16xf32>
        %mul3A_2087 = arith.mulf %gather3A_2086, %get3A_2058 : vector<16xf32>
        %add3A_2088 = arith.addf %scan3A_2038, %mul3A_2087 : vector<16xf32>
        %sub3A_2089 = arith.constant 16 : i32
        %sub3A_2090 = arith.subi %scan3A_2035, %sub3A_2089 : i32
        %broadcast_in_dim3A_2091 = vector.broadcast %sub3A_2090 : i32 to vector<16x1xi32>
        %gather3A_2092 = vector.shape_cast %broadcast_in_dim3A_2091 : vector<16x1xi32> to vector<16xi32>
        %gather3A_2093 = tpu.dynamic_gather %bitcast_convert_type3A_549[%gather3A_2092] in [0] : vector<16xf32>, vector<16xi32> -> vector<16xf32>
        %mul3A_2094 = arith.mulf %gather3A_2093, %get3A_2058 : vector<16xf32>
        %add3A_2095 = arith.addf %scan3A_2039, %mul3A_2094 : vector<16xf32>
        %sub3A_2096 = arith.constant 16 : i32
        %sub3A_2097 = arith.subi %scan3A_2035, %sub3A_2096 : i32
        %broadcast_in_dim3A_2098 = vector.broadcast %sub3A_2097 : i32 to vector<16x1xi32>
        %gather3A_2099 = vector.shape_cast %broadcast_in_dim3A_2098 : vector<16x1xi32> to vector<16xi32>
        %gather3A_2100 = tpu.dynamic_gather %bitcast_convert_type3A_564[%gather3A_2099] in [0] : vector<16xf32>, vector<16xi32> -> vector<16xf32>
        %mul3A_2101 = arith.mulf %gather3A_2100, %get3A_2058 : vector<16xf32>
        %add3A_2102 = arith.addf %scan3A_2040, %mul3A_2101 : vector<16xf32>
        %sub3A_2103 = arith.constant 16 : i32
        %sub3A_2104 = arith.subi %scan3A_2035, %sub3A_2103 : i32
        %broadcast_in_dim3A_2105 = vector.broadcast %sub3A_2104 : i32 to vector<16x1xi32>
        %gather3A_2106 = vector.shape_cast %broadcast_in_dim3A_2105 : vector<16x1xi32> to vector<16xi32>
        %gather3A_2107 = tpu.dynamic_gather %bitcast_convert_type3A_579[%gather3A_2106] in [0] : vector<16xf32>, vector<16xi32> -> vector<16xf32>
        %mul3A_2108 = arith.mulf %gather3A_2107, %get3A_2058 : vector<16xf32>
        %add3A_2109 = arith.addf %scan3A_2041, %mul3A_2108 : vector<16xf32>
        %sub3A_2110 = arith.constant 16 : i32
        %sub3A_2111 = arith.subi %scan3A_2035, %sub3A_2110 : i32
        %broadcast_in_dim3A_2112 = vector.broadcast %sub3A_2111 : i32 to vector<16x1xi32>
        %gather3A_2113 = vector.shape_cast %broadcast_in_dim3A_2112 : vector<16x1xi32> to vector<16xi32>
        %gather3A_2114 = tpu.dynamic_gather %bitcast_convert_type3A_594[%gather3A_2113] in [0] : vector<16xf32>, vector<16xi32> -> vector<16xf32>
        %mul3A_2115 = arith.mulf %gather3A_2114, %get3A_2058 : vector<16xf32>
        %add3A_2116 = arith.addf %scan3A_2042, %mul3A_2115 : vector<16xf32>
        %sub3A_2117 = arith.constant 16 : i32
        %sub3A_2118 = arith.subi %scan3A_2035, %sub3A_2117 : i32
        %broadcast_in_dim3A_2119 = vector.broadcast %sub3A_2118 : i32 to vector<16x1xi32>
        %gather3A_2120 = vector.shape_cast %broadcast_in_dim3A_2119 : vector<16x1xi32> to vector<16xi32>
        %gather3A_2121 = tpu.dynamic_gather %bitcast_convert_type3A_609[%gather3A_2120] in [0] : vector<16xf32>, vector<16xi32> -> vector<16xf32>
        %mul3A_2122 = arith.mulf %gather3A_2121, %get3A_2058 : vector<16xf32>
        %add3A_2123 = arith.addf %scan3A_2043, %mul3A_2122 : vector<16xf32>
        %sub3A_2124 = arith.constant 16 : i32
        %sub3A_2125 = arith.subi %scan3A_2035, %sub3A_2124 : i32
        %broadcast_in_dim3A_2126 = vector.broadcast %sub3A_2125 : i32 to vector<16x1xi32>
        %gather3A_2127 = vector.shape_cast %broadcast_in_dim3A_2126 : vector<16x1xi32> to vector<16xi32>
        %gather3A_2128 = tpu.dynamic_gather %bitcast_convert_type3A_504[%gather3A_2127] in [0] : vector<16xf32>, vector<16xi32> -> vector<16xf32>
        %mul3A_2129 = arith.mulf %gather3A_2128, %get3A_2067 : vector<16xf32>
        %add3A_2130 = arith.addf %scan3A_2044, %mul3A_2129 : vector<16xf32>
        %sub3A_2131 = arith.constant 16 : i32
        %sub3A_2132 = arith.subi %scan3A_2035, %sub3A_2131 : i32
        %broadcast_in_dim3A_2133 = vector.broadcast %sub3A_2132 : i32 to vector<16x1xi32>
        %gather3A_2134 = vector.shape_cast %broadcast_in_dim3A_2133 : vector<16x1xi32> to vector<16xi32>
        %gather3A_2135 = tpu.dynamic_gather %bitcast_convert_type3A_519[%gather3A_2134] in [0] : vector<16xf32>, vector<16xi32> -> vector<16xf32>
        %mul3A_2136 = arith.mulf %gather3A_2135, %get3A_2067 : vector<16xf32>
        %add3A_2137 = arith.addf %scan3A_2045, %mul3A_2136 : vector<16xf32>
        %sub3A_2138 = arith.constant 16 : i32
        %sub3A_2139 = arith.subi %scan3A_2035, %sub3A_2138 : i32
        %broadcast_in_dim3A_2140 = vector.broadcast %sub3A_2139 : i32 to vector<16x1xi32>
        %gather3A_2141 = vector.shape_cast %broadcast_in_dim3A_2140 : vector<16x1xi32> to vector<16xi32>
        %gather3A_2142 = tpu.dynamic_gather %bitcast_convert_type3A_534[%gather3A_2141] in [0] : vector<16xf32>, vector<16xi32> -> vector<16xf32>
        %mul3A_2143 = arith.mulf %gather3A_2142, %get3A_2067 : vector<16xf32>
        %add3A_2144 = arith.addf %scan3A_2046, %mul3A_2143 : vector<16xf32>
        %sub3A_2145 = arith.constant 16 : i32
        %sub3A_2146 = arith.subi %scan3A_2035, %sub3A_2145 : i32
        %broadcast_in_dim3A_2147 = vector.broadcast %sub3A_2146 : i32 to vector<16x1xi32>
        %gather3A_2148 = vector.shape_cast %broadcast_in_dim3A_2147 : vector<16x1xi32> to vector<16xi32>
        %gather3A_2149 = tpu.dynamic_gather %bitcast_convert_type3A_549[%gather3A_2148] in [0] : vector<16xf32>, vector<16xi32> -> vector<16xf32>
        %mul3A_2150 = arith.mulf %gather3A_2149, %get3A_2067 : vector<16xf32>
        %add3A_2151 = arith.addf %scan3A_2047, %mul3A_2150 : vector<16xf32>
        %sub3A_2152 = arith.constant 16 : i32
        %sub3A_2153 = arith.subi %scan3A_2035, %sub3A_2152 : i32
        %broadcast_in_dim3A_2154 = vector.broadcast %sub3A_2153 : i32 to vector<16x1xi32>
        %gather3A_2155 = vector.shape_cast %broadcast_in_dim3A_2154 : vector<16x1xi32> to vector<16xi32>
        %gather3A_2156 = tpu.dynamic_gather %bitcast_convert_type3A_564[%gather3A_2155] in [0] : vector<16xf32>, vector<16xi32> -> vector<16xf32>
        %mul3A_2157 = arith.mulf %gather3A_2156, %get3A_2067 : vector<16xf32>
        %add3A_2158 = arith.addf %scan3A_2048, %mul3A_2157 : vector<16xf32>
        %sub3A_2159 = arith.constant 16 : i32
        %sub3A_2160 = arith.subi %scan3A_2035, %sub3A_2159 : i32
        %broadcast_in_dim3A_2161 = vector.broadcast %sub3A_2160 : i32 to vector<16x1xi32>
        %gather3A_2162 = vector.shape_cast %broadcast_in_dim3A_2161 : vector<16x1xi32> to vector<16xi32>
        %gather3A_2163 = tpu.dynamic_gather %bitcast_convert_type3A_579[%gather3A_2162] in [0] : vector<16xf32>, vector<16xi32> -> vector<16xf32>
        %mul3A_2164 = arith.mulf %gather3A_2163, %get3A_2067 : vector<16xf32>
        %add3A_2165 = arith.addf %scan3A_2049, %mul3A_2164 : vector<16xf32>
        %sub3A_2166 = arith.constant 16 : i32
        %sub3A_2167 = arith.subi %scan3A_2035, %sub3A_2166 : i32
        %broadcast_in_dim3A_2168 = vector.broadcast %sub3A_2167 : i32 to vector<16x1xi32>
        %gather3A_2169 = vector.shape_cast %broadcast_in_dim3A_2168 : vector<16x1xi32> to vector<16xi32>
        %gather3A_2170 = tpu.dynamic_gather %bitcast_convert_type3A_594[%gather3A_2169] in [0] : vector<16xf32>, vector<16xi32> -> vector<16xf32>
        %mul3A_2171 = arith.mulf %gather3A_2170, %get3A_2067 : vector<16xf32>
        %add3A_2172 = arith.addf %scan3A_2050, %mul3A_2171 : vector<16xf32>
        %sub3A_2173 = arith.constant 16 : i32
        %sub3A_2174 = arith.subi %scan3A_2035, %sub3A_2173 : i32
        %broadcast_in_dim3A_2175 = vector.broadcast %sub3A_2174 : i32 to vector<16x1xi32>
        %gather3A_2176 = vector.shape_cast %broadcast_in_dim3A_2175 : vector<16x1xi32> to vector<16xi32>
        %gather3A_2177 = tpu.dynamic_gather %bitcast_convert_type3A_609[%gather3A_2176] in [0] : vector<16xf32>, vector<16xi32> -> vector<16xf32>
        %mul3A_2178 = arith.mulf %gather3A_2177, %get3A_2067 : vector<16xf32>
        %add3A_2179 = arith.addf %scan3A_2051, %mul3A_2178 : vector<16xf32>
        scf.yield %add3A_2074, %add3A_2081, %add3A_2088, %add3A_2095, %add3A_2102, %add3A_2109, %add3A_2116, %add3A_2123, %add3A_2130, %add3A_2137, %add3A_2144, %add3A_2151, %add3A_2158, %add3A_2165, %add3A_2172, %add3A_2179 : vector<16xf32>, vector<16xf32>, vector<16xf32>, vector<16xf32>, vector<16xf32>, vector<16xf32>, vector<16xf32>, vector<16xf32>, vector<16xf32>, vector<16xf32>, vector<16xf32>, vector<16xf32>, vector<16xf32>, vector<16xf32>, vector<16xf32>, vector<16xf32>
      }
      %scan3A_621 = arith.constant 16 : i32
      %scan3A_622 = arith.constant 0 : i32
      %scan3A_623 = arith.constant 8 : i32
      %scan3A_624 = arith.addi %scan3A_622, %scan3A_623 : i32
      %scan3A_625 = arith.constant 1 : i32
      %scan3A_626:16 = scf.for %scan3A_2035 = %scan3A_622 to %scan3A_624 step %scan3A_625 iter_args(%scan3A_2036 = %get3A_361, %scan3A_2037 = %get3A_361, %scan3A_2038 = %get3A_361, %scan3A_2039 = %get3A_361, %scan3A_2040 = %get3A_361, %scan3A_2041 = %get3A_361, %scan3A_2042 = %get3A_361, %scan3A_2043 = %get3A_361, %scan3A_2044 = %get3A_364, %scan3A_2045 = %get3A_364, %scan3A_2046 = %get3A_364, %scan3A_2047 = %get3A_364, %scan3A_2048 = %get3A_364, %scan3A_2049 = %get3A_364, %scan3A_2050 = %get3A_364, %scan3A_2051 = %get3A_364) -> (vector<16xf32>, vector<16xf32>, vector<16xf32>, vector<16xf32>, vector<16xf32>, vector<16xf32>, vector<16xf32>, vector<16xf32>, vector<16xf32>, vector<16xf32>, vector<16xf32>, vector<16xf32>, vector<16xf32>, vector<16xf32>, vector<16xf32>, vector<16xf32>)  : i32 {
        %mul3A_2052 = arith.constant 32 : i32
        %mul3A_2053 = arith.muli %mul3A_2052, %scan3A_2035 : i32
        %add3A_2054 = arith.constant 1616 : i32
        %add3A_2055 = arith.addi %add3A_2054, %mul3A_2053 : i32
        %get3A_2056 = arith.index_cast %add3A_2055 : i32 to index
        %get3A_2057 = tpu.vector_load %arg4[%get3A_2056] {strides = array<i32>} : memref<1984xf32, #tpu.memory_space<vmem>>, vector<16xf32>,
        %get3A_2058 = vector.shape_cast %get3A_2057 : vector<16xf32> to vector<16xf32>
        %mul3A_2059 = arith.constant 32 : i32
        %mul3A_2060 = arith.muli %mul3A_2059, %scan3A_2035 : i32
        %add3A_2061 = arith.constant 1616 : i32
        %add3A_2062 = arith.addi %add3A_2061, %mul3A_2060 : i32
        %add3A_2063 = arith.constant 16 : i32
        %add3A_2064 = arith.addi %add3A_2062, %add3A_2063 : i32
        %get3A_2065 = arith.index_cast %add3A_2064 : i32 to index
        %get3A_2066 = tpu.vector_load %arg4[%get3A_2065] {strides = array<i32>} : memref<1984xf32, #tpu.memory_space<vmem>>, vector<16xf32>,
        %get3A_2067 = vector.shape_cast %get3A_2066 : vector<16xf32> to vector<16xf32>
        %broadcast_in_dim3A_2068 = vector.broadcast %scan3A_2035 : i32 to vector<16x1xi32>
        %gather3A_2069 = vector.shape_cast %broadcast_in_dim3A_2068 : vector<16x1xi32> to vector<16xi32>
        %gather3A_2070 = tpu.dynamic_gather %bitcast_convert_type3A_93[%gather3A_2069] in [0] : vector<16xf32>, vector<16xi32> -> vector<16xf32>
        %mul3A_2071 = arith.mulf %gather3A_2070, %get3A_2058 : vector<16xf32>
        %add3A_2072 = arith.addf %scan3A_2036, %mul3A_2071 : vector<16xf32>
        %broadcast_in_dim3A_2073 = vector.broadcast %scan3A_2035 : i32 to vector<16x1xi32>
        %gather3A_2074 = vector.shape_cast %broadcast_in_dim3A_2073 : vector<16x1xi32> to vector<16xi32>
        %gather3A_2075 = tpu.dynamic_gather %bitcast_convert_type3A_108[%gather3A_2074] in [0] : vector<16xf32>, vector<16xi32> -> vector<16xf32>
        %mul3A_2076 = arith.mulf %gather3A_2075, %get3A_2058 : vector<16xf32>
        %add3A_2077 = arith.addf %scan3A_2037, %mul3A_2076 : vector<16xf32>
        %broadcast_in_dim3A_2078 = vector.broadcast %scan3A_2035 : i32 to vector<16x1xi32>
        %gather3A_2079 = vector.shape_cast %broadcast_in_dim3A_2078 : vector<16x1xi32> to vector<16xi32>
        %gather3A_2080 = tpu.dynamic_gather %bitcast_convert_type3A_123[%gather3A_2079] in [0] : vector<16xf32>, vector<16xi32> -> vector<16xf32>
        %mul3A_2081 = arith.mulf %gather3A_2080, %get3A_2058 : vector<16xf32>
        %add3A_2082 = arith.addf %scan3A_2038, %mul3A_2081 : vector<16xf32>
        %broadcast_in_dim3A_2083 = vector.broadcast %scan3A_2035 : i32 to vector<16x1xi32>
        %gather3A_2084 = vector.shape_cast %broadcast_in_dim3A_2083 : vector<16x1xi32> to vector<16xi32>
        %gather3A_2085 = tpu.dynamic_gather %bitcast_convert_type3A_138[%gather3A_2084] in [0] : vector<16xf32>, vector<16xi32> -> vector<16xf32>
        %mul3A_2086 = arith.mulf %gather3A_2085, %get3A_2058 : vector<16xf32>
        %add3A_2087 = arith.addf %scan3A_2039, %mul3A_2086 : vector<16xf32>
        %broadcast_in_dim3A_2088 = vector.broadcast %scan3A_2035 : i32 to vector<16x1xi32>
        %gather3A_2089 = vector.shape_cast %broadcast_in_dim3A_2088 : vector<16x1xi32> to vector<16xi32>
        %gather3A_2090 = tpu.dynamic_gather %bitcast_convert_type3A_153[%gather3A_2089] in [0] : vector<16xf32>, vector<16xi32> -> vector<16xf32>
        %mul3A_2091 = arith.mulf %gather3A_2090, %get3A_2058 : vector<16xf32>
        %add3A_2092 = arith.addf %scan3A_2040, %mul3A_2091 : vector<16xf32>
        %broadcast_in_dim3A_2093 = vector.broadcast %scan3A_2035 : i32 to vector<16x1xi32>
        %gather3A_2094 = vector.shape_cast %broadcast_in_dim3A_2093 : vector<16x1xi32> to vector<16xi32>
        %gather3A_2095 = tpu.dynamic_gather %bitcast_convert_type3A_168[%gather3A_2094] in [0] : vector<16xf32>, vector<16xi32> -> vector<16xf32>
        %mul3A_2096 = arith.mulf %gather3A_2095, %get3A_2058 : vector<16xf32>
        %add3A_2097 = arith.addf %scan3A_2041, %mul3A_2096 : vector<16xf32>
        %broadcast_in_dim3A_2098 = vector.broadcast %scan3A_2035 : i32 to vector<16x1xi32>
        %gather3A_2099 = vector.shape_cast %broadcast_in_dim3A_2098 : vector<16x1xi32> to vector<16xi32>
        %gather3A_2100 = tpu.dynamic_gather %bitcast_convert_type3A_183[%gather3A_2099] in [0] : vector<16xf32>, vector<16xi32> -> vector<16xf32>
        %mul3A_2101 = arith.mulf %gather3A_2100, %get3A_2058 : vector<16xf32>
        %add3A_2102 = arith.addf %scan3A_2042, %mul3A_2101 : vector<16xf32>
        %broadcast_in_dim3A_2103 = vector.broadcast %scan3A_2035 : i32 to vector<16x1xi32>
        %gather3A_2104 = vector.shape_cast %broadcast_in_dim3A_2103 : vector<16x1xi32> to vector<16xi32>
        %gather3A_2105 = tpu.dynamic_gather %bitcast_convert_type3A_198[%gather3A_2104] in [0] : vector<16xf32>, vector<16xi32> -> vector<16xf32>
        %mul3A_2106 = arith.mulf %gather3A_2105, %get3A_2058 : vector<16xf32>
        %add3A_2107 = arith.addf %scan3A_2043, %mul3A_2106 : vector<16xf32>
        %broadcast_in_dim3A_2108 = vector.broadcast %scan3A_2035 : i32 to vector<16x1xi32>
        %gather3A_2109 = vector.shape_cast %broadcast_in_dim3A_2108 : vector<16x1xi32> to vector<16xi32>
        %gather3A_2110 = tpu.dynamic_gather %bitcast_convert_type3A_93[%gather3A_2109] in [0] : vector<16xf32>, vector<16xi32> -> vector<16xf32>
        %mul3A_2111 = arith.mulf %gather3A_2110, %get3A_2067 : vector<16xf32>
        %add3A_2112 = arith.addf %scan3A_2044, %mul3A_2111 : vector<16xf32>
        %broadcast_in_dim3A_2113 = vector.broadcast %scan3A_2035 : i32 to vector<16x1xi32>
        %gather3A_2114 = vector.shape_cast %broadcast_in_dim3A_2113 : vector<16x1xi32> to vector<16xi32>
        %gather3A_2115 = tpu.dynamic_gather %bitcast_convert_type3A_108[%gather3A_2114] in [0] : vector<16xf32>, vector<16xi32> -> vector<16xf32>
        %mul3A_2116 = arith.mulf %gather3A_2115, %get3A_2067 : vector<16xf32>
        %add3A_2117 = arith.addf %scan3A_2045, %mul3A_2116 : vector<16xf32>
        %broadcast_in_dim3A_2118 = vector.broadcast %scan3A_2035 : i32 to vector<16x1xi32>
        %gather3A_2119 = vector.shape_cast %broadcast_in_dim3A_2118 : vector<16x1xi32> to vector<16xi32>
        %gather3A_2120 = tpu.dynamic_gather %bitcast_convert_type3A_123[%gather3A_2119] in [0] : vector<16xf32>, vector<16xi32> -> vector<16xf32>
        %mul3A_2121 = arith.mulf %gather3A_2120, %get3A_2067 : vector<16xf32>
        %add3A_2122 = arith.addf %scan3A_2046, %mul3A_2121 : vector<16xf32>
        %broadcast_in_dim3A_2123 = vector.broadcast %scan3A_2035 : i32 to vector<16x1xi32>
        %gather3A_2124 = vector.shape_cast %broadcast_in_dim3A_2123 : vector<16x1xi32> to vector<16xi32>
        %gather3A_2125 = tpu.dynamic_gather %bitcast_convert_type3A_138[%gather3A_2124] in [0] : vector<16xf32>, vector<16xi32> -> vector<16xf32>
        %mul3A_2126 = arith.mulf %gather3A_2125, %get3A_2067 : vector<16xf32>
        %add3A_2127 = arith.addf %scan3A_2047, %mul3A_2126 : vector<16xf32>
        %broadcast_in_dim3A_2128 = vector.broadcast %scan3A_2035 : i32 to vector<16x1xi32>
        %gather3A_2129 = vector.shape_cast %broadcast_in_dim3A_2128 : vector<16x1xi32> to vector<16xi32>
        %gather3A_2130 = tpu.dynamic_gather %bitcast_convert_type3A_153[%gather3A_2129] in [0] : vector<16xf32>, vector<16xi32> -> vector<16xf32>
        %mul3A_2131 = arith.mulf %gather3A_2130, %get3A_2067 : vector<16xf32>
        %add3A_2132 = arith.addf %scan3A_2048, %mul3A_2131 : vector<16xf32>
        %broadcast_in_dim3A_2133 = vector.broadcast %scan3A_2035 : i32 to vector<16x1xi32>
        %gather3A_2134 = vector.shape_cast %broadcast_in_dim3A_2133 : vector<16x1xi32> to vector<16xi32>
        %gather3A_2135 = tpu.dynamic_gather %bitcast_convert_type3A_168[%gather3A_2134] in [0] : vector<16xf32>, vector<16xi32> -> vector<16xf32>
        %mul3A_2136 = arith.mulf %gather3A_2135, %get3A_2067 : vector<16xf32>
        %add3A_2137 = arith.addf %scan3A_2049, %mul3A_2136 : vector<16xf32>
        %broadcast_in_dim3A_2138 = vector.broadcast %scan3A_2035 : i32 to vector<16x1xi32>
        %gather3A_2139 = vector.shape_cast %broadcast_in_dim3A_2138 : vector<16x1xi32> to vector<16xi32>
        %gather3A_2140 = tpu.dynamic_gather %bitcast_convert_type3A_183[%gather3A_2139] in [0] : vector<16xf32>, vector<16xi32> -> vector<16xf32>
        %mul3A_2141 = arith.mulf %gather3A_2140, %get3A_2067 : vector<16xf32>
        %add3A_2142 = arith.addf %scan3A_2050, %mul3A_2141 : vector<16xf32>
        %broadcast_in_dim3A_2143 = vector.broadcast %scan3A_2035 : i32 to vector<16x1xi32>
        %gather3A_2144 = vector.shape_cast %broadcast_in_dim3A_2143 : vector<16x1xi32> to vector<16xi32>
        %gather3A_2145 = tpu.dynamic_gather %bitcast_convert_type3A_198[%gather3A_2144] in [0] : vector<16xf32>, vector<16xi32> -> vector<16xf32>
        %mul3A_2146 = arith.mulf %gather3A_2145, %get3A_2067 : vector<16xf32>
        %add3A_2147 = arith.addf %scan3A_2051, %mul3A_2146 : vector<16xf32>
        scf.yield %add3A_2072, %add3A_2077, %add3A_2082, %add3A_2087, %add3A_2092, %add3A_2097, %add3A_2102, %add3A_2107, %add3A_2112, %add3A_2117, %add3A_2122, %add3A_2127, %add3A_2132, %add3A_2137, %add3A_2142, %add3A_2147 : vector<16xf32>, vector<16xf32>, vector<16xf32>, vector<16xf32>, vector<16xf32>, vector<16xf32>, vector<16xf32>, vector<16xf32>, vector<16xf32>, vector<16xf32>, vector<16xf32>, vector<16xf32>, vector<16xf32>, vector<16xf32>, vector<16xf32>, vector<16xf32>
      }
      %scan3A_627 = arith.constant 8 : i32
      %add3A_628 = arith.constant 8 : i32
      %add3A_629 = vector.broadcast %add3A_628 : i32 to vector<16xi32>
      %add3A_630 = arith.addi %iota3A, %add3A_629 : vector<16xi32>
      %jit3A_631 = arith.constant 0 : i32
      %broadcast_in_dim3A_632 = vector.broadcast %jit3A_631 : i32 to vector<16xi32>
      %select_n3A_633 = arith.select %lt3A_6, %add3A_630, %broadcast_in_dim3A_632 : vector<16xi1>, vector<16xi32>
      %add3A_634 = arith.addf %scan3A_620#0, %scan3A_626#0 : vector<16xf32>
      %neg3A = arith.constant 0.000000e+00 : f32
      %neg3A_635 = vector.broadcast %neg3A : f32 to vector<16xf32>
      %neg3A_636 = arith.subf %neg3A_635, %add3A_634 : vector<16xf32>
      %mul3A_637 = arith.constant 1.44269502 : f32
      %mul3A_638 = vector.broadcast %mul3A_637 : f32 to vector<16xf32>
      %mul3A_639 = arith.mulf %neg3A_636, %mul3A_638 : vector<16xf32>
      %ge3A = arith.constant 0.000000e+00 : f32
      %ge3A_640 = vector.broadcast %ge3A : f32 to vector<16xf32>
      %ge3A_641 = arith.cmpf oge, %mul3A_639, %ge3A_640 : vector<16xf32>
      %jit3A_642 = arith.constant 5.000000e-01 : f32
      %jit3A_643 = arith.constant -5.000000e-01 : f32
      %broadcast_in_dim3A_644 = vector.broadcast %jit3A_642 : f32 to vector<16xf32>
      %broadcast_in_dim3A_645 = vector.broadcast %jit3A_643 : f32 to vector<16xf32>
      %select_n3A_646 = arith.select %ge3A_641, %broadcast_in_dim3A_644, %broadcast_in_dim3A_645 : vector<16xi1>, vector<16xf32>
      %add3A_647 = arith.addf %mul3A_639, %select_n3A_646 : vector<16xf32>
      %convert_element_type3A_648 = arith.fptosi %add3A_647 : vector<16xf32> to vector<16xi32>
      %max3A_649 = arith.constant -126 : i32
      %max3A_650 = vector.broadcast %max3A_649 : i32 to vector<16xi32>
      %max3A_651 = arith.maxsi %convert_element_type3A_648, %max3A_650 : vector<16xi32>
      %min3A = arith.constant 126 : i32
      %min3A_652 = vector.broadcast %min3A : i32 to vector<16xi32>
      %min3A_653 = arith.minsi %max3A_651, %min3A_652 : vector<16xi32>
      %convert_element_type3A_654 = arith.sitofp %min3A_653 : vector<16xi32> to vector<16xf32>
      %mul3A_655 = arith.constant 0.693359375 : f32
      %mul3A_656 = vector.broadcast %mul3A_655 : f32 to vector<16xf32>
      %mul3A_657 = arith.mulf %convert_element_type3A_654, %mul3A_656 : vector<16xf32>
      %sub3A_658 = arith.subf %neg3A_636, %mul3A_657 : vector<16xf32>
      %mul3A_659 = arith.constant -2.12194442E-4 : f32
      %mul3A_660 = vector.broadcast %mul3A_659 : f32 to vector<16xf32>
      %mul3A_661 = arith.mulf %convert_element_type3A_654, %mul3A_660 : vector<16xf32>
      %sub3A_662 = arith.subf %sub3A_658, %mul3A_661 : vector<16xf32>
      %broadcast_in_dim3A_663 = arith.constant 0.00138888892 : f32
      %broadcast_in_dim3A_664 = vector.broadcast %broadcast_in_dim3A_663 : f32 to vector<16xf32>
      %mul3A_665 = arith.mulf %broadcast_in_dim3A_664, %sub3A_662 : vector<16xf32>
      %add3A_666 = arith.constant 0.00833333377 : f32
      %add3A_667 = vector.broadcast %add3A_666 : f32 to vector<16xf32>
      %add3A_668 = arith.addf %mul3A_665, %add3A_667 : vector<16xf32>
      %mul3A_669 = arith.mulf %add3A_668, %sub3A_662 : vector<16xf32>
      %add3A_670 = arith.constant 0.0416666679 : f32
      %add3A_671 = vector.broadcast %add3A_670 : f32 to vector<16xf32>
      %add3A_672 = arith.addf %mul3A_669, %add3A_671 : vector<16xf32>
      %mul3A_673 = arith.mulf %add3A_672, %sub3A_662 : vector<16xf32>
      %add3A_674 = arith.constant 0.166666672 : f32
      %add3A_675 = vector.broadcast %add3A_674 : f32 to vector<16xf32>
      %add3A_676 = arith.addf %mul3A_673, %add3A_675 : vector<16xf32>
      %mul3A_677 = arith.mulf %add3A_676, %sub3A_662 : vector<16xf32>
      %add3A_678 = arith.constant 5.000000e-01 : f32
      %add3A_679 = vector.broadcast %add3A_678 : f32 to vector<16xf32>
      %add3A_680 = arith.addf %mul3A_677, %add3A_679 : vector<16xf32>
      %mul3A_681 = arith.mulf %add3A_680, %sub3A_662 : vector<16xf32>
      %add3A_682 = arith.constant 1.000000e+00 : f32
      %add3A_683 = vector.broadcast %add3A_682 : f32 to vector<16xf32>
      %add3A_684 = arith.addf %mul3A_681, %add3A_683 : vector<16xf32>
      %mul3A_685 = arith.mulf %add3A_684, %sub3A_662 : vector<16xf32>
      %add3A_686 = arith.constant 1.000000e+00 : f32
      %add3A_687 = vector.broadcast %add3A_686 : f32 to vector<16xf32>
      %add3A_688 = arith.addf %mul3A_685, %add3A_687 : vector<16xf32>
      %add3A_689 = arith.constant 127 : i32
      %add3A_690 = vector.broadcast %add3A_689 : i32 to vector<16xi32>
      %add3A_691 = arith.addi %min3A_653, %add3A_690 : vector<16xi32>
      %shift_left3A = arith.constant 23 : i32
      %shift_left3A_692 = vector.broadcast %shift_left3A : i32 to vector<16xi32>
      %shift_left3A_693 = arith.shli %add3A_691, %shift_left3A_692 : vector<16xi32>
      %bitcast_convert_type3A_694 = tpu.bitcast %shift_left3A_693 : vector<16xi32> -> vector<16xf32>
      %mul3A_695 = arith.mulf %bitcast_convert_type3A_694, %add3A_688 : vector<16xf32>
      %add3A_696 = arith.constant 1.000000e+00 : f32
      %add3A_697 = vector.broadcast %add3A_696 : f32 to vector<16xf32>
      %add3A_698 = arith.addf %add3A_697, %mul3A_695 : vector<16xf32>
      %div3A = arith.constant 1.000000e+00 : f32
      %div3A_699 = vector.broadcast %div3A : f32 to vector<16xf32>
      %div3A_700 = arith.divf %div3A_699, %add3A_698 : vector<16xf32>
      %mul3A_701 = arith.mulf %div3A_700, %scan3A_626#8 : vector<16xf32>
      %add3A_702 = arith.addf %scan3A_620#8, %mul3A_701 : vector<16xf32>
      %mul3A_703 = arith.constant -2.000000e+00 : f32
      %mul3A_704 = vector.broadcast %mul3A_703 : f32 to vector<16xf32>
      %mul3A_705 = arith.mulf %mul3A_704, %add3A_702 : vector<16xf32>
      %mul3A_706 = arith.constant 1.44269502 : f32
      %mul3A_707 = vector.broadcast %mul3A_706 : f32 to vector<16xf32>
      %mul3A_708 = arith.mulf %mul3A_705, %mul3A_707 : vector<16xf32>
      %ge3A_709 = arith.constant 0.000000e+00 : f32
      %ge3A_710 = vector.broadcast %ge3A_709 : f32 to vector<16xf32>
      %ge3A_711 = arith.cmpf oge, %mul3A_708, %ge3A_710 : vector<16xf32>
      %jit3A_712 = arith.constant 5.000000e-01 : f32
      %jit3A_713 = arith.constant -5.000000e-01 : f32
      %broadcast_in_dim3A_714 = vector.broadcast %jit3A_712 : f32 to vector<16xf32>
      %broadcast_in_dim3A_715 = vector.broadcast %jit3A_713 : f32 to vector<16xf32>
      %select_n3A_716 = arith.select %ge3A_711, %broadcast_in_dim3A_714, %broadcast_in_dim3A_715 : vector<16xi1>, vector<16xf32>
      %add3A_717 = arith.addf %mul3A_708, %select_n3A_716 : vector<16xf32>
      %convert_element_type3A_718 = arith.fptosi %add3A_717 : vector<16xf32> to vector<16xi32>
      %max3A_719 = arith.constant -126 : i32
      %max3A_720 = vector.broadcast %max3A_719 : i32 to vector<16xi32>
      %max3A_721 = arith.maxsi %convert_element_type3A_718, %max3A_720 : vector<16xi32>
      %min3A_722 = arith.constant 126 : i32
      %min3A_723 = vector.broadcast %min3A_722 : i32 to vector<16xi32>
      %min3A_724 = arith.minsi %max3A_721, %min3A_723 : vector<16xi32>
      %convert_element_type3A_725 = arith.sitofp %min3A_724 : vector<16xi32> to vector<16xf32>
      %mul3A_726 = arith.constant 0.693359375 : f32
      %mul3A_727 = vector.broadcast %mul3A_726 : f32 to vector<16xf32>
      %mul3A_728 = arith.mulf %convert_element_type3A_725, %mul3A_727 : vector<16xf32>
      %sub3A_729 = arith.subf %mul3A_705, %mul3A_728 : vector<16xf32>
      %mul3A_730 = arith.constant -2.12194442E-4 : f32
      %mul3A_731 = vector.broadcast %mul3A_730 : f32 to vector<16xf32>
      %mul3A_732 = arith.mulf %convert_element_type3A_725, %mul3A_731 : vector<16xf32>
      %sub3A_733 = arith.subf %sub3A_729, %mul3A_732 : vector<16xf32>
      %broadcast_in_dim3A_734 = arith.constant 0.00138888892 : f32
      %broadcast_in_dim3A_735 = vector.broadcast %broadcast_in_dim3A_734 : f32 to vector<16xf32>
      %mul3A_736 = arith.mulf %broadcast_in_dim3A_735, %sub3A_733 : vector<16xf32>
      %add3A_737 = arith.constant 0.00833333377 : f32
      %add3A_738 = vector.broadcast %add3A_737 : f32 to vector<16xf32>
      %add3A_739 = arith.addf %mul3A_736, %add3A_738 : vector<16xf32>
      %mul3A_740 = arith.mulf %add3A_739, %sub3A_733 : vector<16xf32>
      %add3A_741 = arith.constant 0.0416666679 : f32
      %add3A_742 = vector.broadcast %add3A_741 : f32 to vector<16xf32>
      %add3A_743 = arith.addf %mul3A_740, %add3A_742 : vector<16xf32>
      %mul3A_744 = arith.mulf %add3A_743, %sub3A_733 : vector<16xf32>
      %add3A_745 = arith.constant 0.166666672 : f32
      %add3A_746 = vector.broadcast %add3A_745 : f32 to vector<16xf32>
      %add3A_747 = arith.addf %mul3A_744, %add3A_746 : vector<16xf32>
      %mul3A_748 = arith.mulf %add3A_747, %sub3A_733 : vector<16xf32>
      %add3A_749 = arith.constant 5.000000e-01 : f32
      %add3A_750 = vector.broadcast %add3A_749 : f32 to vector<16xf32>
      %add3A_751 = arith.addf %mul3A_748, %add3A_750 : vector<16xf32>
      %mul3A_752 = arith.mulf %add3A_751, %sub3A_733 : vector<16xf32>
      %add3A_753 = arith.constant 1.000000e+00 : f32
      %add3A_754 = vector.broadcast %add3A_753 : f32 to vector<16xf32>
      %add3A_755 = arith.addf %mul3A_752, %add3A_754 : vector<16xf32>
      %mul3A_756 = arith.mulf %add3A_755, %sub3A_733 : vector<16xf32>
      %add3A_757 = arith.constant 1.000000e+00 : f32
      %add3A_758 = vector.broadcast %add3A_757 : f32 to vector<16xf32>
      %add3A_759 = arith.addf %mul3A_756, %add3A_758 : vector<16xf32>
      %add3A_760 = arith.constant 127 : i32
      %add3A_761 = vector.broadcast %add3A_760 : i32 to vector<16xi32>
      %add3A_762 = arith.addi %min3A_724, %add3A_761 : vector<16xi32>
      %shift_left3A_763 = arith.constant 23 : i32
      %shift_left3A_764 = vector.broadcast %shift_left3A_763 : i32 to vector<16xi32>
      %shift_left3A_765 = arith.shli %add3A_762, %shift_left3A_764 : vector<16xi32>
      %bitcast_convert_type3A_766 = tpu.bitcast %shift_left3A_765 : vector<16xi32> -> vector<16xf32>
      %mul3A_767 = arith.mulf %bitcast_convert_type3A_766, %add3A_759 : vector<16xf32>
      %add3A_768 = arith.constant 1.000000e+00 : f32
      %add3A_769 = vector.broadcast %add3A_768 : f32 to vector<16xf32>
      %add3A_770 = arith.addf %add3A_769, %mul3A_767 : vector<16xf32>
      %div3A_771 = arith.constant 2.000000e+00 : f32
      %div3A_772 = vector.broadcast %div3A_771 : f32 to vector<16xf32>
      %div3A_773 = arith.divf %div3A_772, %add3A_770 : vector<16xf32>
      %sub3A_774 = arith.constant 1.000000e+00 : f32
      %sub3A_775 = vector.broadcast %sub3A_774 : f32 to vector<16xf32>
      %sub3A_776 = arith.subf %div3A_773, %sub3A_775 : vector<16xf32>
      %broadcast_in_dim3A_777 = vector.shape_cast %select_n3A_633 : vector<16xi32> to vector<16x1xi32>
      %gather3A_778 = vector.shape_cast %broadcast_in_dim3A_777 : vector<16x1xi32> to vector<16xi32>
      %gather3A_779 = tpu.dynamic_gather %div3A_700[%gather3A_778] in [0] : vector<16xf32>, vector<16xi32> -> vector<16xf32>
      %jit3A_780 = arith.constant 0.000000e+00 : f32
      %broadcast_in_dim3A_781 = vector.broadcast %jit3A_780 : f32 to vector<16xf32>
      %select_n3A_782 = arith.select %lt3A_6, %gather3A_779, %broadcast_in_dim3A_781 : vector<16xi1>, vector<16xf32>
      %sub3A_783 = arith.constant 1.000000e+00 : f32
      %sub3A_784 = vector.broadcast %sub3A_783 : f32 to vector<16xf32>
      %sub3A_785 = arith.subf %sub3A_784, %select_n3A_782 : vector<16xf32>
      %mul3A_786 = arith.mulf %sub3A_785, %sub3A_776 : vector<16xf32>
      %add3A_787 = arith.addf %broadcast_in_dim3A_4, %mul3A_786 : vector<16xf32>
      %mul3A_788 = arith.mulf %select_n3A_782, %select_n3A_31 : vector<16xf32>
      %add3A_789 = arith.addf %add3A_787, %mul3A_788 : vector<16xf32>
      %add3A_790 = arith.addf %scan3A_620#1, %scan3A_626#1 : vector<16xf32>
      %neg3A_791 = arith.constant 0.000000e+00 : f32
      %neg3A_792 = vector.broadcast %neg3A_791 : f32 to vector<16xf32>
      %neg3A_793 = arith.subf %neg3A_792, %add3A_790 : vector<16xf32>
      %mul3A_794 = arith.constant 1.44269502 : f32
      %mul3A_795 = vector.broadcast %mul3A_794 : f32 to vector<16xf32>
      %mul3A_796 = arith.mulf %neg3A_793, %mul3A_795 : vector<16xf32>
      %ge3A_797 = arith.constant 0.000000e+00 : f32
      %ge3A_798 = vector.broadcast %ge3A_797 : f32 to vector<16xf32>
      %ge3A_799 = arith.cmpf oge, %mul3A_796, %ge3A_798 : vector<16xf32>
      %jit3A_800 = arith.constant 5.000000e-01 : f32
      %jit3A_801 = arith.constant -5.000000e-01 : f32
      %broadcast_in_dim3A_802 = vector.broadcast %jit3A_800 : f32 to vector<16xf32>
      %broadcast_in_dim3A_803 = vector.broadcast %jit3A_801 : f32 to vector<16xf32>
      %select_n3A_804 = arith.select %ge3A_799, %broadcast_in_dim3A_802, %broadcast_in_dim3A_803 : vector<16xi1>, vector<16xf32>
      %add3A_805 = arith.addf %mul3A_796, %select_n3A_804 : vector<16xf32>
      %convert_element_type3A_806 = arith.fptosi %add3A_805 : vector<16xf32> to vector<16xi32>
      %max3A_807 = arith.constant -126 : i32
      %max3A_808 = vector.broadcast %max3A_807 : i32 to vector<16xi32>
      %max3A_809 = arith.maxsi %convert_element_type3A_806, %max3A_808 : vector<16xi32>
      %min3A_810 = arith.constant 126 : i32
      %min3A_811 = vector.broadcast %min3A_810 : i32 to vector<16xi32>
      %min3A_812 = arith.minsi %max3A_809, %min3A_811 : vector<16xi32>
      %convert_element_type3A_813 = arith.sitofp %min3A_812 : vector<16xi32> to vector<16xf32>
      %mul3A_814 = arith.constant 0.693359375 : f32
      %mul3A_815 = vector.broadcast %mul3A_814 : f32 to vector<16xf32>
      %mul3A_816 = arith.mulf %convert_element_type3A_813, %mul3A_815 : vector<16xf32>
      %sub3A_817 = arith.subf %neg3A_793, %mul3A_816 : vector<16xf32>
      %mul3A_818 = arith.constant -2.12194442E-4 : f32
      %mul3A_819 = vector.broadcast %mul3A_818 : f32 to vector<16xf32>
      %mul3A_820 = arith.mulf %convert_element_type3A_813, %mul3A_819 : vector<16xf32>
      %sub3A_821 = arith.subf %sub3A_817, %mul3A_820 : vector<16xf32>
      %broadcast_in_dim3A_822 = arith.constant 0.00138888892 : f32
      %broadcast_in_dim3A_823 = vector.broadcast %broadcast_in_dim3A_822 : f32 to vector<16xf32>
      %mul3A_824 = arith.mulf %broadcast_in_dim3A_823, %sub3A_821 : vector<16xf32>
      %add3A_825 = arith.constant 0.00833333377 : f32
      %add3A_826 = vector.broadcast %add3A_825 : f32 to vector<16xf32>
      %add3A_827 = arith.addf %mul3A_824, %add3A_826 : vector<16xf32>
      %mul3A_828 = arith.mulf %add3A_827, %sub3A_821 : vector<16xf32>
      %add3A_829 = arith.constant 0.0416666679 : f32
      %add3A_830 = vector.broadcast %add3A_829 : f32 to vector<16xf32>
      %add3A_831 = arith.addf %mul3A_828, %add3A_830 : vector<16xf32>
      %mul3A_832 = arith.mulf %add3A_831, %sub3A_821 : vector<16xf32>
      %add3A_833 = arith.constant 0.166666672 : f32
      %add3A_834 = vector.broadcast %add3A_833 : f32 to vector<16xf32>
      %add3A_835 = arith.addf %mul3A_832, %add3A_834 : vector<16xf32>
      %mul3A_836 = arith.mulf %add3A_835, %sub3A_821 : vector<16xf32>
      %add3A_837 = arith.constant 5.000000e-01 : f32
      %add3A_838 = vector.broadcast %add3A_837 : f32 to vector<16xf32>
      %add3A_839 = arith.addf %mul3A_836, %add3A_838 : vector<16xf32>
      %mul3A_840 = arith.mulf %add3A_839, %sub3A_821 : vector<16xf32>
      %add3A_841 = arith.constant 1.000000e+00 : f32
      %add3A_842 = vector.broadcast %add3A_841 : f32 to vector<16xf32>
      %add3A_843 = arith.addf %mul3A_840, %add3A_842 : vector<16xf32>
      %mul3A_844 = arith.mulf %add3A_843, %sub3A_821 : vector<16xf32>
      %add3A_845 = arith.constant 1.000000e+00 : f32
      %add3A_846 = vector.broadcast %add3A_845 : f32 to vector<16xf32>
      %add3A_847 = arith.addf %mul3A_844, %add3A_846 : vector<16xf32>
      %add3A_848 = arith.constant 127 : i32
      %add3A_849 = vector.broadcast %add3A_848 : i32 to vector<16xi32>
      %add3A_850 = arith.addi %min3A_812, %add3A_849 : vector<16xi32>
      %shift_left3A_851 = arith.constant 23 : i32
      %shift_left3A_852 = vector.broadcast %shift_left3A_851 : i32 to vector<16xi32>
      %shift_left3A_853 = arith.shli %add3A_850, %shift_left3A_852 : vector<16xi32>
      %bitcast_convert_type3A_854 = tpu.bitcast %shift_left3A_853 : vector<16xi32> -> vector<16xf32>
      %mul3A_855 = arith.mulf %bitcast_convert_type3A_854, %add3A_847 : vector<16xf32>
      %add3A_856 = arith.constant 1.000000e+00 : f32
      %add3A_857 = vector.broadcast %add3A_856 : f32 to vector<16xf32>
      %add3A_858 = arith.addf %add3A_857, %mul3A_855 : vector<16xf32>
      %div3A_859 = arith.constant 1.000000e+00 : f32
      %div3A_860 = vector.broadcast %div3A_859 : f32 to vector<16xf32>
      %div3A_861 = arith.divf %div3A_860, %add3A_858 : vector<16xf32>
      %mul3A_862 = arith.mulf %div3A_861, %scan3A_626#9 : vector<16xf32>
      %add3A_863 = arith.addf %scan3A_620#9, %mul3A_862 : vector<16xf32>
      %mul3A_864 = arith.constant -2.000000e+00 : f32
      %mul3A_865 = vector.broadcast %mul3A_864 : f32 to vector<16xf32>
      %mul3A_866 = arith.mulf %mul3A_865, %add3A_863 : vector<16xf32>
      %mul3A_867 = arith.constant 1.44269502 : f32
      %mul3A_868 = vector.broadcast %mul3A_867 : f32 to vector<16xf32>
      %mul3A_869 = arith.mulf %mul3A_866, %mul3A_868 : vector<16xf32>
      %ge3A_870 = arith.constant 0.000000e+00 : f32
      %ge3A_871 = vector.broadcast %ge3A_870 : f32 to vector<16xf32>
      %ge3A_872 = arith.cmpf oge, %mul3A_869, %ge3A_871 : vector<16xf32>
      %jit3A_873 = arith.constant 5.000000e-01 : f32
      %jit3A_874 = arith.constant -5.000000e-01 : f32
      %broadcast_in_dim3A_875 = vector.broadcast %jit3A_873 : f32 to vector<16xf32>
      %broadcast_in_dim3A_876 = vector.broadcast %jit3A_874 : f32 to vector<16xf32>
      %select_n3A_877 = arith.select %ge3A_872, %broadcast_in_dim3A_875, %broadcast_in_dim3A_876 : vector<16xi1>, vector<16xf32>
      %add3A_878 = arith.addf %mul3A_869, %select_n3A_877 : vector<16xf32>
      %convert_element_type3A_879 = arith.fptosi %add3A_878 : vector<16xf32> to vector<16xi32>
      %max3A_880 = arith.constant -126 : i32
      %max3A_881 = vector.broadcast %max3A_880 : i32 to vector<16xi32>
      %max3A_882 = arith.maxsi %convert_element_type3A_879, %max3A_881 : vector<16xi32>
      %min3A_883 = arith.constant 126 : i32
      %min3A_884 = vector.broadcast %min3A_883 : i32 to vector<16xi32>
      %min3A_885 = arith.minsi %max3A_882, %min3A_884 : vector<16xi32>
      %convert_element_type3A_886 = arith.sitofp %min3A_885 : vector<16xi32> to vector<16xf32>
      %mul3A_887 = arith.constant 0.693359375 : f32
      %mul3A_888 = vector.broadcast %mul3A_887 : f32 to vector<16xf32>
      %mul3A_889 = arith.mulf %convert_element_type3A_886, %mul3A_888 : vector<16xf32>
      %sub3A_890 = arith.subf %mul3A_866, %mul3A_889 : vector<16xf32>
      %mul3A_891 = arith.constant -2.12194442E-4 : f32
      %mul3A_892 = vector.broadcast %mul3A_891 : f32 to vector<16xf32>
      %mul3A_893 = arith.mulf %convert_element_type3A_886, %mul3A_892 : vector<16xf32>
      %sub3A_894 = arith.subf %sub3A_890, %mul3A_893 : vector<16xf32>
      %broadcast_in_dim3A_895 = arith.constant 0.00138888892 : f32
      %broadcast_in_dim3A_896 = vector.broadcast %broadcast_in_dim3A_895 : f32 to vector<16xf32>
      %mul3A_897 = arith.mulf %broadcast_in_dim3A_896, %sub3A_894 : vector<16xf32>
      %add3A_898 = arith.constant 0.00833333377 : f32
      %add3A_899 = vector.broadcast %add3A_898 : f32 to vector<16xf32>
      %add3A_900 = arith.addf %mul3A_897, %add3A_899 : vector<16xf32>
      %mul3A_901 = arith.mulf %add3A_900, %sub3A_894 : vector<16xf32>
      %add3A_902 = arith.constant 0.0416666679 : f32
      %add3A_903 = vector.broadcast %add3A_902 : f32 to vector<16xf32>
      %add3A_904 = arith.addf %mul3A_901, %add3A_903 : vector<16xf32>
      %mul3A_905 = arith.mulf %add3A_904, %sub3A_894 : vector<16xf32>
      %add3A_906 = arith.constant 0.166666672 : f32
      %add3A_907 = vector.broadcast %add3A_906 : f32 to vector<16xf32>
      %add3A_908 = arith.addf %mul3A_905, %add3A_907 : vector<16xf32>
      %mul3A_909 = arith.mulf %add3A_908, %sub3A_894 : vector<16xf32>
      %add3A_910 = arith.constant 5.000000e-01 : f32
      %add3A_911 = vector.broadcast %add3A_910 : f32 to vector<16xf32>
      %add3A_912 = arith.addf %mul3A_909, %add3A_911 : vector<16xf32>
      %mul3A_913 = arith.mulf %add3A_912, %sub3A_894 : vector<16xf32>
      %add3A_914 = arith.constant 1.000000e+00 : f32
      %add3A_915 = vector.broadcast %add3A_914 : f32 to vector<16xf32>
      %add3A_916 = arith.addf %mul3A_913, %add3A_915 : vector<16xf32>
      %mul3A_917 = arith.mulf %add3A_916, %sub3A_894 : vector<16xf32>
      %add3A_918 = arith.constant 1.000000e+00 : f32
      %add3A_919 = vector.broadcast %add3A_918 : f32 to vector<16xf32>
      %add3A_920 = arith.addf %mul3A_917, %add3A_919 : vector<16xf32>
      %add3A_921 = arith.constant 127 : i32
      %add3A_922 = vector.broadcast %add3A_921 : i32 to vector<16xi32>
      %add3A_923 = arith.addi %min3A_885, %add3A_922 : vector<16xi32>
      %shift_left3A_924 = arith.constant 23 : i32
      %shift_left3A_925 = vector.broadcast %shift_left3A_924 : i32 to vector<16xi32>
      %shift_left3A_926 = arith.shli %add3A_923, %shift_left3A_925 : vector<16xi32>
      %bitcast_convert_type3A_927 = tpu.bitcast %shift_left3A_926 : vector<16xi32> -> vector<16xf32>
      %mul3A_928 = arith.mulf %bitcast_convert_type3A_927, %add3A_920 : vector<16xf32>
      %add3A_929 = arith.constant 1.000000e+00 : f32
      %add3A_930 = vector.broadcast %add3A_929 : f32 to vector<16xf32>
      %add3A_931 = arith.addf %add3A_930, %mul3A_928 : vector<16xf32>
      %div3A_932 = arith.constant 2.000000e+00 : f32
      %div3A_933 = vector.broadcast %div3A_932 : f32 to vector<16xf32>
      %div3A_934 = arith.divf %div3A_933, %add3A_931 : vector<16xf32>
      %sub3A_935 = arith.constant 1.000000e+00 : f32
      %sub3A_936 = vector.broadcast %sub3A_935 : f32 to vector<16xf32>
      %sub3A_937 = arith.subf %div3A_934, %sub3A_936 : vector<16xf32>
      %broadcast_in_dim3A_938 = vector.shape_cast %select_n3A_633 : vector<16xi32> to vector<16x1xi32>
      %gather3A_939 = vector.shape_cast %broadcast_in_dim3A_938 : vector<16x1xi32> to vector<16xi32>
      %gather3A_940 = tpu.dynamic_gather %div3A_861[%gather3A_939] in [0] : vector<16xf32>, vector<16xi32> -> vector<16xf32>
      %jit3A_941 = arith.constant 0.000000e+00 : f32
      %broadcast_in_dim3A_942 = vector.broadcast %jit3A_941 : f32 to vector<16xf32>
      %select_n3A_943 = arith.select %lt3A_6, %gather3A_940, %broadcast_in_dim3A_942 : vector<16xi1>, vector<16xf32>
      %sub3A_944 = arith.constant 1.000000e+00 : f32
      %sub3A_945 = vector.broadcast %sub3A_944 : f32 to vector<16xf32>
      %sub3A_946 = arith.subf %sub3A_945, %select_n3A_943 : vector<16xf32>
      %mul3A_947 = arith.mulf %sub3A_946, %sub3A_937 : vector<16xf32>
      %add3A_948 = arith.addf %add3A_789, %mul3A_947 : vector<16xf32>
      %mul3A_949 = arith.mulf %select_n3A_943, %select_n3A_38 : vector<16xf32>
      %add3A_950 = arith.addf %add3A_948, %mul3A_949 : vector<16xf32>
      %add3A_951 = arith.addf %scan3A_620#2, %scan3A_626#2 : vector<16xf32>
      %neg3A_952 = arith.constant 0.000000e+00 : f32
      %neg3A_953 = vector.broadcast %neg3A_952 : f32 to vector<16xf32>
      %neg3A_954 = arith.subf %neg3A_953, %add3A_951 : vector<16xf32>
      %mul3A_955 = arith.constant 1.44269502 : f32
      %mul3A_956 = vector.broadcast %mul3A_955 : f32 to vector<16xf32>
      %mul3A_957 = arith.mulf %neg3A_954, %mul3A_956 : vector<16xf32>
      %ge3A_958 = arith.constant 0.000000e+00 : f32
      %ge3A_959 = vector.broadcast %ge3A_958 : f32 to vector<16xf32>
      %ge3A_960 = arith.cmpf oge, %mul3A_957, %ge3A_959 : vector<16xf32>
      %jit3A_961 = arith.constant 5.000000e-01 : f32
      %jit3A_962 = arith.constant -5.000000e-01 : f32
      %broadcast_in_dim3A_963 = vector.broadcast %jit3A_961 : f32 to vector<16xf32>
      %broadcast_in_dim3A_964 = vector.broadcast %jit3A_962 : f32 to vector<16xf32>
      %select_n3A_965 = arith.select %ge3A_960, %broadcast_in_dim3A_963, %broadcast_in_dim3A_964 : vector<16xi1>, vector<16xf32>
      %add3A_966 = arith.addf %mul3A_957, %select_n3A_965 : vector<16xf32>
      %convert_element_type3A_967 = arith.fptosi %add3A_966 : vector<16xf32> to vector<16xi32>
      %max3A_968 = arith.constant -126 : i32
      %max3A_969 = vector.broadcast %max3A_968 : i32 to vector<16xi32>
      %max3A_970 = arith.maxsi %convert_element_type3A_967, %max3A_969 : vector<16xi32>
      %min3A_971 = arith.constant 126 : i32
      %min3A_972 = vector.broadcast %min3A_971 : i32 to vector<16xi32>
      %min3A_973 = arith.minsi %max3A_970, %min3A_972 : vector<16xi32>
      %convert_element_type3A_974 = arith.sitofp %min3A_973 : vector<16xi32> to vector<16xf32>
      %mul3A_975 = arith.constant 0.693359375 : f32
      %mul3A_976 = vector.broadcast %mul3A_975 : f32 to vector<16xf32>
      %mul3A_977 = arith.mulf %convert_element_type3A_974, %mul3A_976 : vector<16xf32>
      %sub3A_978 = arith.subf %neg3A_954, %mul3A_977 : vector<16xf32>
      %mul3A_979 = arith.constant -2.12194442E-4 : f32
      %mul3A_980 = vector.broadcast %mul3A_979 : f32 to vector<16xf32>
      %mul3A_981 = arith.mulf %convert_element_type3A_974, %mul3A_980 : vector<16xf32>
      %sub3A_982 = arith.subf %sub3A_978, %mul3A_981 : vector<16xf32>
      %broadcast_in_dim3A_983 = arith.constant 0.00138888892 : f32
      %broadcast_in_dim3A_984 = vector.broadcast %broadcast_in_dim3A_983 : f32 to vector<16xf32>
      %mul3A_985 = arith.mulf %broadcast_in_dim3A_984, %sub3A_982 : vector<16xf32>
      %add3A_986 = arith.constant 0.00833333377 : f32
      %add3A_987 = vector.broadcast %add3A_986 : f32 to vector<16xf32>
      %add3A_988 = arith.addf %mul3A_985, %add3A_987 : vector<16xf32>
      %mul3A_989 = arith.mulf %add3A_988, %sub3A_982 : vector<16xf32>
      %add3A_990 = arith.constant 0.0416666679 : f32
      %add3A_991 = vector.broadcast %add3A_990 : f32 to vector<16xf32>
      %add3A_992 = arith.addf %mul3A_989, %add3A_991 : vector<16xf32>
      %mul3A_993 = arith.mulf %add3A_992, %sub3A_982 : vector<16xf32>
      %add3A_994 = arith.constant 0.166666672 : f32
      %add3A_995 = vector.broadcast %add3A_994 : f32 to vector<16xf32>
      %add3A_996 = arith.addf %mul3A_993, %add3A_995 : vector<16xf32>
      %mul3A_997 = arith.mulf %add3A_996, %sub3A_982 : vector<16xf32>
      %add3A_998 = arith.constant 5.000000e-01 : f32
      %add3A_999 = vector.broadcast %add3A_998 : f32 to vector<16xf32>
      %add3A_1000 = arith.addf %mul3A_997, %add3A_999 : vector<16xf32>
      %mul3A_1001 = arith.mulf %add3A_1000, %sub3A_982 : vector<16xf32>
      %add3A_1002 = arith.constant 1.000000e+00 : f32
      %add3A_1003 = vector.broadcast %add3A_1002 : f32 to vector<16xf32>
      %add3A_1004 = arith.addf %mul3A_1001, %add3A_1003 : vector<16xf32>
      %mul3A_1005 = arith.mulf %add3A_1004, %sub3A_982 : vector<16xf32>
      %add3A_1006 = arith.constant 1.000000e+00 : f32
      %add3A_1007 = vector.broadcast %add3A_1006 : f32 to vector<16xf32>
      %add3A_1008 = arith.addf %mul3A_1005, %add3A_1007 : vector<16xf32>
      %add3A_1009 = arith.constant 127 : i32
      %add3A_1010 = vector.broadcast %add3A_1009 : i32 to vector<16xi32>
      %add3A_1011 = arith.addi %min3A_973, %add3A_1010 : vector<16xi32>
      %shift_left3A_1012 = arith.constant 23 : i32
      %shift_left3A_1013 = vector.broadcast %shift_left3A_1012 : i32 to vector<16xi32>
      %shift_left3A_1014 = arith.shli %add3A_1011, %shift_left3A_1013 : vector<16xi32>
      %bitcast_convert_type3A_1015 = tpu.bitcast %shift_left3A_1014 : vector<16xi32> -> vector<16xf32>
      %mul3A_1016 = arith.mulf %bitcast_convert_type3A_1015, %add3A_1008 : vector<16xf32>
      %add3A_1017 = arith.constant 1.000000e+00 : f32
      %add3A_1018 = vector.broadcast %add3A_1017 : f32 to vector<16xf32>
      %add3A_1019 = arith.addf %add3A_1018, %mul3A_1016 : vector<16xf32>
      %div3A_1020 = arith.constant 1.000000e+00 : f32
      %div3A_1021 = vector.broadcast %div3A_1020 : f32 to vector<16xf32>
      %div3A_1022 = arith.divf %div3A_1021, %add3A_1019 : vector<16xf32>
      %mul3A_1023 = arith.mulf %div3A_1022, %scan3A_626#10 : vector<16xf32>
      %add3A_1024 = arith.addf %scan3A_620#10, %mul3A_1023 : vector<16xf32>
      %mul3A_1025 = arith.constant -2.000000e+00 : f32
      %mul3A_1026 = vector.broadcast %mul3A_1025 : f32 to vector<16xf32>
      %mul3A_1027 = arith.mulf %mul3A_1026, %add3A_1024 : vector<16xf32>
      %mul3A_1028 = arith.constant 1.44269502 : f32
      %mul3A_1029 = vector.broadcast %mul3A_1028 : f32 to vector<16xf32>
      %mul3A_1030 = arith.mulf %mul3A_1027, %mul3A_1029 : vector<16xf32>
      %ge3A_1031 = arith.constant 0.000000e+00 : f32
      %ge3A_1032 = vector.broadcast %ge3A_1031 : f32 to vector<16xf32>
      %ge3A_1033 = arith.cmpf oge, %mul3A_1030, %ge3A_1032 : vector<16xf32>
      %jit3A_1034 = arith.constant 5.000000e-01 : f32
      %jit3A_1035 = arith.constant -5.000000e-01 : f32
      %broadcast_in_dim3A_1036 = vector.broadcast %jit3A_1034 : f32 to vector<16xf32>
      %broadcast_in_dim3A_1037 = vector.broadcast %jit3A_1035 : f32 to vector<16xf32>
      %select_n3A_1038 = arith.select %ge3A_1033, %broadcast_in_dim3A_1036, %broadcast_in_dim3A_1037 : vector<16xi1>, vector<16xf32>
      %add3A_1039 = arith.addf %mul3A_1030, %select_n3A_1038 : vector<16xf32>
      %convert_element_type3A_1040 = arith.fptosi %add3A_1039 : vector<16xf32> to vector<16xi32>
      %max3A_1041 = arith.constant -126 : i32
      %max3A_1042 = vector.broadcast %max3A_1041 : i32 to vector<16xi32>
      %max3A_1043 = arith.maxsi %convert_element_type3A_1040, %max3A_1042 : vector<16xi32>
      %min3A_1044 = arith.constant 126 : i32
      %min3A_1045 = vector.broadcast %min3A_1044 : i32 to vector<16xi32>
      %min3A_1046 = arith.minsi %max3A_1043, %min3A_1045 : vector<16xi32>
      %convert_element_type3A_1047 = arith.sitofp %min3A_1046 : vector<16xi32> to vector<16xf32>
      %mul3A_1048 = arith.constant 0.693359375 : f32
      %mul3A_1049 = vector.broadcast %mul3A_1048 : f32 to vector<16xf32>
      %mul3A_1050 = arith.mulf %convert_element_type3A_1047, %mul3A_1049 : vector<16xf32>
      %sub3A_1051 = arith.subf %mul3A_1027, %mul3A_1050 : vector<16xf32>
      %mul3A_1052 = arith.constant -2.12194442E-4 : f32
      %mul3A_1053 = vector.broadcast %mul3A_1052 : f32 to vector<16xf32>
      %mul3A_1054 = arith.mulf %convert_element_type3A_1047, %mul3A_1053 : vector<16xf32>
      %sub3A_1055 = arith.subf %sub3A_1051, %mul3A_1054 : vector<16xf32>
      %broadcast_in_dim3A_1056 = arith.constant 0.00138888892 : f32
      %broadcast_in_dim3A_1057 = vector.broadcast %broadcast_in_dim3A_1056 : f32 to vector<16xf32>
      %mul3A_1058 = arith.mulf %broadcast_in_dim3A_1057, %sub3A_1055 : vector<16xf32>
      %add3A_1059 = arith.constant 0.00833333377 : f32
      %add3A_1060 = vector.broadcast %add3A_1059 : f32 to vector<16xf32>
      %add3A_1061 = arith.addf %mul3A_1058, %add3A_1060 : vector<16xf32>
      %mul3A_1062 = arith.mulf %add3A_1061, %sub3A_1055 : vector<16xf32>
      %add3A_1063 = arith.constant 0.0416666679 : f32
      %add3A_1064 = vector.broadcast %add3A_1063 : f32 to vector<16xf32>
      %add3A_1065 = arith.addf %mul3A_1062, %add3A_1064 : vector<16xf32>
      %mul3A_1066 = arith.mulf %add3A_1065, %sub3A_1055 : vector<16xf32>
      %add3A_1067 = arith.constant 0.166666672 : f32
      %add3A_1068 = vector.broadcast %add3A_1067 : f32 to vector<16xf32>
      %add3A_1069 = arith.addf %mul3A_1066, %add3A_1068 : vector<16xf32>
      %mul3A_1070 = arith.mulf %add3A_1069, %sub3A_1055 : vector<16xf32>
      %add3A_1071 = arith.constant 5.000000e-01 : f32
      %add3A_1072 = vector.broadcast %add3A_1071 : f32 to vector<16xf32>
      %add3A_1073 = arith.addf %mul3A_1070, %add3A_1072 : vector<16xf32>
      %mul3A_1074 = arith.mulf %add3A_1073, %sub3A_1055 : vector<16xf32>
      %add3A_1075 = arith.constant 1.000000e+00 : f32
      %add3A_1076 = vector.broadcast %add3A_1075 : f32 to vector<16xf32>
      %add3A_1077 = arith.addf %mul3A_1074, %add3A_1076 : vector<16xf32>
      %mul3A_1078 = arith.mulf %add3A_1077, %sub3A_1055 : vector<16xf32>
      %add3A_1079 = arith.constant 1.000000e+00 : f32
      %add3A_1080 = vector.broadcast %add3A_1079 : f32 to vector<16xf32>
      %add3A_1081 = arith.addf %mul3A_1078, %add3A_1080 : vector<16xf32>
      %add3A_1082 = arith.constant 127 : i32
      %add3A_1083 = vector.broadcast %add3A_1082 : i32 to vector<16xi32>
      %add3A_1084 = arith.addi %min3A_1046, %add3A_1083 : vector<16xi32>
      %shift_left3A_1085 = arith.constant 23 : i32
      %shift_left3A_1086 = vector.broadcast %shift_left3A_1085 : i32 to vector<16xi32>
      %shift_left3A_1087 = arith.shli %add3A_1084, %shift_left3A_1086 : vector<16xi32>
      %bitcast_convert_type3A_1088 = tpu.bitcast %shift_left3A_1087 : vector<16xi32> -> vector<16xf32>
      %mul3A_1089 = arith.mulf %bitcast_convert_type3A_1088, %add3A_1081 : vector<16xf32>
      %add3A_1090 = arith.constant 1.000000e+00 : f32
      %add3A_1091 = vector.broadcast %add3A_1090 : f32 to vector<16xf32>
      %add3A_1092 = arith.addf %add3A_1091, %mul3A_1089 : vector<16xf32>
      %div3A_1093 = arith.constant 2.000000e+00 : f32
      %div3A_1094 = vector.broadcast %div3A_1093 : f32 to vector<16xf32>
      %div3A_1095 = arith.divf %div3A_1094, %add3A_1092 : vector<16xf32>
      %sub3A_1096 = arith.constant 1.000000e+00 : f32
      %sub3A_1097 = vector.broadcast %sub3A_1096 : f32 to vector<16xf32>
      %sub3A_1098 = arith.subf %div3A_1095, %sub3A_1097 : vector<16xf32>
      %broadcast_in_dim3A_1099 = vector.shape_cast %select_n3A_633 : vector<16xi32> to vector<16x1xi32>
      %gather3A_1100 = vector.shape_cast %broadcast_in_dim3A_1099 : vector<16x1xi32> to vector<16xi32>
      %gather3A_1101 = tpu.dynamic_gather %div3A_1022[%gather3A_1100] in [0] : vector<16xf32>, vector<16xi32> -> vector<16xf32>
      %jit3A_1102 = arith.constant 0.000000e+00 : f32
      %broadcast_in_dim3A_1103 = vector.broadcast %jit3A_1102 : f32 to vector<16xf32>
      %select_n3A_1104 = arith.select %lt3A_6, %gather3A_1101, %broadcast_in_dim3A_1103 : vector<16xi1>, vector<16xf32>
      %sub3A_1105 = arith.constant 1.000000e+00 : f32
      %sub3A_1106 = vector.broadcast %sub3A_1105 : f32 to vector<16xf32>
      %sub3A_1107 = arith.subf %sub3A_1106, %select_n3A_1104 : vector<16xf32>
      %mul3A_1108 = arith.mulf %sub3A_1107, %sub3A_1098 : vector<16xf32>
      %add3A_1109 = arith.addf %add3A_950, %mul3A_1108 : vector<16xf32>
      %mul3A_1110 = arith.mulf %select_n3A_1104, %select_n3A_45 : vector<16xf32>
      %add3A_1111 = arith.addf %add3A_1109, %mul3A_1110 : vector<16xf32>
      %add3A_1112 = arith.addf %scan3A_620#3, %scan3A_626#3 : vector<16xf32>
      %neg3A_1113 = arith.constant 0.000000e+00 : f32
      %neg3A_1114 = vector.broadcast %neg3A_1113 : f32 to vector<16xf32>
      %neg3A_1115 = arith.subf %neg3A_1114, %add3A_1112 : vector<16xf32>
      %mul3A_1116 = arith.constant 1.44269502 : f32
      %mul3A_1117 = vector.broadcast %mul3A_1116 : f32 to vector<16xf32>
      %mul3A_1118 = arith.mulf %neg3A_1115, %mul3A_1117 : vector<16xf32>
      %ge3A_1119 = arith.constant 0.000000e+00 : f32
      %ge3A_1120 = vector.broadcast %ge3A_1119 : f32 to vector<16xf32>
      %ge3A_1121 = arith.cmpf oge, %mul3A_1118, %ge3A_1120 : vector<16xf32>
      %jit3A_1122 = arith.constant 5.000000e-01 : f32
      %jit3A_1123 = arith.constant -5.000000e-01 : f32
      %broadcast_in_dim3A_1124 = vector.broadcast %jit3A_1122 : f32 to vector<16xf32>
      %broadcast_in_dim3A_1125 = vector.broadcast %jit3A_1123 : f32 to vector<16xf32>
      %select_n3A_1126 = arith.select %ge3A_1121, %broadcast_in_dim3A_1124, %broadcast_in_dim3A_1125 : vector<16xi1>, vector<16xf32>
      %add3A_1127 = arith.addf %mul3A_1118, %select_n3A_1126 : vector<16xf32>
      %convert_element_type3A_1128 = arith.fptosi %add3A_1127 : vector<16xf32> to vector<16xi32>
      %max3A_1129 = arith.constant -126 : i32
      %max3A_1130 = vector.broadcast %max3A_1129 : i32 to vector<16xi32>
      %max3A_1131 = arith.maxsi %convert_element_type3A_1128, %max3A_1130 : vector<16xi32>
      %min3A_1132 = arith.constant 126 : i32
      %min3A_1133 = vector.broadcast %min3A_1132 : i32 to vector<16xi32>
      %min3A_1134 = arith.minsi %max3A_1131, %min3A_1133 : vector<16xi32>
      %convert_element_type3A_1135 = arith.sitofp %min3A_1134 : vector<16xi32> to vector<16xf32>
      %mul3A_1136 = arith.constant 0.693359375 : f32
      %mul3A_1137 = vector.broadcast %mul3A_1136 : f32 to vector<16xf32>
      %mul3A_1138 = arith.mulf %convert_element_type3A_1135, %mul3A_1137 : vector<16xf32>
      %sub3A_1139 = arith.subf %neg3A_1115, %mul3A_1138 : vector<16xf32>
      %mul3A_1140 = arith.constant -2.12194442E-4 : f32
      %mul3A_1141 = vector.broadcast %mul3A_1140 : f32 to vector<16xf32>
      %mul3A_1142 = arith.mulf %convert_element_type3A_1135, %mul3A_1141 : vector<16xf32>
      %sub3A_1143 = arith.subf %sub3A_1139, %mul3A_1142 : vector<16xf32>
      %broadcast_in_dim3A_1144 = arith.constant 0.00138888892 : f32
      %broadcast_in_dim3A_1145 = vector.broadcast %broadcast_in_dim3A_1144 : f32 to vector<16xf32>
      %mul3A_1146 = arith.mulf %broadcast_in_dim3A_1145, %sub3A_1143 : vector<16xf32>
      %add3A_1147 = arith.constant 0.00833333377 : f32
      %add3A_1148 = vector.broadcast %add3A_1147 : f32 to vector<16xf32>
      %add3A_1149 = arith.addf %mul3A_1146, %add3A_1148 : vector<16xf32>
      %mul3A_1150 = arith.mulf %add3A_1149, %sub3A_1143 : vector<16xf32>
      %add3A_1151 = arith.constant 0.0416666679 : f32
      %add3A_1152 = vector.broadcast %add3A_1151 : f32 to vector<16xf32>
      %add3A_1153 = arith.addf %mul3A_1150, %add3A_1152 : vector<16xf32>
      %mul3A_1154 = arith.mulf %add3A_1153, %sub3A_1143 : vector<16xf32>
      %add3A_1155 = arith.constant 0.166666672 : f32
      %add3A_1156 = vector.broadcast %add3A_1155 : f32 to vector<16xf32>
      %add3A_1157 = arith.addf %mul3A_1154, %add3A_1156 : vector<16xf32>
      %mul3A_1158 = arith.mulf %add3A_1157, %sub3A_1143 : vector<16xf32>
      %add3A_1159 = arith.constant 5.000000e-01 : f32
      %add3A_1160 = vector.broadcast %add3A_1159 : f32 to vector<16xf32>
      %add3A_1161 = arith.addf %mul3A_1158, %add3A_1160 : vector<16xf32>
      %mul3A_1162 = arith.mulf %add3A_1161, %sub3A_1143 : vector<16xf32>
      %add3A_1163 = arith.constant 1.000000e+00 : f32
      %add3A_1164 = vector.broadcast %add3A_1163 : f32 to vector<16xf32>
      %add3A_1165 = arith.addf %mul3A_1162, %add3A_1164 : vector<16xf32>
      %mul3A_1166 = arith.mulf %add3A_1165, %sub3A_1143 : vector<16xf32>
      %add3A_1167 = arith.constant 1.000000e+00 : f32
      %add3A_1168 = vector.broadcast %add3A_1167 : f32 to vector<16xf32>
      %add3A_1169 = arith.addf %mul3A_1166, %add3A_1168 : vector<16xf32>
      %add3A_1170 = arith.constant 127 : i32
      %add3A_1171 = vector.broadcast %add3A_1170 : i32 to vector<16xi32>
      %add3A_1172 = arith.addi %min3A_1134, %add3A_1171 : vector<16xi32>
      %shift_left3A_1173 = arith.constant 23 : i32
      %shift_left3A_1174 = vector.broadcast %shift_left3A_1173 : i32 to vector<16xi32>
      %shift_left3A_1175 = arith.shli %add3A_1172, %shift_left3A_1174 : vector<16xi32>
      %bitcast_convert_type3A_1176 = tpu.bitcast %shift_left3A_1175 : vector<16xi32> -> vector<16xf32>
      %mul3A_1177 = arith.mulf %bitcast_convert_type3A_1176, %add3A_1169 : vector<16xf32>
      %add3A_1178 = arith.constant 1.000000e+00 : f32
      %add3A_1179 = vector.broadcast %add3A_1178 : f32 to vector<16xf32>
      %add3A_1180 = arith.addf %add3A_1179, %mul3A_1177 : vector<16xf32>
      %div3A_1181 = arith.constant 1.000000e+00 : f32
      %div3A_1182 = vector.broadcast %div3A_1181 : f32 to vector<16xf32>
      %div3A_1183 = arith.divf %div3A_1182, %add3A_1180 : vector<16xf32>
      %mul3A_1184 = arith.mulf %div3A_1183, %scan3A_626#11 : vector<16xf32>
      %add3A_1185 = arith.addf %scan3A_620#11, %mul3A_1184 : vector<16xf32>
      %mul3A_1186 = arith.constant -2.000000e+00 : f32
      %mul3A_1187 = vector.broadcast %mul3A_1186 : f32 to vector<16xf32>
      %mul3A_1188 = arith.mulf %mul3A_1187, %add3A_1185 : vector<16xf32>
      %mul3A_1189 = arith.constant 1.44269502 : f32
      %mul3A_1190 = vector.broadcast %mul3A_1189 : f32 to vector<16xf32>
      %mul3A_1191 = arith.mulf %mul3A_1188, %mul3A_1190 : vector<16xf32>
      %ge3A_1192 = arith.constant 0.000000e+00 : f32
      %ge3A_1193 = vector.broadcast %ge3A_1192 : f32 to vector<16xf32>
      %ge3A_1194 = arith.cmpf oge, %mul3A_1191, %ge3A_1193 : vector<16xf32>
      %jit3A_1195 = arith.constant 5.000000e-01 : f32
      %jit3A_1196 = arith.constant -5.000000e-01 : f32
      %broadcast_in_dim3A_1197 = vector.broadcast %jit3A_1195 : f32 to vector<16xf32>
      %broadcast_in_dim3A_1198 = vector.broadcast %jit3A_1196 : f32 to vector<16xf32>
      %select_n3A_1199 = arith.select %ge3A_1194, %broadcast_in_dim3A_1197, %broadcast_in_dim3A_1198 : vector<16xi1>, vector<16xf32>
      %add3A_1200 = arith.addf %mul3A_1191, %select_n3A_1199 : vector<16xf32>
      %convert_element_type3A_1201 = arith.fptosi %add3A_1200 : vector<16xf32> to vector<16xi32>
      %max3A_1202 = arith.constant -126 : i32
      %max3A_1203 = vector.broadcast %max3A_1202 : i32 to vector<16xi32>
      %max3A_1204 = arith.maxsi %convert_element_type3A_1201, %max3A_1203 : vector<16xi32>
      %min3A_1205 = arith.constant 126 : i32
      %min3A_1206 = vector.broadcast %min3A_1205 : i32 to vector<16xi32>
      %min3A_1207 = arith.minsi %max3A_1204, %min3A_1206 : vector<16xi32>
      %convert_element_type3A_1208 = arith.sitofp %min3A_1207 : vector<16xi32> to vector<16xf32>
      %mul3A_1209 = arith.constant 0.693359375 : f32
      %mul3A_1210 = vector.broadcast %mul3A_1209 : f32 to vector<16xf32>
      %mul3A_1211 = arith.mulf %convert_element_type3A_1208, %mul3A_1210 : vector<16xf32>
      %sub3A_1212 = arith.subf %mul3A_1188, %mul3A_1211 : vector<16xf32>
      %mul3A_1213 = arith.constant -2.12194442E-4 : f32
      %mul3A_1214 = vector.broadcast %mul3A_1213 : f32 to vector<16xf32>
      %mul3A_1215 = arith.mulf %convert_element_type3A_1208, %mul3A_1214 : vector<16xf32>
      %sub3A_1216 = arith.subf %sub3A_1212, %mul3A_1215 : vector<16xf32>
      %broadcast_in_dim3A_1217 = arith.constant 0.00138888892 : f32
      %broadcast_in_dim3A_1218 = vector.broadcast %broadcast_in_dim3A_1217 : f32 to vector<16xf32>
      %mul3A_1219 = arith.mulf %broadcast_in_dim3A_1218, %sub3A_1216 : vector<16xf32>
      %add3A_1220 = arith.constant 0.00833333377 : f32
      %add3A_1221 = vector.broadcast %add3A_1220 : f32 to vector<16xf32>
      %add3A_1222 = arith.addf %mul3A_1219, %add3A_1221 : vector<16xf32>
      %mul3A_1223 = arith.mulf %add3A_1222, %sub3A_1216 : vector<16xf32>
      %add3A_1224 = arith.constant 0.0416666679 : f32
      %add3A_1225 = vector.broadcast %add3A_1224 : f32 to vector<16xf32>
      %add3A_1226 = arith.addf %mul3A_1223, %add3A_1225 : vector<16xf32>
      %mul3A_1227 = arith.mulf %add3A_1226, %sub3A_1216 : vector<16xf32>
      %add3A_1228 = arith.constant 0.166666672 : f32
      %add3A_1229 = vector.broadcast %add3A_1228 : f32 to vector<16xf32>
      %add3A_1230 = arith.addf %mul3A_1227, %add3A_1229 : vector<16xf32>
      %mul3A_1231 = arith.mulf %add3A_1230, %sub3A_1216 : vector<16xf32>
      %add3A_1232 = arith.constant 5.000000e-01 : f32
      %add3A_1233 = vector.broadcast %add3A_1232 : f32 to vector<16xf32>
      %add3A_1234 = arith.addf %mul3A_1231, %add3A_1233 : vector<16xf32>
      %mul3A_1235 = arith.mulf %add3A_1234, %sub3A_1216 : vector<16xf32>
      %add3A_1236 = arith.constant 1.000000e+00 : f32
      %add3A_1237 = vector.broadcast %add3A_1236 : f32 to vector<16xf32>
      %add3A_1238 = arith.addf %mul3A_1235, %add3A_1237 : vector<16xf32>
      %mul3A_1239 = arith.mulf %add3A_1238, %sub3A_1216 : vector<16xf32>
      %add3A_1240 = arith.constant 1.000000e+00 : f32
      %add3A_1241 = vector.broadcast %add3A_1240 : f32 to vector<16xf32>
      %add3A_1242 = arith.addf %mul3A_1239, %add3A_1241 : vector<16xf32>
      %add3A_1243 = arith.constant 127 : i32
      %add3A_1244 = vector.broadcast %add3A_1243 : i32 to vector<16xi32>
      %add3A_1245 = arith.addi %min3A_1207, %add3A_1244 : vector<16xi32>
      %shift_left3A_1246 = arith.constant 23 : i32
      %shift_left3A_1247 = vector.broadcast %shift_left3A_1246 : i32 to vector<16xi32>
      %shift_left3A_1248 = arith.shli %add3A_1245, %shift_left3A_1247 : vector<16xi32>
      %bitcast_convert_type3A_1249 = tpu.bitcast %shift_left3A_1248 : vector<16xi32> -> vector<16xf32>
      %mul3A_1250 = arith.mulf %bitcast_convert_type3A_1249, %add3A_1242 : vector<16xf32>
      %add3A_1251 = arith.constant 1.000000e+00 : f32
      %add3A_1252 = vector.broadcast %add3A_1251 : f32 to vector<16xf32>
      %add3A_1253 = arith.addf %add3A_1252, %mul3A_1250 : vector<16xf32>
      %div3A_1254 = arith.constant 2.000000e+00 : f32
      %div3A_1255 = vector.broadcast %div3A_1254 : f32 to vector<16xf32>
      %div3A_1256 = arith.divf %div3A_1255, %add3A_1253 : vector<16xf32>
      %sub3A_1257 = arith.constant 1.000000e+00 : f32
      %sub3A_1258 = vector.broadcast %sub3A_1257 : f32 to vector<16xf32>
      %sub3A_1259 = arith.subf %div3A_1256, %sub3A_1258 : vector<16xf32>
      %broadcast_in_dim3A_1260 = vector.shape_cast %select_n3A_633 : vector<16xi32> to vector<16x1xi32>
      %gather3A_1261 = vector.shape_cast %broadcast_in_dim3A_1260 : vector<16x1xi32> to vector<16xi32>
      %gather3A_1262 = tpu.dynamic_gather %div3A_1183[%gather3A_1261] in [0] : vector<16xf32>, vector<16xi32> -> vector<16xf32>
      %jit3A_1263 = arith.constant 0.000000e+00 : f32
      %broadcast_in_dim3A_1264 = vector.broadcast %jit3A_1263 : f32 to vector<16xf32>
      %select_n3A_1265 = arith.select %lt3A_6, %gather3A_1262, %broadcast_in_dim3A_1264 : vector<16xi1>, vector<16xf32>
      %sub3A_1266 = arith.constant 1.000000e+00 : f32
      %sub3A_1267 = vector.broadcast %sub3A_1266 : f32 to vector<16xf32>
      %sub3A_1268 = arith.subf %sub3A_1267, %select_n3A_1265 : vector<16xf32>
      %mul3A_1269 = arith.mulf %sub3A_1268, %sub3A_1259 : vector<16xf32>
      %add3A_1270 = arith.addf %add3A_1111, %mul3A_1269 : vector<16xf32>
      %mul3A_1271 = arith.mulf %select_n3A_1265, %select_n3A_52 : vector<16xf32>
      %add3A_1272 = arith.addf %add3A_1270, %mul3A_1271 : vector<16xf32>
      %add3A_1273 = arith.addf %scan3A_620#4, %scan3A_626#4 : vector<16xf32>
      %neg3A_1274 = arith.constant 0.000000e+00 : f32
      %neg3A_1275 = vector.broadcast %neg3A_1274 : f32 to vector<16xf32>
      %neg3A_1276 = arith.subf %neg3A_1275, %add3A_1273 : vector<16xf32>
      %mul3A_1277 = arith.constant 1.44269502 : f32
      %mul3A_1278 = vector.broadcast %mul3A_1277 : f32 to vector<16xf32>
      %mul3A_1279 = arith.mulf %neg3A_1276, %mul3A_1278 : vector<16xf32>
      %ge3A_1280 = arith.constant 0.000000e+00 : f32
      %ge3A_1281 = vector.broadcast %ge3A_1280 : f32 to vector<16xf32>
      %ge3A_1282 = arith.cmpf oge, %mul3A_1279, %ge3A_1281 : vector<16xf32>
      %jit3A_1283 = arith.constant 5.000000e-01 : f32
      %jit3A_1284 = arith.constant -5.000000e-01 : f32
      %broadcast_in_dim3A_1285 = vector.broadcast %jit3A_1283 : f32 to vector<16xf32>
      %broadcast_in_dim3A_1286 = vector.broadcast %jit3A_1284 : f32 to vector<16xf32>
      %select_n3A_1287 = arith.select %ge3A_1282, %broadcast_in_dim3A_1285, %broadcast_in_dim3A_1286 : vector<16xi1>, vector<16xf32>
      %add3A_1288 = arith.addf %mul3A_1279, %select_n3A_1287 : vector<16xf32>
      %convert_element_type3A_1289 = arith.fptosi %add3A_1288 : vector<16xf32> to vector<16xi32>
      %max3A_1290 = arith.constant -126 : i32
      %max3A_1291 = vector.broadcast %max3A_1290 : i32 to vector<16xi32>
      %max3A_1292 = arith.maxsi %convert_element_type3A_1289, %max3A_1291 : vector<16xi32>
      %min3A_1293 = arith.constant 126 : i32
      %min3A_1294 = vector.broadcast %min3A_1293 : i32 to vector<16xi32>
      %min3A_1295 = arith.minsi %max3A_1292, %min3A_1294 : vector<16xi32>
      %convert_element_type3A_1296 = arith.sitofp %min3A_1295 : vector<16xi32> to vector<16xf32>
      %mul3A_1297 = arith.constant 0.693359375 : f32
      %mul3A_1298 = vector.broadcast %mul3A_1297 : f32 to vector<16xf32>
      %mul3A_1299 = arith.mulf %convert_element_type3A_1296, %mul3A_1298 : vector<16xf32>
      %sub3A_1300 = arith.subf %neg3A_1276, %mul3A_1299 : vector<16xf32>
      %mul3A_1301 = arith.constant -2.12194442E-4 : f32
      %mul3A_1302 = vector.broadcast %mul3A_1301 : f32 to vector<16xf32>
      %mul3A_1303 = arith.mulf %convert_element_type3A_1296, %mul3A_1302 : vector<16xf32>
      %sub3A_1304 = arith.subf %sub3A_1300, %mul3A_1303 : vector<16xf32>
      %broadcast_in_dim3A_1305 = arith.constant 0.00138888892 : f32
      %broadcast_in_dim3A_1306 = vector.broadcast %broadcast_in_dim3A_1305 : f32 to vector<16xf32>
      %mul3A_1307 = arith.mulf %broadcast_in_dim3A_1306, %sub3A_1304 : vector<16xf32>
      %add3A_1308 = arith.constant 0.00833333377 : f32
      %add3A_1309 = vector.broadcast %add3A_1308 : f32 to vector<16xf32>
      %add3A_1310 = arith.addf %mul3A_1307, %add3A_1309 : vector<16xf32>
      %mul3A_1311 = arith.mulf %add3A_1310, %sub3A_1304 : vector<16xf32>
      %add3A_1312 = arith.constant 0.0416666679 : f32
      %add3A_1313 = vector.broadcast %add3A_1312 : f32 to vector<16xf32>
      %add3A_1314 = arith.addf %mul3A_1311, %add3A_1313 : vector<16xf32>
      %mul3A_1315 = arith.mulf %add3A_1314, %sub3A_1304 : vector<16xf32>
      %add3A_1316 = arith.constant 0.166666672 : f32
      %add3A_1317 = vector.broadcast %add3A_1316 : f32 to vector<16xf32>
      %add3A_1318 = arith.addf %mul3A_1315, %add3A_1317 : vector<16xf32>
      %mul3A_1319 = arith.mulf %add3A_1318, %sub3A_1304 : vector<16xf32>
      %add3A_1320 = arith.constant 5.000000e-01 : f32
      %add3A_1321 = vector.broadcast %add3A_1320 : f32 to vector<16xf32>
      %add3A_1322 = arith.addf %mul3A_1319, %add3A_1321 : vector<16xf32>
      %mul3A_1323 = arith.mulf %add3A_1322, %sub3A_1304 : vector<16xf32>
      %add3A_1324 = arith.constant 1.000000e+00 : f32
      %add3A_1325 = vector.broadcast %add3A_1324 : f32 to vector<16xf32>
      %add3A_1326 = arith.addf %mul3A_1323, %add3A_1325 : vector<16xf32>
      %mul3A_1327 = arith.mulf %add3A_1326, %sub3A_1304 : vector<16xf32>
      %add3A_1328 = arith.constant 1.000000e+00 : f32
      %add3A_1329 = vector.broadcast %add3A_1328 : f32 to vector<16xf32>
      %add3A_1330 = arith.addf %mul3A_1327, %add3A_1329 : vector<16xf32>
      %add3A_1331 = arith.constant 127 : i32
      %add3A_1332 = vector.broadcast %add3A_1331 : i32 to vector<16xi32>
      %add3A_1333 = arith.addi %min3A_1295, %add3A_1332 : vector<16xi32>
      %shift_left3A_1334 = arith.constant 23 : i32
      %shift_left3A_1335 = vector.broadcast %shift_left3A_1334 : i32 to vector<16xi32>
      %shift_left3A_1336 = arith.shli %add3A_1333, %shift_left3A_1335 : vector<16xi32>
      %bitcast_convert_type3A_1337 = tpu.bitcast %shift_left3A_1336 : vector<16xi32> -> vector<16xf32>
      %mul3A_1338 = arith.mulf %bitcast_convert_type3A_1337, %add3A_1330 : vector<16xf32>
      %add3A_1339 = arith.constant 1.000000e+00 : f32
      %add3A_1340 = vector.broadcast %add3A_1339 : f32 to vector<16xf32>
      %add3A_1341 = arith.addf %add3A_1340, %mul3A_1338 : vector<16xf32>
      %div3A_1342 = arith.constant 1.000000e+00 : f32
      %div3A_1343 = vector.broadcast %div3A_1342 : f32 to vector<16xf32>
      %div3A_1344 = arith.divf %div3A_1343, %add3A_1341 : vector<16xf32>
      %mul3A_1345 = arith.mulf %div3A_1344, %scan3A_626#12 : vector<16xf32>
      %add3A_1346 = arith.addf %scan3A_620#12, %mul3A_1345 : vector<16xf32>
      %mul3A_1347 = arith.constant -2.000000e+00 : f32
      %mul3A_1348 = vector.broadcast %mul3A_1347 : f32 to vector<16xf32>
      %mul3A_1349 = arith.mulf %mul3A_1348, %add3A_1346 : vector<16xf32>
      %mul3A_1350 = arith.constant 1.44269502 : f32
      %mul3A_1351 = vector.broadcast %mul3A_1350 : f32 to vector<16xf32>
      %mul3A_1352 = arith.mulf %mul3A_1349, %mul3A_1351 : vector<16xf32>
      %ge3A_1353 = arith.constant 0.000000e+00 : f32
      %ge3A_1354 = vector.broadcast %ge3A_1353 : f32 to vector<16xf32>
      %ge3A_1355 = arith.cmpf oge, %mul3A_1352, %ge3A_1354 : vector<16xf32>
      %jit3A_1356 = arith.constant 5.000000e-01 : f32
      %jit3A_1357 = arith.constant -5.000000e-01 : f32
      %broadcast_in_dim3A_1358 = vector.broadcast %jit3A_1356 : f32 to vector<16xf32>
      %broadcast_in_dim3A_1359 = vector.broadcast %jit3A_1357 : f32 to vector<16xf32>
      %select_n3A_1360 = arith.select %ge3A_1355, %broadcast_in_dim3A_1358, %broadcast_in_dim3A_1359 : vector<16xi1>, vector<16xf32>
      %add3A_1361 = arith.addf %mul3A_1352, %select_n3A_1360 : vector<16xf32>
      %convert_element_type3A_1362 = arith.fptosi %add3A_1361 : vector<16xf32> to vector<16xi32>
      %max3A_1363 = arith.constant -126 : i32
      %max3A_1364 = vector.broadcast %max3A_1363 : i32 to vector<16xi32>
      %max3A_1365 = arith.maxsi %convert_element_type3A_1362, %max3A_1364 : vector<16xi32>
      %min3A_1366 = arith.constant 126 : i32
      %min3A_1367 = vector.broadcast %min3A_1366 : i32 to vector<16xi32>
      %min3A_1368 = arith.minsi %max3A_1365, %min3A_1367 : vector<16xi32>
      %convert_element_type3A_1369 = arith.sitofp %min3A_1368 : vector<16xi32> to vector<16xf32>
      %mul3A_1370 = arith.constant 0.693359375 : f32
      %mul3A_1371 = vector.broadcast %mul3A_1370 : f32 to vector<16xf32>
      %mul3A_1372 = arith.mulf %convert_element_type3A_1369, %mul3A_1371 : vector<16xf32>
      %sub3A_1373 = arith.subf %mul3A_1349, %mul3A_1372 : vector<16xf32>
      %mul3A_1374 = arith.constant -2.12194442E-4 : f32
      %mul3A_1375 = vector.broadcast %mul3A_1374 : f32 to vector<16xf32>
      %mul3A_1376 = arith.mulf %convert_element_type3A_1369, %mul3A_1375 : vector<16xf32>
      %sub3A_1377 = arith.subf %sub3A_1373, %mul3A_1376 : vector<16xf32>
      %broadcast_in_dim3A_1378 = arith.constant 0.00138888892 : f32
      %broadcast_in_dim3A_1379 = vector.broadcast %broadcast_in_dim3A_1378 : f32 to vector<16xf32>
      %mul3A_1380 = arith.mulf %broadcast_in_dim3A_1379, %sub3A_1377 : vector<16xf32>
      %add3A_1381 = arith.constant 0.00833333377 : f32
      %add3A_1382 = vector.broadcast %add3A_1381 : f32 to vector<16xf32>
      %add3A_1383 = arith.addf %mul3A_1380, %add3A_1382 : vector<16xf32>
      %mul3A_1384 = arith.mulf %add3A_1383, %sub3A_1377 : vector<16xf32>
      %add3A_1385 = arith.constant 0.0416666679 : f32
      %add3A_1386 = vector.broadcast %add3A_1385 : f32 to vector<16xf32>
      %add3A_1387 = arith.addf %mul3A_1384, %add3A_1386 : vector<16xf32>
      %mul3A_1388 = arith.mulf %add3A_1387, %sub3A_1377 : vector<16xf32>
      %add3A_1389 = arith.constant 0.166666672 : f32
      %add3A_1390 = vector.broadcast %add3A_1389 : f32 to vector<16xf32>
      %add3A_1391 = arith.addf %mul3A_1388, %add3A_1390 : vector<16xf32>
      %mul3A_1392 = arith.mulf %add3A_1391, %sub3A_1377 : vector<16xf32>
      %add3A_1393 = arith.constant 5.000000e-01 : f32
      %add3A_1394 = vector.broadcast %add3A_1393 : f32 to vector<16xf32>
      %add3A_1395 = arith.addf %mul3A_1392, %add3A_1394 : vector<16xf32>
      %mul3A_1396 = arith.mulf %add3A_1395, %sub3A_1377 : vector<16xf32>
      %add3A_1397 = arith.constant 1.000000e+00 : f32
      %add3A_1398 = vector.broadcast %add3A_1397 : f32 to vector<16xf32>
      %add3A_1399 = arith.addf %mul3A_1396, %add3A_1398 : vector<16xf32>
      %mul3A_1400 = arith.mulf %add3A_1399, %sub3A_1377 : vector<16xf32>
      %add3A_1401 = arith.constant 1.000000e+00 : f32
      %add3A_1402 = vector.broadcast %add3A_1401 : f32 to vector<16xf32>
      %add3A_1403 = arith.addf %mul3A_1400, %add3A_1402 : vector<16xf32>
      %add3A_1404 = arith.constant 127 : i32
      %add3A_1405 = vector.broadcast %add3A_1404 : i32 to vector<16xi32>
      %add3A_1406 = arith.addi %min3A_1368, %add3A_1405 : vector<16xi32>
      %shift_left3A_1407 = arith.constant 23 : i32
      %shift_left3A_1408 = vector.broadcast %shift_left3A_1407 : i32 to vector<16xi32>
      %shift_left3A_1409 = arith.shli %add3A_1406, %shift_left3A_1408 : vector<16xi32>
      %bitcast_convert_type3A_1410 = tpu.bitcast %shift_left3A_1409 : vector<16xi32> -> vector<16xf32>
      %mul3A_1411 = arith.mulf %bitcast_convert_type3A_1410, %add3A_1403 : vector<16xf32>
      %add3A_1412 = arith.constant 1.000000e+00 : f32
      %add3A_1413 = vector.broadcast %add3A_1412 : f32 to vector<16xf32>
      %add3A_1414 = arith.addf %add3A_1413, %mul3A_1411 : vector<16xf32>
      %div3A_1415 = arith.constant 2.000000e+00 : f32
      %div3A_1416 = vector.broadcast %div3A_1415 : f32 to vector<16xf32>
      %div3A_1417 = arith.divf %div3A_1416, %add3A_1414 : vector<16xf32>
      %sub3A_1418 = arith.constant 1.000000e+00 : f32
      %sub3A_1419 = vector.broadcast %sub3A_1418 : f32 to vector<16xf32>
      %sub3A_1420 = arith.subf %div3A_1417, %sub3A_1419 : vector<16xf32>
      %broadcast_in_dim3A_1421 = vector.shape_cast %select_n3A_633 : vector<16xi32> to vector<16x1xi32>
      %gather3A_1422 = vector.shape_cast %broadcast_in_dim3A_1421 : vector<16x1xi32> to vector<16xi32>
      %gather3A_1423 = tpu.dynamic_gather %div3A_1344[%gather3A_1422] in [0] : vector<16xf32>, vector<16xi32> -> vector<16xf32>
      %jit3A_1424 = arith.constant 0.000000e+00 : f32
      %broadcast_in_dim3A_1425 = vector.broadcast %jit3A_1424 : f32 to vector<16xf32>
      %select_n3A_1426 = arith.select %lt3A_6, %gather3A_1423, %broadcast_in_dim3A_1425 : vector<16xi1>, vector<16xf32>
      %sub3A_1427 = arith.constant 1.000000e+00 : f32
      %sub3A_1428 = vector.broadcast %sub3A_1427 : f32 to vector<16xf32>
      %sub3A_1429 = arith.subf %sub3A_1428, %select_n3A_1426 : vector<16xf32>
      %mul3A_1430 = arith.mulf %sub3A_1429, %sub3A_1420 : vector<16xf32>
      %add3A_1431 = arith.addf %add3A_1272, %mul3A_1430 : vector<16xf32>
      %mul3A_1432 = arith.mulf %select_n3A_1426, %select_n3A_59 : vector<16xf32>
      %add3A_1433 = arith.addf %add3A_1431, %mul3A_1432 : vector<16xf32>
      %add3A_1434 = arith.addf %scan3A_620#5, %scan3A_626#5 : vector<16xf32>
      %neg3A_1435 = arith.constant 0.000000e+00 : f32
      %neg3A_1436 = vector.broadcast %neg3A_1435 : f32 to vector<16xf32>
      %neg3A_1437 = arith.subf %neg3A_1436, %add3A_1434 : vector<16xf32>
      %mul3A_1438 = arith.constant 1.44269502 : f32
      %mul3A_1439 = vector.broadcast %mul3A_1438 : f32 to vector<16xf32>
      %mul3A_1440 = arith.mulf %neg3A_1437, %mul3A_1439 : vector<16xf32>
      %ge3A_1441 = arith.constant 0.000000e+00 : f32
      %ge3A_1442 = vector.broadcast %ge3A_1441 : f32 to vector<16xf32>
      %ge3A_1443 = arith.cmpf oge, %mul3A_1440, %ge3A_1442 : vector<16xf32>
      %jit3A_1444 = arith.constant 5.000000e-01 : f32
      %jit3A_1445 = arith.constant -5.000000e-01 : f32
      %broadcast_in_dim3A_1446 = vector.broadcast %jit3A_1444 : f32 to vector<16xf32>
      %broadcast_in_dim3A_1447 = vector.broadcast %jit3A_1445 : f32 to vector<16xf32>
      %select_n3A_1448 = arith.select %ge3A_1443, %broadcast_in_dim3A_1446, %broadcast_in_dim3A_1447 : vector<16xi1>, vector<16xf32>
      %add3A_1449 = arith.addf %mul3A_1440, %select_n3A_1448 : vector<16xf32>
      %convert_element_type3A_1450 = arith.fptosi %add3A_1449 : vector<16xf32> to vector<16xi32>
      %max3A_1451 = arith.constant -126 : i32
      %max3A_1452 = vector.broadcast %max3A_1451 : i32 to vector<16xi32>
      %max3A_1453 = arith.maxsi %convert_element_type3A_1450, %max3A_1452 : vector<16xi32>
      %min3A_1454 = arith.constant 126 : i32
      %min3A_1455 = vector.broadcast %min3A_1454 : i32 to vector<16xi32>
      %min3A_1456 = arith.minsi %max3A_1453, %min3A_1455 : vector<16xi32>
      %convert_element_type3A_1457 = arith.sitofp %min3A_1456 : vector<16xi32> to vector<16xf32>
      %mul3A_1458 = arith.constant 0.693359375 : f32
      %mul3A_1459 = vector.broadcast %mul3A_1458 : f32 to vector<16xf32>
      %mul3A_1460 = arith.mulf %convert_element_type3A_1457, %mul3A_1459 : vector<16xf32>
      %sub3A_1461 = arith.subf %neg3A_1437, %mul3A_1460 : vector<16xf32>
      %mul3A_1462 = arith.constant -2.12194442E-4 : f32
      %mul3A_1463 = vector.broadcast %mul3A_1462 : f32 to vector<16xf32>
      %mul3A_1464 = arith.mulf %convert_element_type3A_1457, %mul3A_1463 : vector<16xf32>
      %sub3A_1465 = arith.subf %sub3A_1461, %mul3A_1464 : vector<16xf32>
      %broadcast_in_dim3A_1466 = arith.constant 0.00138888892 : f32
      %broadcast_in_dim3A_1467 = vector.broadcast %broadcast_in_dim3A_1466 : f32 to vector<16xf32>
      %mul3A_1468 = arith.mulf %broadcast_in_dim3A_1467, %sub3A_1465 : vector<16xf32>
      %add3A_1469 = arith.constant 0.00833333377 : f32
      %add3A_1470 = vector.broadcast %add3A_1469 : f32 to vector<16xf32>
      %add3A_1471 = arith.addf %mul3A_1468, %add3A_1470 : vector<16xf32>
      %mul3A_1472 = arith.mulf %add3A_1471, %sub3A_1465 : vector<16xf32>
      %add3A_1473 = arith.constant 0.0416666679 : f32
      %add3A_1474 = vector.broadcast %add3A_1473 : f32 to vector<16xf32>
      %add3A_1475 = arith.addf %mul3A_1472, %add3A_1474 : vector<16xf32>
      %mul3A_1476 = arith.mulf %add3A_1475, %sub3A_1465 : vector<16xf32>
      %add3A_1477 = arith.constant 0.166666672 : f32
      %add3A_1478 = vector.broadcast %add3A_1477 : f32 to vector<16xf32>
      %add3A_1479 = arith.addf %mul3A_1476, %add3A_1478 : vector<16xf32>
      %mul3A_1480 = arith.mulf %add3A_1479, %sub3A_1465 : vector<16xf32>
      %add3A_1481 = arith.constant 5.000000e-01 : f32
      %add3A_1482 = vector.broadcast %add3A_1481 : f32 to vector<16xf32>
      %add3A_1483 = arith.addf %mul3A_1480, %add3A_1482 : vector<16xf32>
      %mul3A_1484 = arith.mulf %add3A_1483, %sub3A_1465 : vector<16xf32>
      %add3A_1485 = arith.constant 1.000000e+00 : f32
      %add3A_1486 = vector.broadcast %add3A_1485 : f32 to vector<16xf32>
      %add3A_1487 = arith.addf %mul3A_1484, %add3A_1486 : vector<16xf32>
      %mul3A_1488 = arith.mulf %add3A_1487, %sub3A_1465 : vector<16xf32>
      %add3A_1489 = arith.constant 1.000000e+00 : f32
      %add3A_1490 = vector.broadcast %add3A_1489 : f32 to vector<16xf32>
      %add3A_1491 = arith.addf %mul3A_1488, %add3A_1490 : vector<16xf32>
      %add3A_1492 = arith.constant 127 : i32
      %add3A_1493 = vector.broadcast %add3A_1492 : i32 to vector<16xi32>
      %add3A_1494 = arith.addi %min3A_1456, %add3A_1493 : vector<16xi32>
      %shift_left3A_1495 = arith.constant 23 : i32
      %shift_left3A_1496 = vector.broadcast %shift_left3A_1495 : i32 to vector<16xi32>
      %shift_left3A_1497 = arith.shli %add3A_1494, %shift_left3A_1496 : vector<16xi32>
      %bitcast_convert_type3A_1498 = tpu.bitcast %shift_left3A_1497 : vector<16xi32> -> vector<16xf32>
      %mul3A_1499 = arith.mulf %bitcast_convert_type3A_1498, %add3A_1491 : vector<16xf32>
      %add3A_1500 = arith.constant 1.000000e+00 : f32
      %add3A_1501 = vector.broadcast %add3A_1500 : f32 to vector<16xf32>
      %add3A_1502 = arith.addf %add3A_1501, %mul3A_1499 : vector<16xf32>
      %div3A_1503 = arith.constant 1.000000e+00 : f32
      %div3A_1504 = vector.broadcast %div3A_1503 : f32 to vector<16xf32>
      %div3A_1505 = arith.divf %div3A_1504, %add3A_1502 : vector<16xf32>
      %mul3A_1506 = arith.mulf %div3A_1505, %scan3A_626#13 : vector<16xf32>
      %add3A_1507 = arith.addf %scan3A_620#13, %mul3A_1506 : vector<16xf32>
      %mul3A_1508 = arith.constant -2.000000e+00 : f32
      %mul3A_1509 = vector.broadcast %mul3A_1508 : f32 to vector<16xf32>
      %mul3A_1510 = arith.mulf %mul3A_1509, %add3A_1507 : vector<16xf32>
      %mul3A_1511 = arith.constant 1.44269502 : f32
      %mul3A_1512 = vector.broadcast %mul3A_1511 : f32 to vector<16xf32>
      %mul3A_1513 = arith.mulf %mul3A_1510, %mul3A_1512 : vector<16xf32>
      %ge3A_1514 = arith.constant 0.000000e+00 : f32
      %ge3A_1515 = vector.broadcast %ge3A_1514 : f32 to vector<16xf32>
      %ge3A_1516 = arith.cmpf oge, %mul3A_1513, %ge3A_1515 : vector<16xf32>
      %jit3A_1517 = arith.constant 5.000000e-01 : f32
      %jit3A_1518 = arith.constant -5.000000e-01 : f32
      %broadcast_in_dim3A_1519 = vector.broadcast %jit3A_1517 : f32 to vector<16xf32>
      %broadcast_in_dim3A_1520 = vector.broadcast %jit3A_1518 : f32 to vector<16xf32>
      %select_n3A_1521 = arith.select %ge3A_1516, %broadcast_in_dim3A_1519, %broadcast_in_dim3A_1520 : vector<16xi1>, vector<16xf32>
      %add3A_1522 = arith.addf %mul3A_1513, %select_n3A_1521 : vector<16xf32>
      %convert_element_type3A_1523 = arith.fptosi %add3A_1522 : vector<16xf32> to vector<16xi32>
      %max3A_1524 = arith.constant -126 : i32
      %max3A_1525 = vector.broadcast %max3A_1524 : i32 to vector<16xi32>
      %max3A_1526 = arith.maxsi %convert_element_type3A_1523, %max3A_1525 : vector<16xi32>
      %min3A_1527 = arith.constant 126 : i32
      %min3A_1528 = vector.broadcast %min3A_1527 : i32 to vector<16xi32>
      %min3A_1529 = arith.minsi %max3A_1526, %min3A_1528 : vector<16xi32>
      %convert_element_type3A_1530 = arith.sitofp %min3A_1529 : vector<16xi32> to vector<16xf32>
      %mul3A_1531 = arith.constant 0.693359375 : f32
      %mul3A_1532 = vector.broadcast %mul3A_1531 : f32 to vector<16xf32>
      %mul3A_1533 = arith.mulf %convert_element_type3A_1530, %mul3A_1532 : vector<16xf32>
      %sub3A_1534 = arith.subf %mul3A_1510, %mul3A_1533 : vector<16xf32>
      %mul3A_1535 = arith.constant -2.12194442E-4 : f32
      %mul3A_1536 = vector.broadcast %mul3A_1535 : f32 to vector<16xf32>
      %mul3A_1537 = arith.mulf %convert_element_type3A_1530, %mul3A_1536 : vector<16xf32>
      %sub3A_1538 = arith.subf %sub3A_1534, %mul3A_1537 : vector<16xf32>
      %broadcast_in_dim3A_1539 = arith.constant 0.00138888892 : f32
      %broadcast_in_dim3A_1540 = vector.broadcast %broadcast_in_dim3A_1539 : f32 to vector<16xf32>
      %mul3A_1541 = arith.mulf %broadcast_in_dim3A_1540, %sub3A_1538 : vector<16xf32>
      %add3A_1542 = arith.constant 0.00833333377 : f32
      %add3A_1543 = vector.broadcast %add3A_1542 : f32 to vector<16xf32>
      %add3A_1544 = arith.addf %mul3A_1541, %add3A_1543 : vector<16xf32>
      %mul3A_1545 = arith.mulf %add3A_1544, %sub3A_1538 : vector<16xf32>
      %add3A_1546 = arith.constant 0.0416666679 : f32
      %add3A_1547 = vector.broadcast %add3A_1546 : f32 to vector<16xf32>
      %add3A_1548 = arith.addf %mul3A_1545, %add3A_1547 : vector<16xf32>
      %mul3A_1549 = arith.mulf %add3A_1548, %sub3A_1538 : vector<16xf32>
      %add3A_1550 = arith.constant 0.166666672 : f32
      %add3A_1551 = vector.broadcast %add3A_1550 : f32 to vector<16xf32>
      %add3A_1552 = arith.addf %mul3A_1549, %add3A_1551 : vector<16xf32>
      %mul3A_1553 = arith.mulf %add3A_1552, %sub3A_1538 : vector<16xf32>
      %add3A_1554 = arith.constant 5.000000e-01 : f32
      %add3A_1555 = vector.broadcast %add3A_1554 : f32 to vector<16xf32>
      %add3A_1556 = arith.addf %mul3A_1553, %add3A_1555 : vector<16xf32>
      %mul3A_1557 = arith.mulf %add3A_1556, %sub3A_1538 : vector<16xf32>
      %add3A_1558 = arith.constant 1.000000e+00 : f32
      %add3A_1559 = vector.broadcast %add3A_1558 : f32 to vector<16xf32>
      %add3A_1560 = arith.addf %mul3A_1557, %add3A_1559 : vector<16xf32>
      %mul3A_1561 = arith.mulf %add3A_1560, %sub3A_1538 : vector<16xf32>
      %add3A_1562 = arith.constant 1.000000e+00 : f32
      %add3A_1563 = vector.broadcast %add3A_1562 : f32 to vector<16xf32>
      %add3A_1564 = arith.addf %mul3A_1561, %add3A_1563 : vector<16xf32>
      %add3A_1565 = arith.constant 127 : i32
      %add3A_1566 = vector.broadcast %add3A_1565 : i32 to vector<16xi32>
      %add3A_1567 = arith.addi %min3A_1529, %add3A_1566 : vector<16xi32>
      %shift_left3A_1568 = arith.constant 23 : i32
      %shift_left3A_1569 = vector.broadcast %shift_left3A_1568 : i32 to vector<16xi32>
      %shift_left3A_1570 = arith.shli %add3A_1567, %shift_left3A_1569 : vector<16xi32>
      %bitcast_convert_type3A_1571 = tpu.bitcast %shift_left3A_1570 : vector<16xi32> -> vector<16xf32>
      %mul3A_1572 = arith.mulf %bitcast_convert_type3A_1571, %add3A_1564 : vector<16xf32>
      %add3A_1573 = arith.constant 1.000000e+00 : f32
      %add3A_1574 = vector.broadcast %add3A_1573 : f32 to vector<16xf32>
      %add3A_1575 = arith.addf %add3A_1574, %mul3A_1572 : vector<16xf32>
      %div3A_1576 = arith.constant 2.000000e+00 : f32
      %div3A_1577 = vector.broadcast %div3A_1576 : f32 to vector<16xf32>
      %div3A_1578 = arith.divf %div3A_1577, %add3A_1575 : vector<16xf32>
      %sub3A_1579 = arith.constant 1.000000e+00 : f32
      %sub3A_1580 = vector.broadcast %sub3A_1579 : f32 to vector<16xf32>
      %sub3A_1581 = arith.subf %div3A_1578, %sub3A_1580 : vector<16xf32>
      %broadcast_in_dim3A_1582 = vector.shape_cast %select_n3A_633 : vector<16xi32> to vector<16x1xi32>
      %gather3A_1583 = vector.shape_cast %broadcast_in_dim3A_1582 : vector<16x1xi32> to vector<16xi32>
      %gather3A_1584 = tpu.dynamic_gather %div3A_1505[%gather3A_1583] in [0] : vector<16xf32>, vector<16xi32> -> vector<16xf32>
      %jit3A_1585 = arith.constant 0.000000e+00 : f32
      %broadcast_in_dim3A_1586 = vector.broadcast %jit3A_1585 : f32 to vector<16xf32>
      %select_n3A_1587 = arith.select %lt3A_6, %gather3A_1584, %broadcast_in_dim3A_1586 : vector<16xi1>, vector<16xf32>
      %sub3A_1588 = arith.constant 1.000000e+00 : f32
      %sub3A_1589 = vector.broadcast %sub3A_1588 : f32 to vector<16xf32>
      %sub3A_1590 = arith.subf %sub3A_1589, %select_n3A_1587 : vector<16xf32>
      %mul3A_1591 = arith.mulf %sub3A_1590, %sub3A_1581 : vector<16xf32>
      %add3A_1592 = arith.addf %add3A_1433, %mul3A_1591 : vector<16xf32>
      %mul3A_1593 = arith.mulf %select_n3A_1587, %select_n3A_66 : vector<16xf32>
      %add3A_1594 = arith.addf %add3A_1592, %mul3A_1593 : vector<16xf32>
      %add3A_1595 = arith.addf %scan3A_620#6, %scan3A_626#6 : vector<16xf32>
      %neg3A_1596 = arith.constant 0.000000e+00 : f32
      %neg3A_1597 = vector.broadcast %neg3A_1596 : f32 to vector<16xf32>
      %neg3A_1598 = arith.subf %neg3A_1597, %add3A_1595 : vector<16xf32>
      %mul3A_1599 = arith.constant 1.44269502 : f32
      %mul3A_1600 = vector.broadcast %mul3A_1599 : f32 to vector<16xf32>
      %mul3A_1601 = arith.mulf %neg3A_1598, %mul3A_1600 : vector<16xf32>
      %ge3A_1602 = arith.constant 0.000000e+00 : f32
      %ge3A_1603 = vector.broadcast %ge3A_1602 : f32 to vector<16xf32>
      %ge3A_1604 = arith.cmpf oge, %mul3A_1601, %ge3A_1603 : vector<16xf32>
      %jit3A_1605 = arith.constant 5.000000e-01 : f32
      %jit3A_1606 = arith.constant -5.000000e-01 : f32
      %broadcast_in_dim3A_1607 = vector.broadcast %jit3A_1605 : f32 to vector<16xf32>
      %broadcast_in_dim3A_1608 = vector.broadcast %jit3A_1606 : f32 to vector<16xf32>
      %select_n3A_1609 = arith.select %ge3A_1604, %broadcast_in_dim3A_1607, %broadcast_in_dim3A_1608 : vector<16xi1>, vector<16xf32>
      %add3A_1610 = arith.addf %mul3A_1601, %select_n3A_1609 : vector<16xf32>
      %convert_element_type3A_1611 = arith.fptosi %add3A_1610 : vector<16xf32> to vector<16xi32>
      %max3A_1612 = arith.constant -126 : i32
      %max3A_1613 = vector.broadcast %max3A_1612 : i32 to vector<16xi32>
      %max3A_1614 = arith.maxsi %convert_element_type3A_1611, %max3A_1613 : vector<16xi32>
      %min3A_1615 = arith.constant 126 : i32
      %min3A_1616 = vector.broadcast %min3A_1615 : i32 to vector<16xi32>
      %min3A_1617 = arith.minsi %max3A_1614, %min3A_1616 : vector<16xi32>
      %convert_element_type3A_1618 = arith.sitofp %min3A_1617 : vector<16xi32> to vector<16xf32>
      %mul3A_1619 = arith.constant 0.693359375 : f32
      %mul3A_1620 = vector.broadcast %mul3A_1619 : f32 to vector<16xf32>
      %mul3A_1621 = arith.mulf %convert_element_type3A_1618, %mul3A_1620 : vector<16xf32>
      %sub3A_1622 = arith.subf %neg3A_1598, %mul3A_1621 : vector<16xf32>
      %mul3A_1623 = arith.constant -2.12194442E-4 : f32
      %mul3A_1624 = vector.broadcast %mul3A_1623 : f32 to vector<16xf32>
      %mul3A_1625 = arith.mulf %convert_element_type3A_1618, %mul3A_1624 : vector<16xf32>
      %sub3A_1626 = arith.subf %sub3A_1622, %mul3A_1625 : vector<16xf32>
      %broadcast_in_dim3A_1627 = arith.constant 0.00138888892 : f32
      %broadcast_in_dim3A_1628 = vector.broadcast %broadcast_in_dim3A_1627 : f32 to vector<16xf32>
      %mul3A_1629 = arith.mulf %broadcast_in_dim3A_1628, %sub3A_1626 : vector<16xf32>
      %add3A_1630 = arith.constant 0.00833333377 : f32
      %add3A_1631 = vector.broadcast %add3A_1630 : f32 to vector<16xf32>
      %add3A_1632 = arith.addf %mul3A_1629, %add3A_1631 : vector<16xf32>
      %mul3A_1633 = arith.mulf %add3A_1632, %sub3A_1626 : vector<16xf32>
      %add3A_1634 = arith.constant 0.0416666679 : f32
      %add3A_1635 = vector.broadcast %add3A_1634 : f32 to vector<16xf32>
      %add3A_1636 = arith.addf %mul3A_1633, %add3A_1635 : vector<16xf32>
      %mul3A_1637 = arith.mulf %add3A_1636, %sub3A_1626 : vector<16xf32>
      %add3A_1638 = arith.constant 0.166666672 : f32
      %add3A_1639 = vector.broadcast %add3A_1638 : f32 to vector<16xf32>
      %add3A_1640 = arith.addf %mul3A_1637, %add3A_1639 : vector<16xf32>
      %mul3A_1641 = arith.mulf %add3A_1640, %sub3A_1626 : vector<16xf32>
      %add3A_1642 = arith.constant 5.000000e-01 : f32
      %add3A_1643 = vector.broadcast %add3A_1642 : f32 to vector<16xf32>
      %add3A_1644 = arith.addf %mul3A_1641, %add3A_1643 : vector<16xf32>
      %mul3A_1645 = arith.mulf %add3A_1644, %sub3A_1626 : vector<16xf32>
      %add3A_1646 = arith.constant 1.000000e+00 : f32
      %add3A_1647 = vector.broadcast %add3A_1646 : f32 to vector<16xf32>
      %add3A_1648 = arith.addf %mul3A_1645, %add3A_1647 : vector<16xf32>
      %mul3A_1649 = arith.mulf %add3A_1648, %sub3A_1626 : vector<16xf32>
      %add3A_1650 = arith.constant 1.000000e+00 : f32
      %add3A_1651 = vector.broadcast %add3A_1650 : f32 to vector<16xf32>
      %add3A_1652 = arith.addf %mul3A_1649, %add3A_1651 : vector<16xf32>
      %add3A_1653 = arith.constant 127 : i32
      %add3A_1654 = vector.broadcast %add3A_1653 : i32 to vector<16xi32>
      %add3A_1655 = arith.addi %min3A_1617, %add3A_1654 : vector<16xi32>
      %shift_left3A_1656 = arith.constant 23 : i32
      %shift_left3A_1657 = vector.broadcast %shift_left3A_1656 : i32 to vector<16xi32>
      %shift_left3A_1658 = arith.shli %add3A_1655, %shift_left3A_1657 : vector<16xi32>
      %bitcast_convert_type3A_1659 = tpu.bitcast %shift_left3A_1658 : vector<16xi32> -> vector<16xf32>
      %mul3A_1660 = arith.mulf %bitcast_convert_type3A_1659, %add3A_1652 : vector<16xf32>
      %add3A_1661 = arith.constant 1.000000e+00 : f32
      %add3A_1662 = vector.broadcast %add3A_1661 : f32 to vector<16xf32>
      %add3A_1663 = arith.addf %add3A_1662, %mul3A_1660 : vector<16xf32>
      %div3A_1664 = arith.constant 1.000000e+00 : f32
      %div3A_1665 = vector.broadcast %div3A_1664 : f32 to vector<16xf32>
      %div3A_1666 = arith.divf %div3A_1665, %add3A_1663 : vector<16xf32>
      %mul3A_1667 = arith.mulf %div3A_1666, %scan3A_626#14 : vector<16xf32>
      %add3A_1668 = arith.addf %scan3A_620#14, %mul3A_1667 : vector<16xf32>
      %mul3A_1669 = arith.constant -2.000000e+00 : f32
      %mul3A_1670 = vector.broadcast %mul3A_1669 : f32 to vector<16xf32>
      %mul3A_1671 = arith.mulf %mul3A_1670, %add3A_1668 : vector<16xf32>
      %mul3A_1672 = arith.constant 1.44269502 : f32
      %mul3A_1673 = vector.broadcast %mul3A_1672 : f32 to vector<16xf32>
      %mul3A_1674 = arith.mulf %mul3A_1671, %mul3A_1673 : vector<16xf32>
      %ge3A_1675 = arith.constant 0.000000e+00 : f32
      %ge3A_1676 = vector.broadcast %ge3A_1675 : f32 to vector<16xf32>
      %ge3A_1677 = arith.cmpf oge, %mul3A_1674, %ge3A_1676 : vector<16xf32>
      %jit3A_1678 = arith.constant 5.000000e-01 : f32
      %jit3A_1679 = arith.constant -5.000000e-01 : f32
      %broadcast_in_dim3A_1680 = vector.broadcast %jit3A_1678 : f32 to vector<16xf32>
      %broadcast_in_dim3A_1681 = vector.broadcast %jit3A_1679 : f32 to vector<16xf32>
      %select_n3A_1682 = arith.select %ge3A_1677, %broadcast_in_dim3A_1680, %broadcast_in_dim3A_1681 : vector<16xi1>, vector<16xf32>
      %add3A_1683 = arith.addf %mul3A_1674, %select_n3A_1682 : vector<16xf32>
      %convert_element_type3A_1684 = arith.fptosi %add3A_1683 : vector<16xf32> to vector<16xi32>
      %max3A_1685 = arith.constant -126 : i32
      %max3A_1686 = vector.broadcast %max3A_1685 : i32 to vector<16xi32>
      %max3A_1687 = arith.maxsi %convert_element_type3A_1684, %max3A_1686 : vector<16xi32>
      %min3A_1688 = arith.constant 126 : i32
      %min3A_1689 = vector.broadcast %min3A_1688 : i32 to vector<16xi32>
      %min3A_1690 = arith.minsi %max3A_1687, %min3A_1689 : vector<16xi32>
      %convert_element_type3A_1691 = arith.sitofp %min3A_1690 : vector<16xi32> to vector<16xf32>
      %mul3A_1692 = arith.constant 0.693359375 : f32
      %mul3A_1693 = vector.broadcast %mul3A_1692 : f32 to vector<16xf32>
      %mul3A_1694 = arith.mulf %convert_element_type3A_1691, %mul3A_1693 : vector<16xf32>
      %sub3A_1695 = arith.subf %mul3A_1671, %mul3A_1694 : vector<16xf32>
      %mul3A_1696 = arith.constant -2.12194442E-4 : f32
      %mul3A_1697 = vector.broadcast %mul3A_1696 : f32 to vector<16xf32>
      %mul3A_1698 = arith.mulf %convert_element_type3A_1691, %mul3A_1697 : vector<16xf32>
      %sub3A_1699 = arith.subf %sub3A_1695, %mul3A_1698 : vector<16xf32>
      %broadcast_in_dim3A_1700 = arith.constant 0.00138888892 : f32
      %broadcast_in_dim3A_1701 = vector.broadcast %broadcast_in_dim3A_1700 : f32 to vector<16xf32>
      %mul3A_1702 = arith.mulf %broadcast_in_dim3A_1701, %sub3A_1699 : vector<16xf32>
      %add3A_1703 = arith.constant 0.00833333377 : f32
      %add3A_1704 = vector.broadcast %add3A_1703 : f32 to vector<16xf32>
      %add3A_1705 = arith.addf %mul3A_1702, %add3A_1704 : vector<16xf32>
      %mul3A_1706 = arith.mulf %add3A_1705, %sub3A_1699 : vector<16xf32>
      %add3A_1707 = arith.constant 0.0416666679 : f32
      %add3A_1708 = vector.broadcast %add3A_1707 : f32 to vector<16xf32>
      %add3A_1709 = arith.addf %mul3A_1706, %add3A_1708 : vector<16xf32>
      %mul3A_1710 = arith.mulf %add3A_1709, %sub3A_1699 : vector<16xf32>
      %add3A_1711 = arith.constant 0.166666672 : f32
      %add3A_1712 = vector.broadcast %add3A_1711 : f32 to vector<16xf32>
      %add3A_1713 = arith.addf %mul3A_1710, %add3A_1712 : vector<16xf32>
      %mul3A_1714 = arith.mulf %add3A_1713, %sub3A_1699 : vector<16xf32>
      %add3A_1715 = arith.constant 5.000000e-01 : f32
      %add3A_1716 = vector.broadcast %add3A_1715 : f32 to vector<16xf32>
      %add3A_1717 = arith.addf %mul3A_1714, %add3A_1716 : vector<16xf32>
      %mul3A_1718 = arith.mulf %add3A_1717, %sub3A_1699 : vector<16xf32>
      %add3A_1719 = arith.constant 1.000000e+00 : f32
      %add3A_1720 = vector.broadcast %add3A_1719 : f32 to vector<16xf32>
      %add3A_1721 = arith.addf %mul3A_1718, %add3A_1720 : vector<16xf32>
      %mul3A_1722 = arith.mulf %add3A_1721, %sub3A_1699 : vector<16xf32>
      %add3A_1723 = arith.constant 1.000000e+00 : f32
      %add3A_1724 = vector.broadcast %add3A_1723 : f32 to vector<16xf32>
      %add3A_1725 = arith.addf %mul3A_1722, %add3A_1724 : vector<16xf32>
      %add3A_1726 = arith.constant 127 : i32
      %add3A_1727 = vector.broadcast %add3A_1726 : i32 to vector<16xi32>
      %add3A_1728 = arith.addi %min3A_1690, %add3A_1727 : vector<16xi32>
      %shift_left3A_1729 = arith.constant 23 : i32
      %shift_left3A_1730 = vector.broadcast %shift_left3A_1729 : i32 to vector<16xi32>
      %shift_left3A_1731 = arith.shli %add3A_1728, %shift_left3A_1730 : vector<16xi32>
      %bitcast_convert_type3A_1732 = tpu.bitcast %shift_left3A_1731 : vector<16xi32> -> vector<16xf32>
      %mul3A_1733 = arith.mulf %bitcast_convert_type3A_1732, %add3A_1725 : vector<16xf32>
      %add3A_1734 = arith.constant 1.000000e+00 : f32
      %add3A_1735 = vector.broadcast %add3A_1734 : f32 to vector<16xf32>
      %add3A_1736 = arith.addf %add3A_1735, %mul3A_1733 : vector<16xf32>
      %div3A_1737 = arith.constant 2.000000e+00 : f32
      %div3A_1738 = vector.broadcast %div3A_1737 : f32 to vector<16xf32>
      %div3A_1739 = arith.divf %div3A_1738, %add3A_1736 : vector<16xf32>
      %sub3A_1740 = arith.constant 1.000000e+00 : f32
      %sub3A_1741 = vector.broadcast %sub3A_1740 : f32 to vector<16xf32>
      %sub3A_1742 = arith.subf %div3A_1739, %sub3A_1741 : vector<16xf32>
      %broadcast_in_dim3A_1743 = vector.shape_cast %select_n3A_633 : vector<16xi32> to vector<16x1xi32>
      %gather3A_1744 = vector.shape_cast %broadcast_in_dim3A_1743 : vector<16x1xi32> to vector<16xi32>
      %gather3A_1745 = tpu.dynamic_gather %div3A_1666[%gather3A_1744] in [0] : vector<16xf32>, vector<16xi32> -> vector<16xf32>
      %jit3A_1746 = arith.constant 0.000000e+00 : f32
      %broadcast_in_dim3A_1747 = vector.broadcast %jit3A_1746 : f32 to vector<16xf32>
      %select_n3A_1748 = arith.select %lt3A_6, %gather3A_1745, %broadcast_in_dim3A_1747 : vector<16xi1>, vector<16xf32>
      %sub3A_1749 = arith.constant 1.000000e+00 : f32
      %sub3A_1750 = vector.broadcast %sub3A_1749 : f32 to vector<16xf32>
      %sub3A_1751 = arith.subf %sub3A_1750, %select_n3A_1748 : vector<16xf32>
      %mul3A_1752 = arith.mulf %sub3A_1751, %sub3A_1742 : vector<16xf32>
      %add3A_1753 = arith.addf %add3A_1594, %mul3A_1752 : vector<16xf32>
      %mul3A_1754 = arith.mulf %select_n3A_1748, %select_n3A_73 : vector<16xf32>
      %add3A_1755 = arith.addf %add3A_1753, %mul3A_1754 : vector<16xf32>
      %add3A_1756 = arith.addf %scan3A_620#7, %scan3A_626#7 : vector<16xf32>
      %neg3A_1757 = arith.constant 0.000000e+00 : f32
      %neg3A_1758 = vector.broadcast %neg3A_1757 : f32 to vector<16xf32>
      %neg3A_1759 = arith.subf %neg3A_1758, %add3A_1756 : vector<16xf32>
      %mul3A_1760 = arith.constant 1.44269502 : f32
      %mul3A_1761 = vector.broadcast %mul3A_1760 : f32 to vector<16xf32>
      %mul3A_1762 = arith.mulf %neg3A_1759, %mul3A_1761 : vector<16xf32>
      %ge3A_1763 = arith.constant 0.000000e+00 : f32
      %ge3A_1764 = vector.broadcast %ge3A_1763 : f32 to vector<16xf32>
      %ge3A_1765 = arith.cmpf oge, %mul3A_1762, %ge3A_1764 : vector<16xf32>
      %jit3A_1766 = arith.constant 5.000000e-01 : f32
      %jit3A_1767 = arith.constant -5.000000e-01 : f32
      %broadcast_in_dim3A_1768 = vector.broadcast %jit3A_1766 : f32 to vector<16xf32>
      %broadcast_in_dim3A_1769 = vector.broadcast %jit3A_1767 : f32 to vector<16xf32>
      %select_n3A_1770 = arith.select %ge3A_1765, %broadcast_in_dim3A_1768, %broadcast_in_dim3A_1769 : vector<16xi1>, vector<16xf32>
      %add3A_1771 = arith.addf %mul3A_1762, %select_n3A_1770 : vector<16xf32>
      %convert_element_type3A_1772 = arith.fptosi %add3A_1771 : vector<16xf32> to vector<16xi32>
      %max3A_1773 = arith.constant -126 : i32
      %max3A_1774 = vector.broadcast %max3A_1773 : i32 to vector<16xi32>
      %max3A_1775 = arith.maxsi %convert_element_type3A_1772, %max3A_1774 : vector<16xi32>
      %min3A_1776 = arith.constant 126 : i32
      %min3A_1777 = vector.broadcast %min3A_1776 : i32 to vector<16xi32>
      %min3A_1778 = arith.minsi %max3A_1775, %min3A_1777 : vector<16xi32>
      %convert_element_type3A_1779 = arith.sitofp %min3A_1778 : vector<16xi32> to vector<16xf32>
      %mul3A_1780 = arith.constant 0.693359375 : f32
      %mul3A_1781 = vector.broadcast %mul3A_1780 : f32 to vector<16xf32>
      %mul3A_1782 = arith.mulf %convert_element_type3A_1779, %mul3A_1781 : vector<16xf32>
      %sub3A_1783 = arith.subf %neg3A_1759, %mul3A_1782 : vector<16xf32>
      %mul3A_1784 = arith.constant -2.12194442E-4 : f32
      %mul3A_1785 = vector.broadcast %mul3A_1784 : f32 to vector<16xf32>
      %mul3A_1786 = arith.mulf %convert_element_type3A_1779, %mul3A_1785 : vector<16xf32>
      %sub3A_1787 = arith.subf %sub3A_1783, %mul3A_1786 : vector<16xf32>
      %broadcast_in_dim3A_1788 = arith.constant 0.00138888892 : f32
      %broadcast_in_dim3A_1789 = vector.broadcast %broadcast_in_dim3A_1788 : f32 to vector<16xf32>
      %mul3A_1790 = arith.mulf %broadcast_in_dim3A_1789, %sub3A_1787 : vector<16xf32>
      %add3A_1791 = arith.constant 0.00833333377 : f32
      %add3A_1792 = vector.broadcast %add3A_1791 : f32 to vector<16xf32>
      %add3A_1793 = arith.addf %mul3A_1790, %add3A_1792 : vector<16xf32>
      %mul3A_1794 = arith.mulf %add3A_1793, %sub3A_1787 : vector<16xf32>
      %add3A_1795 = arith.constant 0.0416666679 : f32
      %add3A_1796 = vector.broadcast %add3A_1795 : f32 to vector<16xf32>
      %add3A_1797 = arith.addf %mul3A_1794, %add3A_1796 : vector<16xf32>
      %mul3A_1798 = arith.mulf %add3A_1797, %sub3A_1787 : vector<16xf32>
      %add3A_1799 = arith.constant 0.166666672 : f32
      %add3A_1800 = vector.broadcast %add3A_1799 : f32 to vector<16xf32>
      %add3A_1801 = arith.addf %mul3A_1798, %add3A_1800 : vector<16xf32>
      %mul3A_1802 = arith.mulf %add3A_1801, %sub3A_1787 : vector<16xf32>
      %add3A_1803 = arith.constant 5.000000e-01 : f32
      %add3A_1804 = vector.broadcast %add3A_1803 : f32 to vector<16xf32>
      %add3A_1805 = arith.addf %mul3A_1802, %add3A_1804 : vector<16xf32>
      %mul3A_1806 = arith.mulf %add3A_1805, %sub3A_1787 : vector<16xf32>
      %add3A_1807 = arith.constant 1.000000e+00 : f32
      %add3A_1808 = vector.broadcast %add3A_1807 : f32 to vector<16xf32>
      %add3A_1809 = arith.addf %mul3A_1806, %add3A_1808 : vector<16xf32>
      %mul3A_1810 = arith.mulf %add3A_1809, %sub3A_1787 : vector<16xf32>
      %add3A_1811 = arith.constant 1.000000e+00 : f32
      %add3A_1812 = vector.broadcast %add3A_1811 : f32 to vector<16xf32>
      %add3A_1813 = arith.addf %mul3A_1810, %add3A_1812 : vector<16xf32>
      %add3A_1814 = arith.constant 127 : i32
      %add3A_1815 = vector.broadcast %add3A_1814 : i32 to vector<16xi32>
      %add3A_1816 = arith.addi %min3A_1778, %add3A_1815 : vector<16xi32>
      %shift_left3A_1817 = arith.constant 23 : i32
      %shift_left3A_1818 = vector.broadcast %shift_left3A_1817 : i32 to vector<16xi32>
      %shift_left3A_1819 = arith.shli %add3A_1816, %shift_left3A_1818 : vector<16xi32>
      %bitcast_convert_type3A_1820 = tpu.bitcast %shift_left3A_1819 : vector<16xi32> -> vector<16xf32>
      %mul3A_1821 = arith.mulf %bitcast_convert_type3A_1820, %add3A_1813 : vector<16xf32>
      %add3A_1822 = arith.constant 1.000000e+00 : f32
      %add3A_1823 = vector.broadcast %add3A_1822 : f32 to vector<16xf32>
      %add3A_1824 = arith.addf %add3A_1823, %mul3A_1821 : vector<16xf32>
      %div3A_1825 = arith.constant 1.000000e+00 : f32
      %div3A_1826 = vector.broadcast %div3A_1825 : f32 to vector<16xf32>
      %div3A_1827 = arith.divf %div3A_1826, %add3A_1824 : vector<16xf32>
      %mul3A_1828 = arith.mulf %div3A_1827, %scan3A_626#15 : vector<16xf32>
      %add3A_1829 = arith.addf %scan3A_620#15, %mul3A_1828 : vector<16xf32>
      %mul3A_1830 = arith.constant -2.000000e+00 : f32
      %mul3A_1831 = vector.broadcast %mul3A_1830 : f32 to vector<16xf32>
      %mul3A_1832 = arith.mulf %mul3A_1831, %add3A_1829 : vector<16xf32>
      %mul3A_1833 = arith.constant 1.44269502 : f32
      %mul3A_1834 = vector.broadcast %mul3A_1833 : f32 to vector<16xf32>
      %mul3A_1835 = arith.mulf %mul3A_1832, %mul3A_1834 : vector<16xf32>
      %ge3A_1836 = arith.constant 0.000000e+00 : f32
      %ge3A_1837 = vector.broadcast %ge3A_1836 : f32 to vector<16xf32>
      %ge3A_1838 = arith.cmpf oge, %mul3A_1835, %ge3A_1837 : vector<16xf32>
      %jit3A_1839 = arith.constant 5.000000e-01 : f32
      %jit3A_1840 = arith.constant -5.000000e-01 : f32
      %broadcast_in_dim3A_1841 = vector.broadcast %jit3A_1839 : f32 to vector<16xf32>
      %broadcast_in_dim3A_1842 = vector.broadcast %jit3A_1840 : f32 to vector<16xf32>
      %select_n3A_1843 = arith.select %ge3A_1838, %broadcast_in_dim3A_1841, %broadcast_in_dim3A_1842 : vector<16xi1>, vector<16xf32>
      %add3A_1844 = arith.addf %mul3A_1835, %select_n3A_1843 : vector<16xf32>
      %convert_element_type3A_1845 = arith.fptosi %add3A_1844 : vector<16xf32> to vector<16xi32>
      %max3A_1846 = arith.constant -126 : i32
      %max3A_1847 = vector.broadcast %max3A_1846 : i32 to vector<16xi32>
      %max3A_1848 = arith.maxsi %convert_element_type3A_1845, %max3A_1847 : vector<16xi32>
      %min3A_1849 = arith.constant 126 : i32
      %min3A_1850 = vector.broadcast %min3A_1849 : i32 to vector<16xi32>
      %min3A_1851 = arith.minsi %max3A_1848, %min3A_1850 : vector<16xi32>
      %convert_element_type3A_1852 = arith.sitofp %min3A_1851 : vector<16xi32> to vector<16xf32>
      %mul3A_1853 = arith.constant 0.693359375 : f32
      %mul3A_1854 = vector.broadcast %mul3A_1853 : f32 to vector<16xf32>
      %mul3A_1855 = arith.mulf %convert_element_type3A_1852, %mul3A_1854 : vector<16xf32>
      %sub3A_1856 = arith.subf %mul3A_1832, %mul3A_1855 : vector<16xf32>
      %mul3A_1857 = arith.constant -2.12194442E-4 : f32
      %mul3A_1858 = vector.broadcast %mul3A_1857 : f32 to vector<16xf32>
      %mul3A_1859 = arith.mulf %convert_element_type3A_1852, %mul3A_1858 : vector<16xf32>
      %sub3A_1860 = arith.subf %sub3A_1856, %mul3A_1859 : vector<16xf32>
      %broadcast_in_dim3A_1861 = arith.constant 0.00138888892 : f32
      %broadcast_in_dim3A_1862 = vector.broadcast %broadcast_in_dim3A_1861 : f32 to vector<16xf32>
      %mul3A_1863 = arith.mulf %broadcast_in_dim3A_1862, %sub3A_1860 : vector<16xf32>
      %add3A_1864 = arith.constant 0.00833333377 : f32
      %add3A_1865 = vector.broadcast %add3A_1864 : f32 to vector<16xf32>
      %add3A_1866 = arith.addf %mul3A_1863, %add3A_1865 : vector<16xf32>
      %mul3A_1867 = arith.mulf %add3A_1866, %sub3A_1860 : vector<16xf32>
      %add3A_1868 = arith.constant 0.0416666679 : f32
      %add3A_1869 = vector.broadcast %add3A_1868 : f32 to vector<16xf32>
      %add3A_1870 = arith.addf %mul3A_1867, %add3A_1869 : vector<16xf32>
      %mul3A_1871 = arith.mulf %add3A_1870, %sub3A_1860 : vector<16xf32>
      %add3A_1872 = arith.constant 0.166666672 : f32
      %add3A_1873 = vector.broadcast %add3A_1872 : f32 to vector<16xf32>
      %add3A_1874 = arith.addf %mul3A_1871, %add3A_1873 : vector<16xf32>
      %mul3A_1875 = arith.mulf %add3A_1874, %sub3A_1860 : vector<16xf32>
      %add3A_1876 = arith.constant 5.000000e-01 : f32
      %add3A_1877 = vector.broadcast %add3A_1876 : f32 to vector<16xf32>
      %add3A_1878 = arith.addf %mul3A_1875, %add3A_1877 : vector<16xf32>
      %mul3A_1879 = arith.mulf %add3A_1878, %sub3A_1860 : vector<16xf32>
      %add3A_1880 = arith.constant 1.000000e+00 : f32
      %add3A_1881 = vector.broadcast %add3A_1880 : f32 to vector<16xf32>
      %add3A_1882 = arith.addf %mul3A_1879, %add3A_1881 : vector<16xf32>
      %mul3A_1883 = arith.mulf %add3A_1882, %sub3A_1860 : vector<16xf32>
      %add3A_1884 = arith.constant 1.000000e+00 : f32
      %add3A_1885 = vector.broadcast %add3A_1884 : f32 to vector<16xf32>
      %add3A_1886 = arith.addf %mul3A_1883, %add3A_1885 : vector<16xf32>
      %add3A_1887 = arith.constant 127 : i32
      %add3A_1888 = vector.broadcast %add3A_1887 : i32 to vector<16xi32>
      %add3A_1889 = arith.addi %min3A_1851, %add3A_1888 : vector<16xi32>
      %shift_left3A_1890 = arith.constant 23 : i32
      %shift_left3A_1891 = vector.broadcast %shift_left3A_1890 : i32 to vector<16xi32>
      %shift_left3A_1892 = arith.shli %add3A_1889, %shift_left3A_1891 : vector<16xi32>
      %bitcast_convert_type3A_1893 = tpu.bitcast %shift_left3A_1892 : vector<16xi32> -> vector<16xf32>
      %mul3A_1894 = arith.mulf %bitcast_convert_type3A_1893, %add3A_1886 : vector<16xf32>
      %add3A_1895 = arith.constant 1.000000e+00 : f32
      %add3A_1896 = vector.broadcast %add3A_1895 : f32 to vector<16xf32>
      %add3A_1897 = arith.addf %add3A_1896, %mul3A_1894 : vector<16xf32>
      %div3A_1898 = arith.constant 2.000000e+00 : f32
      %div3A_1899 = vector.broadcast %div3A_1898 : f32 to vector<16xf32>
      %div3A_1900 = arith.divf %div3A_1899, %add3A_1897 : vector<16xf32>
      %sub3A_1901 = arith.constant 1.000000e+00 : f32
      %sub3A_1902 = vector.broadcast %sub3A_1901 : f32 to vector<16xf32>
      %sub3A_1903 = arith.subf %div3A_1900, %sub3A_1902 : vector<16xf32>
      %broadcast_in_dim3A_1904 = vector.shape_cast %select_n3A_633 : vector<16xi32> to vector<16x1xi32>
      %gather3A_1905 = vector.shape_cast %broadcast_in_dim3A_1904 : vector<16x1xi32> to vector<16xi32>
      %gather3A_1906 = tpu.dynamic_gather %div3A_1827[%gather3A_1905] in [0] : vector<16xf32>, vector<16xi32> -> vector<16xf32>
      %jit3A_1907 = arith.constant 0.000000e+00 : f32
      %broadcast_in_dim3A_1908 = vector.broadcast %jit3A_1907 : f32 to vector<16xf32>
      %select_n3A_1909 = arith.select %lt3A_6, %gather3A_1906, %broadcast_in_dim3A_1908 : vector<16xi1>, vector<16xf32>
      %sub3A_1910 = arith.constant 1.000000e+00 : f32
      %sub3A_1911 = vector.broadcast %sub3A_1910 : f32 to vector<16xf32>
      %sub3A_1912 = arith.subf %sub3A_1911, %select_n3A_1909 : vector<16xf32>
      %mul3A_1913 = arith.mulf %sub3A_1912, %sub3A_1903 : vector<16xf32>
      %add3A_1914 = arith.addf %add3A_1755, %mul3A_1913 : vector<16xf32>
      %mul3A_1915 = arith.mulf %select_n3A_1909, %select_n3A_80 : vector<16xf32>
      %add3A_1916 = arith.addf %add3A_1914, %mul3A_1915 : vector<16xf32>
      %mul3A_1917 = arith.constant 1.250000e-01 : f32
      %mul3A_1918 = vector.broadcast %mul3A_1917 : f32 to vector<16xf32>
      %mul3A_1919 = arith.mulf %add3A_1916, %mul3A_1918 : vector<16xf32>
      %get3A_1920 = arith.constant 1968 : index
      %get3A_1921 = tpu.vector_load %arg4[%get3A_1920] {strides = array<i32>} : memref<1984xf32, #tpu.memory_space<vmem>>, vector<16xf32>,
      %get3A_1922 = vector.shape_cast %get3A_1921 : vector<16xf32> to vector<16xf32>
      %bitcast_convert_type3A_1923 = tpu.bitcast %mul3A_1919 : vector<16xf32> -> vector<16xi32>
      %add3A_1924 = arith.constant 32767 : i32
      %add3A_1925 = vector.broadcast %add3A_1924 : i32 to vector<16xi32>
      %add3A_1926 = arith.addi %bitcast_convert_type3A_1923, %add3A_1925 : vector<16xi32>
      %shift_right_arithmetic3A_1927 = arith.constant 16 : i32
      %shift_right_arithmetic3A_1928 = vector.broadcast %shift_right_arithmetic3A_1927 : i32 to vector<16xi32>
      %shift_right_arithmetic3A_1929 = arith.shrsi %bitcast_convert_type3A_1923, %shift_right_arithmetic3A_1928 : vector<16xi32>
      %and3A_1930 = arith.constant 1 : i32
      %and3A_1931 = vector.broadcast %and3A_1930 : i32 to vector<16xi32>
      %and3A_1932 = arith.andi %shift_right_arithmetic3A_1929, %and3A_1931 : vector<16xi32>
      %add3A_1933 = arith.addi %add3A_1926, %and3A_1932 : vector<16xi32>
      %and3A_1934 = arith.constant -65536 : i32
      %and3A_1935 = vector.broadcast %and3A_1934 : i32 to vector<16xi32>
      %and3A_1936 = arith.andi %add3A_1933, %and3A_1935 : vector<16xi32>
      %bitcast_convert_type3A_1937 = tpu.bitcast %and3A_1936 : vector<16xi32> -> vector<16xf32>
      %mul3A_1938 = arith.mulf %bitcast_convert_type3A_1937, %get3A_1922 : vector<16xf32>
      %slice3A_1939 = vector.extract_strided_slice %mul3A_1938 {offsets = [0], sizes = [1], strides = [1]} : vector<16xf32> to vector<1xf32>
      %squeeze3A_1940 = vector.extract %slice3A_1939[0] : f32 from vector<1xf32>
      %add3A_1941 = arith.addf %squeeze3A_12, %squeeze3A_1940 : f32
      %slice3A_1942 = vector.extract_strided_slice %mul3A_1938 {offsets = [1], sizes = [1], strides = [1]} : vector<16xf32> to vector<1xf32>
      %squeeze3A_1943 = vector.extract %slice3A_1942[0] : f32 from vector<1xf32>
      %add3A_1944 = arith.addf %add3A_1941, %squeeze3A_1943 : f32
      %slice3A_1945 = vector.extract_strided_slice %mul3A_1938 {offsets = [2], sizes = [1], strides = [1]} : vector<16xf32> to vector<1xf32>
      %squeeze3A_1946 = vector.extract %slice3A_1945[0] : f32 from vector<1xf32>
      %add3A_1947 = arith.addf %add3A_1944, %squeeze3A_1946 : f32
      %slice3A_1948 = vector.extract_strided_slice %mul3A_1938 {offsets = [3], sizes = [1], strides = [1]} : vector<16xf32> to vector<1xf32>
      %squeeze3A_1949 = vector.extract %slice3A_1948[0] : f32 from vector<1xf32>
      %add3A_1950 = arith.addf %add3A_1947, %squeeze3A_1949 : f32
      %slice3A_1951 = vector.extract_strided_slice %mul3A_1938 {offsets = [4], sizes = [1], strides = [1]} : vector<16xf32> to vector<1xf32>
      %squeeze3A_1952 = vector.extract %slice3A_1951[0] : f32 from vector<1xf32>
      %add3A_1953 = arith.addf %add3A_1950, %squeeze3A_1952 : f32
      %slice3A_1954 = vector.extract_strided_slice %mul3A_1938 {offsets = [5], sizes = [1], strides = [1]} : vector<16xf32> to vector<1xf32>
      %squeeze3A_1955 = vector.extract %slice3A_1954[0] : f32 from vector<1xf32>
      %add3A_1956 = arith.addf %add3A_1953, %squeeze3A_1955 : f32
      %slice3A_1957 = vector.extract_strided_slice %mul3A_1938 {offsets = [6], sizes = [1], strides = [1]} : vector<16xf32> to vector<1xf32>
      %squeeze3A_1958 = vector.extract %slice3A_1957[0] : f32 from vector<1xf32>
      %add3A_1959 = arith.addf %add3A_1956, %squeeze3A_1958 : f32
      %slice3A_1960 = vector.extract_strided_slice %mul3A_1938 {offsets = [7], sizes = [1], strides = [1]} : vector<16xf32> to vector<1xf32>
      %squeeze3A_1961 = vector.extract %slice3A_1960[0] : f32 from vector<1xf32>
      %add3A_1962 = arith.addf %add3A_1959, %squeeze3A_1961 : f32
      %broadcast_in_dim3A_1963 = vector.broadcast %add3A_1962 : f32 to vector<16xf32>
      %mul3A_1964 = arith.constant 1.44269502 : f32
      %mul3A_1965 = vector.broadcast %mul3A_1964 : f32 to vector<16xf32>
      %mul3A_1966 = arith.mulf %broadcast_in_dim3A_1963, %mul3A_1965 : vector<16xf32>
      %ge3A_1967 = arith.constant 0.000000e+00 : f32
      %ge3A_1968 = vector.broadcast %ge3A_1967 : f32 to vector<16xf32>
      %ge3A_1969 = arith.cmpf oge, %mul3A_1966, %ge3A_1968 : vector<16xf32>
      %jit3A_1970 = arith.constant 5.000000e-01 : f32
      %jit3A_1971 = arith.constant -5.000000e-01 : f32
      %broadcast_in_dim3A_1972 = vector.broadcast %jit3A_1970 : f32 to vector<16xf32>
      %broadcast_in_dim3A_1973 = vector.broadcast %jit3A_1971 : f32 to vector<16xf32>
      %select_n3A_1974 = arith.select %ge3A_1969, %broadcast_in_dim3A_1972, %broadcast_in_dim3A_1973 : vector<16xi1>, vector<16xf32>
      %add3A_1975 = arith.addf %mul3A_1966, %select_n3A_1974 : vector<16xf32>
      %convert_element_type3A_1976 = arith.fptosi %add3A_1975 : vector<16xf32> to vector<16xi32>
      %max3A_1977 = arith.constant -126 : i32
      %max3A_1978 = vector.broadcast %max3A_1977 : i32 to vector<16xi32>
      %max3A_1979 = arith.maxsi %convert_element_type3A_1976, %max3A_1978 : vector<16xi32>
      %min3A_1980 = arith.constant 126 : i32
      %min3A_1981 = vector.broadcast %min3A_1980 : i32 to vector<16xi32>
      %min3A_1982 = arith.minsi %max3A_1979, %min3A_1981 : vector<16xi32>
      %convert_element_type3A_1983 = arith.sitofp %min3A_1982 : vector<16xi32> to vector<16xf32>
      %mul3A_1984 = arith.constant 0.693359375 : f32
      %mul3A_1985 = vector.broadcast %mul3A_1984 : f32 to vector<16xf32>
      %mul3A_1986 = arith.mulf %convert_element_type3A_1983, %mul3A_1985 : vector<16xf32>
      %sub3A_1987 = arith.subf %broadcast_in_dim3A_1963, %mul3A_1986 : vector<16xf32>
      %mul3A_1988 = arith.constant -2.12194442E-4 : f32
      %mul3A_1989 = vector.broadcast %mul3A_1988 : f32 to vector<16xf32>
      %mul3A_1990 = arith.mulf %convert_element_type3A_1983, %mul3A_1989 : vector<16xf32>
      %sub3A_1991 = arith.subf %sub3A_1987, %mul3A_1990 : vector<16xf32>
      %broadcast_in_dim3A_1992 = arith.constant 0.00138888892 : f32
      %broadcast_in_dim3A_1993 = vector.broadcast %broadcast_in_dim3A_1992 : f32 to vector<16xf32>
      %mul3A_1994 = arith.mulf %broadcast_in_dim3A_1993, %sub3A_1991 : vector<16xf32>
      %add3A_1995 = arith.constant 0.00833333377 : f32
      %add3A_1996 = vector.broadcast %add3A_1995 : f32 to vector<16xf32>
      %add3A_1997 = arith.addf %mul3A_1994, %add3A_1996 : vector<16xf32>
      %mul3A_1998 = arith.mulf %add3A_1997, %sub3A_1991 : vector<16xf32>
      %add3A_1999 = arith.constant 0.0416666679 : f32
      %add3A_2000 = vector.broadcast %add3A_1999 : f32 to vector<16xf32>
      %add3A_2001 = arith.addf %mul3A_1998, %add3A_2000 : vector<16xf32>
      %mul3A_2002 = arith.mulf %add3A_2001, %sub3A_1991 : vector<16xf32>
      %add3A_2003 = arith.constant 0.166666672 : f32
      %add3A_2004 = vector.broadcast %add3A_2003 : f32 to vector<16xf32>
      %add3A_2005 = arith.addf %mul3A_2002, %add3A_2004 : vector<16xf32>
      %mul3A_2006 = arith.mulf %add3A_2005, %sub3A_1991 : vector<16xf32>
      %add3A_2007 = arith.constant 5.000000e-01 : f32
      %add3A_2008 = vector.broadcast %add3A_2007 : f32 to vector<16xf32>
      %add3A_2009 = arith.addf %mul3A_2006, %add3A_2008 : vector<16xf32>
      %mul3A_2010 = arith.mulf %add3A_2009, %sub3A_1991 : vector<16xf32>
      %add3A_2011 = arith.constant 1.000000e+00 : f32
      %add3A_2012 = vector.broadcast %add3A_2011 : f32 to vector<16xf32>
      %add3A_2013 = arith.addf %mul3A_2010, %add3A_2012 : vector<16xf32>
      %mul3A_2014 = arith.mulf %add3A_2013, %sub3A_1991 : vector<16xf32>
      %add3A_2015 = arith.constant 1.000000e+00 : f32
      %add3A_2016 = vector.broadcast %add3A_2015 : f32 to vector<16xf32>
      %add3A_2017 = arith.addf %mul3A_2014, %add3A_2016 : vector<16xf32>
      %add3A_2018 = arith.constant 127 : i32
      %add3A_2019 = vector.broadcast %add3A_2018 : i32 to vector<16xi32>
      %add3A_2020 = arith.addi %min3A_1982, %add3A_2019 : vector<16xi32>
      %shift_left3A_2021 = arith.constant 23 : i32
      %shift_left3A_2022 = vector.broadcast %shift_left3A_2021 : i32 to vector<16xi32>
      %shift_left3A_2023 = arith.shli %add3A_2020, %shift_left3A_2022 : vector<16xi32>
      %bitcast_convert_type3A_2024 = tpu.bitcast %shift_left3A_2023 : vector<16xi32> -> vector<16xf32>
      %mul3A_2025 = arith.mulf %bitcast_convert_type3A_2024, %add3A_2017 : vector<16xf32>
      %max3A_2026 = arith.constant 1.000000e-03 : f32
      %max3A_2027 = vector.broadcast %max3A_2026 : f32 to vector<16xf32>
      %max3A_2028 = arith.maximumf %mul3A_2025, %max3A_2027 : vector<16xf32>
      %min3A_2029 = arith.constant 5.000000e+00 : f32
      %min3A_2030 = vector.broadcast %min3A_2029 : f32 to vector<16xf32>
      %min3A_2031 = arith.minimumf %max3A_2028, %min3A_2030 : vector<16xf32>
      %swap3A = arith.constant 0 : index
      %swap3A_2032 = tpu.vector_load %arg5[%swap3A] {strides = array<i32>} : memref<16xf32, #tpu.memory_space<vmem>>, vector<16xf32>,
      %swap3A_2033 = vector.shape_cast %swap3A_2032 : vector<16xf32> to vector<16xf32>
      %swap3A_2034 = vector.shape_cast %min3A_2031 : vector<16xf32> to vector<16xf32>
      tpu.vector_store %arg5[%swap3A], %swap3A_2034 {strides = array<i32>} : memref<16xf32, #tpu.memory_space<vmem>>, vector<16xf32>,
      "tpu.region"() ({
        %run_scoped3A = tpu.sem_alloc : memref<!tpu.dma_semaphore, #tpu.memory_space<semaphore_mem>>
        %dma_start3A = arith.constant 0 : i32
        %dma_start3A_2035 = tpu.memref_slice %arg5[%dma_start3A] : memref<16xf32, #tpu.memory_space<vmem>> -> memref<1xf32, #tpu.memory_space<vmem>>
        %dma_start3A_2036 = arith.constant 0 : i32
        %dma_start3A_2037 = tpu.memref_slice %arg5[%dma_start3A_2036] : memref<16xf32, #tpu.memory_space<vmem>> -> memref<1xf32, #tpu.memory_space<vmem>>
        tpu.enqueue_dma source(%dma_start3A_2037 : memref<1xf32, #tpu.memory_space<vmem>>) target(%arg3 : memref<1xf32, #tpu.memory_space<hbm>>) target_semaphore(%run_scoped3A : memref<!tpu.dma_semaphore, #tpu.memory_space<semaphore_mem>>)
        %dma_wait3A = arith.constant 0 : i32
        %dma_wait3A_2038 = tpu.memref_slice %arg5[%dma_wait3A] : memref<16xf32, #tpu.memory_space<vmem>> -> memref<1xf32, #tpu.memory_space<vmem>>
        %dma_wait3A_2039 = arith.constant 0 : i32
        %dma_wait3A_2040 = tpu.memref_slice %arg5[%dma_wait3A_2039] : memref<16xf32, #tpu.memory_space<vmem>> -> memref<1xf32, #tpu.memory_space<vmem>>
        tpu.wait_dma2 semaphore(%run_scoped3A : memref<!tpu.dma_semaphore, #tpu.memory_space<semaphore_mem>>) src(%dma_wait3A_2040 : memref<1xf32, #tpu.memory_space<vmem>>) dst(%arg3 : memref<1xf32, #tpu.memory_space<hbm>>)
        tpu.yield
      }) : () -> ()
    } else {
    }
    return
  }
}

</mosaic_0001>

<sc_bundles>
// kernel: kernel.3.cloned.1.call-start
scs
__scs_entry_jumppad:
0x0: {  	(pc) =	sbr.rel $0x88, $3  }
0x1: {  	(tag) =	ssettag $0x0;
	lr =	simm.s32 $0x1  }
0x2: {  	[smem:$0x3F96] =	sst lr;
	_ =	strace $0xD0000000  }
0x3: {  	_ = 	snop  }
0x4: {  	_ = 	snop  }
0x5: {  	_ = 	snop  }
0x6: {  	_ = 	snop  }
0x7: {  	_ = 	snop  }
__scs_overlays_trampoline_lowered:
0x8: {  	[smem:$0x3FA5] =	sst s0  }
0x9: {  	[smem:$0x3FA6] =	sst s1  }
0xa: {  	[smem:$0x3FA7] =	sst s2  }
0xb: {  	[smem:$0x3FA8] =	sst s3  }
0xc: {  	[smem:$0x3FA9] =	sst s4  }
0xd: {  	[smem:$0x3FAA] =	sst s5  }
0xe: {  	[smem:$0x3FAB] =	sst s6  }
0xf: {  	[smem:$0x3FAC] =	sst s7  }
0x10: {  	[smem:$0x3FAD] =	sst s8  }
0x11: {  	[smem:$0x3FAE] =	sst s9;
	s0 =	simm.s32 @!p0 $0x0  }
0x12: {  	s1 =	sld [smem:$0x3F94];
	s0 =	simm.s32 @p0 $0x1  }
0x13: {  	[smem:$0x3FAF] =	sst s0;
	s0 =	simm.s32 @!p1 $0x0  }
0x14: {  	s2 =	sld [smem:$0x3F93];
	s0 =	simm.s32 @p1 $0x1  }
0x15: {  	[smem:$0x3FB0] =	sst s0;
	s0 =	simm.s32 @!p2 $0x0  }
0x16: {  	s3 =	sld [smem:$0x3FDB];
	s0 =	simm.s32 @p2 $0x1  }
0x17: {  	s4 =	simm.s32 $0x1BF5;
	[smem:$0x3FB2] =	sst s0  }
0x18: {  	s0 =	sld [smem:$0x3F95];
	_ =	swait.ge [sflag:s4], $0x0  }
0x19: {  	s7 =	sld [smem:$0x3F96]  }
0x1a: {  	s8 =	sadd.s32 $0xFFFFE003, lr  }
0x1b: {  	s9 =	sadd.s32 $0xFFFFFEF7, lr;
	s5 =	simm.s32 $0xFFFFFFFF;
	p2 =	slt.u32 s8, $0xFFFFF086  }
0x1c: {  	p1 =	slt.u32 s9, $0xF7A;
	s5 =	simm.s32 @!p2 $0x0  }
0x1d: {  	s5 =	simm.s32 @p1 $0x1;
	p0 =	seq.s32 s7, s2  }
0x1e: {  	s7 =	smul.u32 @!p0 $0xF7A, s2;
	p2 =	seq.s32 @!p0 s5, $0x0  }
0x1f: {  	s9 =	smul.u32 $0xF7A, s1;
	s8 =	simm.s32 @!p0 $0x1BF5;
	p2 =	por !p2, p0  }
0x20: {  	[sflag:s8] =	ssyncset.s32 @!p0 $0xFFFFF086;
	s6 =	sadd.s32 @!p0 s3, s7;
	s7 =	simm.s32 @!p0 $0x108  }
0x21: {  	s3 =	sadd.s32 s3, s9;
	s6 =	sadd.s32 @!p0 $0x88, s6;
	s7 =	simm.s32 @p2 $0x1082  }
0x22: {  	[simem:s7], [sflag:s8] =	dma.local @!p0 [hbm:s6], $0xF7A  }
0x23: {  	s9 =	sor.u32 $0xD0000000, s2;
	s6 =	simm.s32 $0x108;
	_ =	swait.ge @!p0 [sflag:s8], $0x0  }
0x24: {  	s3 =	sadd.s32 $0x88, s3;
	s6 =	simm.s32 @!p1 $0x1082;
	[sflag:s4] =	ssyncset.s32 $0xFFFFF086  }
0x25: {  	[simem:s6], [sflag:s4] =	dma.local [hbm:s3], $0xF7A  }
0x26: {  	[smem:$0x3F96] =	sst s1;
	(tag) =	ssettag s2;
	_ =	strace s9  }
0x27: {  	s1 =	sld [smem:$0x3FA6]  }
0x28: {  	s2 =	sld [smem:$0x3FA7]  }
0x29: {  	s4 =	sld [smem:$0x3FA9]  }
0x2a: {  	p0 =	seq.s32 s5, $0x0;
	s5 =	sld [smem:$0x3FAA]  }
0x2b: {  	s6 =	sld [smem:$0x3FAB]  }
0x2c: {  	s7 =	sld [smem:$0x3FAC]  }
0x2d: {  	s3 =	simm.s32 $0x108;
	s8 =	sld [smem:$0x3FAD]  }
0x2e: {  	s3 =	simm.s32 @!p0 $0x1082;
	s9 =	sld [smem:$0x3FAE]  }
0x2f: {  	lr =	sadd.s32 s0, s3;
	s0 =	sld [smem:$0x3FA5]  }
0x30: {  	s3 =	sld [smem:$0x3FA8]  }
0x31: {  	[smem:$0x3FB1] =	sst s10  }
0x32: {  	s10 =	sld [smem:$0x3FAF];
	_ =	sdelay $0x3  }
0x33: {  	p0 =	seq.s32 s10, $0x1;
	s10 =	sld [smem:$0x3FB1];
	_ =	sdelay $0x3  }
0x34: {  	[smem:$0x3FB1] =	sst s10  }
0x35: {  	s10 =	sld [smem:$0x3FB0];
	_ =	sdelay $0x3  }
0x36: {  	p1 =	seq.s32 s10, $0x1;
	s10 =	sld [smem:$0x3FB1];
	_ =	sdelay $0x3  }
0x37: {  	[smem:$0x3FB1] =	sst s10  }
0x38: {  	s10 =	sld [smem:$0x3FB2]  }
0x39: {  	_ = 	snop;
	(pc) =	sbr.ind lr, $3  }
0x3a: {  	_ = 	snop  }
0x3b: {  	_ = 	snop  }
0x3c: {  	p2 =	seq.s32 s10, $0x1;
	s10 =	sld [smem:$0x3FB1]  }
0x3d: {  	_ =	shalt  }
0x3e: {  	_ =	shalt  }
0x3f: {  	_ =	shalt  }
0x40: {  	_ =	shalt  }
0x41: {  	_ =	shalt  }
0x42: {  	_ =	shalt  }
0x43: {  	_ =	shalt  }
0x44: {  	_ =	shalt  }
0x45: {  	_ =	shalt  }
0x46: {  	_ =	shalt  }
0x47: {  	_ =	shalt  }
0x48: {  	_ =	shalt  }
0x49: {  	_ =	shalt  }
0x4a: {  	_ =	shalt  }
0x4b: {  	_ =	shalt  }
0x4c: {  	_ =	shalt  }
0x4d: {  	_ =	shalt  }
0x4e: {  	_ =	shalt  }
0x4f: {  	_ =	shalt  }
0x50: {  	_ =	shalt  }
0x51: {  	_ =	shalt  }
0x52: {  	_ =	shalt  }
0x53: {  	_ =	shalt  }
0x54: {  	_ =	shalt  }
0x55: {  	_ =	shalt  }
0x56: {  	_ =	shalt  }
0x57: {  	_ =	shalt  }
0x58: {  	_ =	shalt  }
0x59: {  	_ =	shalt  }
0x5a: {  	_ =	shalt  }
0x5b: {  	_ =	shalt  }
0x5c: {  	_ =	shalt  }
0x5d: {  	_ =	shalt  }
0x5e: {  	_ =	shalt  }
0x5f: {  	_ =	shalt  }
0x60: {  	_ =	shalt  }
0x61: {  	_ =	shalt  }
0x62: {  	_ =	shalt  }
0x63: {  	_ =	shalt  }
0x64: {  	_ =	shalt  }
0x65: {  	_ =	shalt  }
0x66: {  	_ =	shalt  }
0x67: {  	_ =	shalt  }
0x68: {  	_ =	shalt  }
0x69: {  	_ =	shalt  }
0x6a: {  	_ =	shalt  }
0x6b: {  	_ =	shalt  }
0x6c: {  	_ =	shalt  }
0x6d: {  	_ =	shalt  }
0x6e: {  	_ =	shalt  }
0x6f: {  	_ =	shalt  }
0x70: {  	_ =	shalt  }
0x71: {  	_ =	shalt  }
0x72: {  	_ =	shalt  }
0x73: {  	_ =	shalt  }
0x74: {  	_ =	shalt  }
0x75: {  	_ =	shalt  }
0x76: {  	_ =	shalt  }
0x77: {  	_ =	shalt  }
0x78: {  	_ =	shalt  }
0x79: {  	_ =	shalt  }
0x7a: {  	_ =	shalt  }
0x7b: {  	_ =	shalt  }
0x7c: {  	_ =	shalt  }
0x7d: {  	_ =	shalt  }
0x7e: {  	_ =	shalt  }
0x7f: {  	_ =	shalt  }
0x80: {  	_ =	shalt  }
0x81: {  	_ =	shalt  }
0x82: {  	_ =	shalt  }
0x83: {  	_ =	shalt  }
0x84: {  	_ =	shalt  }
0x85: {  	_ =	shalt  }
0x86: {  	_ =	shalt  }
0x87: {  	_ =	shalt  }
.Lfunc_end0:
.L_simem_size_0:
called_computation_lowered:
.L_overlay_start_0:
0x88: {  	s0 =	sld [smem:$0x3FD9]  }
0x89: {  	s1 =	sld [smem:$0x3FFE];
	_ =	sdelay $0x3  }
0x8a: {  	s0 =	sadd.s32 s1, s0  }
0x8b: {  	[smem:$0x3FBD] =	sst s0  }
0x8c: {  	_ = 	snop  }
0x8d: {  	s0 =	sld [smem:$0x3FD0];
	(tm) =	ssettm $0x1  }
0x8e: {  	s16 =	sld [smem:$0x3FFB];
	_ =	sdelay $0x3  }
0x8f: {  	_ =	strace s16  }
0x90: {  	s1 =	sld [smem:$0x3FFC];
	_ =	sdelay $0x3  }
0x91: {  	_ =	strace s1  }
0x92: {  	s1 =	sld [smem:$0x3FFD];
	_ =	sdelay $0x3  }
0x93: {  	_ =	strace s1  }
0x94: {  	_ =	strace $0x8FFFFFFF  }
0x95: {  	s17 =	sld [smem:$0x3FDB];
	_ =	sdelay $0x1  }
0x96: {  	s2 =	simm.s32 $_scs_section_size  }
0x97: {  	s3 =	simm.s32 $_size__tile_overlayer_lowered;
	s4 =	simm.s32 $_tile_overlayer_lowered  }
0x98: {  	s20 =	simm.s32 $0x1BFF;
	s19 =	sshll.u32 s4, $0x1;
	s1 =	sadd.s32 s2, s17  }
0x99: {  	s5 =	simm.s32 $0x0;
	s18 =	sshll.u32 s3, $0x1;
	s3 =	sadd.s32 s19, s1  }
0x9a: {  	[timem:s5], [sflag:s20] =	dma.local [hbm:s3], s18  }
0x9b: {  	_ =	swait.ge [sflag:s20], s18  }
0x9c: {  	s2 =	ssub.s32 $0x0, s18;
	[sflag:s20] =	ssyncset.done $0x0  }
0x9d: {  	[sflag:s20] =	ssyncadd.s32 s2;
	_ =	sdelay $0x1  }
0x9e: {  	s21 =	simm.s32 $0x1B8B  }
0x9f: {  	_ =	swait.ge [sflag:s21], $0x1  }
0xa0: {  	[sflag:s21] =	ssyncset.done $0x0  }
0xa1: {  	s23 =	simm.s32 $0x1B8E;
	s22 =	sld [smem:$0x3FFE];
	[sflag:s21] =	ssyncadd.s32 $0xFFFFFFFF  }
0xa2: {  	s24 =	simm.s32 $execute0_lowered;
	[smem:$0x3FD2] =	sst s23  }
0xa3: {  	s3 =	sshll.u32 s24, $0x1;
	_ =	strace $0x80000046;
	[dreg:$0x1] =	wrdreg $0xFFFFFFFF  }
0xa4: {  	s25 =	simm.s32 $_size_execute0_lowered;
	s1 =	sadd.s32 s1, s3;
	[dreg:$0x0] =	wrdreg $0x0  }
0xa5: {  	s3 =	sshll.u32 s25, $0x1;
	[dreg:$0x2] =	wrdreg s1  }
0xa6: {  	[dreg:$0x3] =	wrdreg s3  }
0xa7: {  	[dreg:$0x4] =	wrdreg $0xC0  }
0xa8: {  	_ =	task [dreg:s5], $0x5FFFF  }
0xa9: {  	[dreg:$0x1] =	wrdreg $0xFFFFFFFF  }
0xaa: {  	[dreg:$0x0] =	wrdreg $0x60  }
0xab: {  	[dreg:$0x2] =	wrdreg s22  }
0xac: {  	[dreg:$0x3] =	wrdreg s0  }
0xad: {  	[dreg:$0x4] =	wrdreg $0x9  }
0xae: {  	_ =	task.clear_ibuf [dreg:s5], $0x5FFFF;
	_ =	strace $0x90000046  }
0xaf: {  	s26 =	simm.s32 $0x9;
	_ =	strace $0x80000048  }
0xb0: {  	_ =	swait.ge [sflag:s26], $0x1  }
0xb1: {  	[sflag:s26] =	ssyncadd.s32 $0xFFFFFFFF  }
0xb2: {  	_ =	strace $0x90000048  }
0xb3: {  	_ =	sfence  }
0xb4: {  	s28 =	sld [smem:$0x0];
	_ =	sdelay $0x1  }
0xb5: {  	s29 =	srdreg.scid  }
0xb6: {  	s30 =	sshll.u32 s29, $0xD;
	s31 =	sshrl.u32 s29, $0x2  }
0xb7: {  	s2 =	sand.u32 $0x4000, s30;
	s1 =	sand.u32 $0x1, s29;
	s0 =	sadd.s32 s31, s28  }
0xb8: {  	s1 =	sor.u32 s2, s1;
	s0 =	sshll.u32 s0, $0x11  }
0xb9: {  	s0 =	sor.u32 s0, s1  }
0xba: {  	s0 =	sadd.s32 $0x8F2B, s0  }
0xbb: {  	[sflag:s0] =	ssyncadd.remote.s32 $0x1  }
0xbc: {  	_ =	sfence.sel $0xFFFF  }
0xbd: {  	[dreg:$0x0] =	wrdreg $0xFFFFFFFF;
	(pc) =	sbr.abs _section_cstart, $3  }
0xbe: {  	[dreg:$0x1] =	wrdreg $0xFFFFFFFF  }
0xbf: {  	_ =	task.clear_ibuf [dreg:s5], $0x2FFFF;
	_ =	strace $0x9FFFFFFF  }
0xc0: {  	(tm) =	ssettm $0x7FFFFFFF  }
0xc1: {  	_ =	shalt  }
tec
execute0_lowered:
.L_overlay_start_1:
0x0: {  	(tag) =	ssettag $0x1  }
0x1: {  	s3 =	stileid.u32  }
0x2: {  	p0 =	sne.s32 s3, $0x0  }
.Ltmp0:
0x3: {  	_ = 	snop;
	(pc) =	sbr.rel @p0 .LBB2_10-.Ltmp0, $4  }
0x4: {  	_ = 	snop  }
0x5: {  	s2 =	rddreg [dreg:$0x0]  }
0x6: {  	s1 =	rddreg [dreg:$0x1]  }
0x7: {  	s0 =	rddreg [dreg:$0x2];
	_ =	strace $0x80000047  }
0x8: {  	s3 =	sadd.s32 $0x1400, s2;
	s26 =	simm.s32 $0x0;
	s28 =	simm.s32 $0x1  }
0x9: {  	[tilespmem:s26], [sflag:$0x1] =	stream.linear.gather [hbm4b:s3+s26], $0x800, $0x38;
	[tilespmem:$0x880] =	vst v63  }
0xa: {  	_ =	swait.ge [sflag:s28], $0x800  }
0xb: {  	[sflag:s28] =	ssyncset.done $0x0  }
0xc: {  	[sflag:s28] =	ssyncadd.s32 $0xFFFFF800  }
0xd: {  	v0 =	vld [tilespmem:$0x0];
	_ =	sdelay $0x4  }
0xe: {  	(v2sf) =	vpush v0, $0x1;
	_ =	sdelay $0xe  }
0xf: {  	s29 =	spop (v2sf)  }
0x10: {  	s3 =	ssub.f32 $3.600000000e+03, s29  }
0x11: {  	v1 =	vld [tilespmem:$0x10]  }
0x12: {  	v2 =	vld [tilespmem:$0x18];
	s3 =	smax.f32 s3, $0.0e+00  }
0x13: {  	v3 =	vld [tilespmem:$0x20];
	s3 =	smul.f32 $2.777777850e-04, s3  }
0x14: {  	v4 =	vld [tilespmem:$0x28]  }
0x15: {  	vm0 =	vcmask $0x704;
	v6 =	vld [tilespmem:$0x30];
	v5 =	vmov s3  }
0x16: {  	v9 =	vld [tilespmem:$0x38];
	v5 =	vnsel vm0, $0x0, v5;
	vm0 =	vmmov $0x1  }
0x17: {  	v12 =	vld [tilespmem:$0x48];
	v10 =	vsel vm0, v0, v5  }
0x18: {  	v11 =	vld [tilespmem:$0x40];
	v1 =	vadd.f32 v10, v1  }
0x19: {  	vm0 =	vmmov $0xff;
	v2 =	vadd.f32 v10, v2;
	v3 =	vadd.f32 v10, v3  }
0x1a: {  	v8 =	vnsel vm0, $0x0, v1;
	v1 =	vadd.f32 v10, v4;
	v4 =	vadd.f32 v10, v6  }
0x1b: {  	v7 =	vnsel vm0, $0x0, v2;
	v6 =	vnsel vm0, $0x0, v3;
	v2 =	vadd.f32 v10, v9  }
0x1c: {  	v9 =	vadd.f32 v12, v10;
	v5 =	vnsel vm0, $0x0, v1;
	v4 =	vnsel vm0, $0x0, v4  }
0x1d: {  	v1 =	vadd.f32 v11, v10;
	v3 =	vnsel vm0, $0x0, v2;
	v10 =	vshrl.u32 v8, $0x10  }
0x1e: {  	[tilespmem:$0x1FFE0] =	vst v0;
	v11 =	vshrl.u32 v7, $0x10;
	v0 =	vnsel vm0, $0x0, v9;
	v10 =	vand.u32 $0x1, v10  }
0x1f: {  	v2 =	vnsel vm0, $0x0, v1;
	v9 =	vadd.s32 v10, v8;
	v10 =	vand.u32 $0x1, v11  }
0x20: {  	v11 =	vshrl.u32 v6, $0x10;
	v9 =	vadd.s32 $0x7FFF, v9;
	v10 =	vadd.s32 v10, v7  }
0x21: {  	v17 =	vand.u32 $0xFFFF0000, v9;
	v9 =	vadd.s32 $0x7FFF, v10;
	v10 =	vand.u32 $0x1, v11  }
0x22: {  	v16 =	vand.u32 $0xFFFF0000, v9;
	v9 =	vadd.s32 v10, v6;
	v10 =	vshrl.u32 v5, $0x10  }
0x23: {  	v9 =	vadd.s32 $0x7FFF, v9;
	v10 =	vand.u32 $0x1, v10;
	v11 =	vadd.f32 v16, v17  }
0x24: {  	v15 =	vand.u32 $0xFFFF0000, v9;
	v9 =	vadd.s32 v10, v5;
	v10 =	vshrl.u32 v4, $0x10  }
0x25: {  	v9 =	vadd.s32 $0x7FFF, v9;
	v10 =	vand.u32 $0x1, v10;
	v11 =	vadd.f32 v15, v11  }
0x26: {  	v14 =	vand.u32 $0xFFFF0000, v9;
	v9 =	vadd.s32 v10, v4;
	v10 =	vshrl.u32 v3, $0x10  }
0x27: {  	v9 =	vadd.s32 $0x7FFF, v9;
	v10 =	vand.u32 $0x1, v10;
	v11 =	vadd.f32 v14, v11  }
0x28: {  	v12 =	vand.u32 $0xFFFF0000, v9;
	v9 =	vadd.s32 v10, v3;
	v10 =	vshrl.u32 v2, $0x10  }
0x29: {  	v19 =	vld [tilespmem:$0x790];
	v9 =	vadd.s32 $0x7FFF, v9;
	v10 =	vand.u32 $0x1, v10;
	v13 =	vadd.f32 v12, v11  }
0x2a: {  	v11 =	vand.u32 $0xFFFF0000, v9;
	v9 =	vadd.s32 v10, v2;
	v10 =	vshrl.u32 v0, $0x10  }
0x2b: {  	v9 =	vadd.s32 $0x7FFF, v9;
	v18 =	vand.u32 $0x1, v10;
	v13 =	vadd.f32 v11, v13  }
0x2c: {  	v20 =	vld [tilespmem:$0x50];
	v10 =	vand.u32 $0xFFFF0000, v9;
	v9 =	vadd.s32 v18, v0  }
0x2d: {  	v18 =	vld [tilespmem:$0x7A0];
	v9 =	vadd.s32 $0x7FFF, v9;
	v13 =	vadd.f32 v10, v13  }
0x2e: {  	v29 =	vld [tilespmem:$0x60];
	v19 =	vmul.f32 $8.000000000e+00, v19;
	v9 =	vand.u32 $0xFFFF0000, v9  }
0x2f: {  	v30 =	vld [tilespmem:$0x70];
	v26 =	vmul.f32 $8.000000000e+00, v17;
	v21 =	vmul.f32 $8.000000000e+00, v16;
	v13 =	vadd.f32 v9, v13  }
0x30: {  	v28 =	vimm.s32 $0x0;
	v31 =	vld [tilespmem:$0x80];
	v27 =	vmul.f32 $8.000000000e+00, v15;
	v25 =	vmul.f32 $8.000000000e+00, v14  }
0x31: {  	v33 =	vld [tilespmem:$0x90];
	v22 =	vmul.f32 $8.000000000e+00, v12;
	v32 =	vperm.xlane v13, v28  }
0x32: {  	v34 =	vimm.s32 $0x1;
	v35 =	vld [tilespmem:$0xA0];
	v23 =	vmul.f32 $8.000000000e+00, v11;
	v18 =	vmul.f32 $8.000000000e+00, v18  }
0x33: {  	v49 =	vimm.s32 $0x2;
	v36 =	vld [tilespmem:$0xB0];
	v34 =	vperm.xlane v13, v34;
	v29 =	vmul.f32 v29, v32  }
0x34: {  	v58 =	vimm.s32 $0x7;
	v37 =	vld [tilespmem:$0xC0];
	v24 =	vmul.f32 $8.000000000e+00, v10;
	v20 =	vmul.f32 v20, v32  }
0x35: {  	v50 =	vld [tilespmem:$0xD0];
	v18 =	vadd.f32 v29, v18;
	v29 =	vmul.f32 v31, v34;
	v31 =	vperm.xlane v13, v49  }
0x36: {  	v51 =	vld [tilespmem:$0xE0];
	v19 =	vadd.f32 v20, v19;
	v20 =	vmul.f32 v30, v34;
	v30 =	vimm.s32 $0x3  }
0x37: {  	v52 =	vld [tilespmem:$0xF0];
	v30 =	vperm.xlane v13, v30;
	v18 =	vadd.f32 v29, v18;
	v29 =	vmul.f32 v35, v31  }
0x38: {  	v53 =	vld [tilespmem:$0x100];
	v19 =	vadd.f32 v20, v19;
	v20 =	vmul.f32 v33, v31;
	v31 =	vimm.s32 $0x4  }
0x39: {  	v54 =	vld [tilespmem:$0x110];
	v31 =	vperm.xlane v13, v31;
	v18 =	vadd.f32 v29, v18;
	v29 =	vmul.f32 v37, v30  }
0x3a: {  	v55 =	vld [tilespmem:$0x120];
	v19 =	vadd.f32 v20, v19;
	v20 =	vmul.f32 v36, v30;
	v30 =	vimm.s32 $0x5  }
0x3b: {  	v56 =	vld [tilespmem:$0x130];
	v30 =	vperm.xlane v13, v30;
	v18 =	vadd.f32 v29, v18;
	v29 =	vmul.f32 v51, v31  }
0x3c: {  	v57 =	vld [tilespmem:$0x140];
	v19 =	vadd.f32 v20, v19;
	v20 =	vmul.f32 v50, v31;
	v31 =	vimm.s32 $0x6  }
0x3d: {  	v59 =	vmov s26;
	v28 =	vmul.f32 $8.000000000e+00, v9;
	v31 =	vperm.xlane v13, v31  }
0x3e: {  	v13 =	vperm.xlane v13, v58;
	v18 =	vadd.f32 v29, v18;
	v29 =	vmul.f32 v52, v30  }
0x3f: {  	v60 =	vand.u32 $0xF, v59;
	v30 =	vmul.f32 v53, v30;
	v37 =	vmul.f32 v54, v31  }
0x40: {  	s30 =	simm.s32 $0x160;
	v19 =	vadd.f32 v20, v19;
	v20 =	vmul.f32 v55, v31;
	v31 =	vbroadcast v60, $0x0  }
0x41: {  	v38 =	vld [tilespmem:s30+$0x0];
	v18 =	vadd.f32 v30, v18;
	v30 =	vmul.f32 v56, v13;
	v13 =	vmul.f32 v57, v13  }
0x42: {  	v61 =	vld [tilespmem:s30+$0xFFFFFFF0];
	v62 =	vperm.xlane v26, v31;
	v39 =	vperm.xlane v28, v31  }
0x43: {  	v40 =	vperm.xlane v21, v31;
	v41 =	vperm.xlane v27, v31  }
0x44: {  	v19 =	vadd.f32 v29, v19;
	v63 =	vperm.xlane v25, v31;
	v42 =	vperm.xlane v22, v31  }
0x45: {  	v43 =	vperm.xlane v23, v31;
	v44 =	vperm.xlane v24, v31  }
0x46: {  	v18 =	vadd.f32 v20, v18;
	v19 =	vadd.f32 v37, v19;
	v20 =	vmul.f32 v39, v38  }
0x47: {  	v45 =	vmul.f32 v42, v61;
	v50 =	vmul.f32 v43, v61  }
0x48: {  	v35 =	vadd.f32 v13, v18;
	v36 =	vadd.f32 v30, v19;
	v13 =	vmul.f32 v62, v61  }
0x49: {  	v51 =	vmul.f32 v44, v61;
	v18 =	vmul.f32 v40, v61  }
0x4a: {  	v29 =	vadd.f32 v20, v35;
	v30 =	vadd.f32 v13, v36;
	v13 =	vmul.f32 v63, v61;
	v20 =	vld [tilespmem:$0x750]  }
0x4b: {  	v48 =	vmul.f32 v39, v61;
	v19 =	vmul.f32 v41, v61;
	v31 =	vadd.f32 v18, v36;
	v18 =	vld [tilespmem:$0x760]  }
0x4c: {  	v49 =	vmul.f32 v62, v38;
	v52 =	vmul.f32 v40, v38;
	v33 =	vadd.f32 v13, v36;
	v13 =	vld [tilespmem:$0x770]  }
0x4d: {  	s31 =	simm.s32 $0x1;
	v53 =	vmul.f32 v41, v38;
	v54 =	vmul.f32 v63, v38;
	v32 =	vadd.f32 v19, v36;
	v19 =	vld [tilespmem:$0x780]  }
0x4e: {  	v55 =	vmov s31;
	v46 =	vmul.f32 v42, v38;
	v47 =	vmul.f32 v43, v38  }
0x4f: {  	v34 =	vadd.f32 v45, v36;
	v45 =	vmul.f32 v44, v38;
	v44 =	vmovc v36;
	v43 =	vmovc v36;
	v41 =	vmov v35  }
0x50: {  	s2 =	simm.s32 $0x180;
	s3 =	simm.s32 $0x2;
	[tilespmem:$0x1FFF0] =	vst v0;
	v42 =	vmovc v35;
	v40 =	vmovc v35;
	v39 =	vmov v35;
	v38 =	vmov v35;
	v37 =	vmov v35  }
.LBB2_2:
0x51: {  	p1 =	sne.s32 s3, $0x7;
	v56 =	vld [tilespmem:s2+$0x0];
	v55 =	vand.u32 $0xF, v55;
	v36 =	vadd.f32 v50, v36;
	v44 =	vadd.f32 v51, v44  }
0x52: {  	v43 =	vadd.f32 v48, v43;
	v35 =	vadd.f32 v49, v35;
	v57 =	vld [tilespmem:s2+$0xFFFFFFF0];
	v50 =	vbroadcast v55, $0x0  }
0x53: {  	v41 =	vadd.f32 v52, v41;
	v42 =	vadd.f32 v53, v42  }
0x54: {  	v40 =	vadd.f32 v54, v40;
	v49 =	vperm.xlane v26, v50;
	v48 =	vperm.xlane v28, v50  }
0x55: {  	v39 =	vadd.f32 v46, v39;
	v52 =	vperm.xlane v21, v50;
	v53 =	vperm.xlane v27, v50  }
0x56: {  	v38 =	vadd.f32 v47, v38;
	v46 =	vperm.xlane v25, v50;
	v51 =	vmul.f32 v48, v56  }
0x57: {  	v37 =	vadd.f32 v45, v37;
	v47 =	vperm.xlane v22, v50;
	v58 =	vperm.xlane v23, v50  }
0x58: {  	v59 =	vperm.xlane v24, v50;
	v45 =	vmul.f32 v49, v57;
	v29 =	vadd.f32 v51, v29  }
0x59: {  	v50 =	vmul.f32 v52, v57;
	v54 =	vmul.f32 v53, v57  }
0x5a: {  	v55 =	vmul.f32 v47, v57;
	v30 =	vadd.f32 v45, v30;
	v45 =	vmul.f32 v46, v57  }
.Ltmp1:
0x5b: {  	v51 =	vmul.f32 v59, v57;
	v31 =	vadd.f32 v50, v31;
	v50 =	vmul.f32 v58, v57;
	(pc) =	sbr.rel @p1 .LBB2_2-.Ltmp1, $4  }
0x5c: {  	v48 =	vmul.f32 v48, v57;
	v49 =	vmul.f32 v49, v56;
	v32 =	vadd.f32 v54, v32  }
0x5d: {  	v52 =	vmul.f32 v52, v56;
	v53 =	vmul.f32 v53, v56;
	v33 =	vadd.f32 v45, v33  }
0x5e: {  	v34 =	vadd.f32 v55, v34;
	v54 =	vmul.f32 v46, v56;
	v46 =	vmul.f32 v47, v56  }
0x5f: {  	s2 =	sadd.s32 $0x20, s2;
	v55 =	vmov s3;
	s3 =	sadd.s32 $0x1, s3;
	v47 =	vmul.f32 v58, v56;
	v45 =	vmul.f32 v59, v56  }
0x60: {  	v55 =	vand.u32 $0xF, v55  }
0x61: {  	v56 =	vld [tilespmem:s2+$0x0];
	v62 =	vbroadcast v55, $0x0  }
0x62: {  	v36 =	vadd.f32 v50, v36;
	v63 =	vld [tilespmem:s2+$0xFFFFFFF0]  }
0x63: {  	v44 =	vadd.f32 v51, v44;
	v26 =	vperm.xlane v26, v62;
	v28 =	vperm.xlane v28, v62  }
0x64: {  	v42 =	vadd.f32 v53, v42;
	v53 =	vperm.xlane v21, v62;
	v27 =	vperm.xlane v27, v62  }
0x65: {  	v43 =	vadd.f32 v48, v43;
	v25 =	vperm.xlane v25, v62;
	v22 =	vperm.xlane v22, v62  }
0x66: {  	v35 =	vadd.f32 v49, v35;
	v23 =	vperm.xlane v23, v62;
	v24 =	vperm.xlane v24, v62  }
0x67: {  	v40 =	vadd.f32 v54, v40;
	v21 =	vmul.f32 v28, v56;
	v54 =	vmul.f32 v26, v63  }
0x68: {  	v41 =	vadd.f32 v52, v41;
	v55 =	vmul.f32 v27, v63;
	v57 =	vmul.f32 v25, v63  }
0x69: {  	v39 =	vadd.f32 v46, v39;
	v58 =	vmul.f32 v22, v63;
	v59 =	vmul.f32 v24, v63  }
0x6a: {  	v38 =	vadd.f32 v47, v38;
	v28 =	vmul.f32 v28, v63;
	v26 =	vmul.f32 v26, v56  }
0x6b: {  	v37 =	vadd.f32 v45, v37;
	v60 =	vmul.f32 v53, v56;
	v61 =	vmul.f32 v27, v56  }
0x6c: {  	v25 =	vmul.f32 v25, v56;
	v21 =	vadd.f32 v21, v29;
	v30 =	vadd.f32 v54, v30  }
0x6d: {  	v22 =	vmul.f32 v22, v56;
	v32 =	vadd.f32 v55, v32;
	v33 =	vadd.f32 v57, v33  }
0x6e: {  	v29 =	vmul.f32 v53, v63;
	v34 =	vadd.f32 v58, v34;
	v44 =	vadd.f32 v59, v44  }
0x6f: {  	v62 =	vmul.f32 v23, v56;
	v28 =	vadd.f32 v28, v43;
	v27 =	vadd.f32 v26, v35  }
0x70: {  	v26 =	vadd.f32 v60, v41;
	v29 =	vadd.f32 v29, v31;
	v31 =	vmul.f32 v23, v63  }
0x71: {  	v63 =	vmul.f32 v24, v56;
	v24 =	vshrl.u32 v30, $0x10;
	v23 =	vadd.f32 v61, v42  }
0x72: {  	s30 =	simm.s32 $0x0;
	v50 =	vshrl.u32 v33, $0x10;
	v51 =	vshrl.u32 v34, $0x10;
	v55 =	vshrl.u32 v28, $0x10  }
0x73: {  	v56 =	vmov s30;
	v58 =	vshrl.u32 v44, $0x10;
	v24 =	vand.u32 $0x1, v24  }
0x74: {  	v35 =	vand.u32 $0x1, v50;
	v53 =	vand.u32 $0x1, v51;
	v57 =	vand.u32 $0xF, v56  }
0x75: {  	v36 =	vadd.f32 v31, v36;
	v31 =	vshrl.u32 v29, $0x10;
	v30 =	vadd.s32 v24, v30  }
0x76: {  	s3 =	simm.s32 $0x260;
	v24 =	vadd.f32 v22, v39;
	v22 =	vadd.f32 v62, v38;
	v52 =	vadd.s32 v35, v33  }
0x77: {  	v43 =	vld [tilespmem:s3+$0x0];
	v34 =	vadd.s32 v53, v34;
	v35 =	vand.u32 $0x1, v55;
	v38 =	vbroadcast v57, $0x0  }
0x78: {  	v41 =	vld [tilespmem:s3+$0xFFFFFFF0];
	v31 =	vand.u32 $0x1, v31;
	v30 =	vadd.s32 $0x7FFF, v30;
	v28 =	vadd.s32 v35, v28  }
0x79: {  	v29 =	vadd.s32 v31, v29;
	v30 =	vand.u32 $0xFFFF0000, v30;
	v31 =	vshrl.u32 v32, $0x10  }
0x7a: {  	v54 =	vshrl.u32 v36, $0x10;
	v28 =	vadd.s32 $0x7FFF, v28;
	v31 =	vand.u32 $0x1, v31  }
0x7b: {  	v29 =	vadd.s32 $0x7FFF, v29;
	v42 =	vperm.xlane v30, v38;
	v31 =	vadd.s32 v31, v32  }
0x7c: {  	v29 =	vand.u32 $0xFFFF0000, v29;
	v32 =	vadd.s32 $0x7FFF, v52;
	v31 =	vadd.s32 $0x7FFF, v31  }
0x7d: {  	v32 =	vand.u32 $0xFFFF0000, v32;
	v60 =	vmul.f32 v42, v41;
	v55 =	vmul.f32 v42, v43  }
0x7e: {  	v33 =	vand.u32 $0xFFFF0000, v31;
	v31 =	vadd.s32 $0x7FFF, v34;
	v34 =	vand.u32 $0x1, v54  }
0x7f: {  	v47 =	vperm.xlane v32, v38;
	v31 =	vand.u32 $0xFFFF0000, v31;
	v34 =	vadd.s32 v34, v36  }
0x80: {  	v36 =	vand.u32 $0xFFFF0000, v28;
	v28 =	vand.u32 $0x1, v58;
	v46 =	vperm.xlane v33, v38  }
0x81: {  	v45 =	vperm.xlane v36, v38;
	v28 =	vadd.s32 v28, v44;
	v44 =	vperm.xlane v29, v38  }
0x82: {  	v34 =	vadd.s32 $0x7FFF, v34;
	v49 =	vperm.xlane v31, v38;
	v56 =	vmul.f32 v47, v43  }
0x83: {  	v34 =	vand.u32 $0xFFFF0000, v34;
	v28 =	vadd.s32 $0x7FFF, v28;
	v62 =	vmul.f32 v46, v41  }
0x84: {  	v59 =	vmul.f32 v45, v43;
	v35 =	vand.u32 $0xFFFF0000, v28;
	v50 =	vperm.xlane v34, v38  }
0x85: {  	v28 =	vadd.f32 v63, v37;
	v61 =	vmul.f32 v44, v41;
	v63 =	vmul.f32 v47, v41  }
0x86: {  	v53 =	vmul.f32 v49, v41;
	v54 =	vmul.f32 v45, v41  }
0x87: {  	v25 =	vadd.f32 v25, v40;
	v52 =	vmul.f32 v49, v43;
	v48 =	vperm.xlane v35, v38  }
0x88: {  	v38 =	vadd.f32 v60, v20;
	v40 =	vadd.f32 v62, v20;
	v60 =	vmul.f32 v46, v43  }
0x89: {  	s31 =	simm.s32 $0x1;
	v37 =	vadd.f32 v59, v18;
	v39 =	vadd.f32 v61, v20;
	v57 =	vmul.f32 v50, v41  }
0x8a: {  	v47 =	vmovc v18;
	v46 =	vmovc v18;
	v59 =	vmul.f32 v44, v43;
	v42 =	vadd.f32 v53, v20;
	v61 =	vmov s31  }
0x8b: {  	v53 =	vmul.f32 v50, v43;
	v49 =	vmovc v20;
	v45 =	vmovc v18;
	v44 =	vmov v18;
	v58 =	vmul.f32 v48, v41  }
0x8c: {  	s2 =	simm.s32 $0x280;
	s3 =	simm.s32 $0x2;
	v41 =	vadd.f32 v63, v20;
	v51 =	vmul.f32 v48, v43;
	v43 =	vmovc v18;
	v50 =	vmovc v20;
	v48 =	vmov v18  }
.LBB2_4:
0x8d: {  	p1 =	sne.s32 s3, $0xF;
	v62 =	vld [tilespmem:s2+$0x0];
	v61 =	vand.u32 $0xF, v61;
	v20 =	vadd.f32 v57, v20;
	v50 =	vadd.f32 v58, v50  }
0x8e: {  	v49 =	vadd.f32 v54, v49;
	v18 =	vadd.f32 v55, v18;
	v63 =	vld [tilespmem:s2+$0xFFFFFFF0];
	v57 =	vbroadcast v61, $0x0  }
0x8f: {  	v47 =	vadd.f32 v59, v47;
	v48 =	vadd.f32 v60, v48  }
0x90: {  	v46 =	vadd.f32 v56, v46;
	v55 =	vperm.xlane v30, v57;
	v54 =	vperm.xlane v36, v57  }
0x91: {  	v45 =	vadd.f32 v52, v45;
	v56 =	vperm.xlane v29, v57;
	v60 =	vperm.xlane v33, v57  }
0x92: {  	v44 =	vadd.f32 v53, v44;
	v52 =	vperm.xlane v32, v57;
	v58 =	vmul.f32 v54, v62  }
0x93: {  	v43 =	vadd.f32 v51, v43;
	v53 =	vperm.xlane v31, v57;
	v0 =	vperm.xlane v34, v57  }
0x94: {  	v1 =	vperm.xlane v35, v57;
	v51 =	vmul.f32 v55, v63;
	v37 =	vadd.f32 v58, v37  }
0x95: {  	v57 =	vmul.f32 v56, v63;
	v59 =	vmul.f32 v60, v63  }
0x96: {  	v61 =	vmul.f32 v53, v63;
	v38 =	vadd.f32 v51, v38;
	v51 =	vmul.f32 v52, v63  }
.Ltmp2:
0x97: {  	v58 =	vmul.f32 v1, v63;
	v39 =	vadd.f32 v57, v39;
	v57 =	vmul.f32 v0, v63;
	(pc) =	sbr.rel @p1 .LBB2_4-.Ltmp2, $4  }
0x98: {  	v54 =	vmul.f32 v54, v63;
	v55 =	vmul.f32 v55, v62;
	v40 =	vadd.f32 v59, v40  }
0x99: {  	v60 =	vmul.f32 v60, v62;
	v59 =	vmul.f32 v56, v62;
	v41 =	vadd.f32 v51, v41  }
0x9a: {  	v42 =	vadd.f32 v61, v42;
	v56 =	vmul.f32 v52, v62;
	v52 =	vmul.f32 v53, v62  }
0x9b: {  	s2 =	sadd.s32 $0x20, s2;
	v61 =	vmov s3;
	s3 =	sadd.s32 $0x1, s3;
	v53 =	vmul.f32 v0, v62;
	v51 =	vmul.f32 v1, v62  }
0x9c: {  	v0 =	vand.u32 $0xF, v61;
	v20 =	vadd.f32 v57, v20;
	v50 =	vadd.f32 v58, v50  }
0x9d: {  	v1 =	vld [tilespmem:s2+$0x0];
	v49 =	vadd.f32 v54, v49;
	v54 =	vadd.f32 v55, v18;
	v0 =	vbroadcast v0, $0x0  }
0x9e: {  	v57 =	vld [tilespmem:s2+$0xFFFFFFF0];
	v47 =	vadd.f32 v59, v47;
	v48 =	vadd.f32 v60, v48  }
0x9f: {  	v45 =	vadd.f32 v52, v45;
	v18 =	vperm.xlane v30, v0;
	v30 =	vperm.xlane v36, v0  }
0xa0: {  	v55 =	vshrl.u32 v24, $0x10;
	v29 =	vperm.xlane v29, v0;
	v33 =	vperm.xlane v33, v0  }
0xa1: {  	v44 =	vadd.f32 v53, v44;
	v32 =	vperm.xlane v32, v0;
	v31 =	vperm.xlane v31, v0  }
0xa2: {  	v43 =	vadd.f32 v51, v43;
	v34 =	vperm.xlane v34, v0;
	v0 =	vperm.xlane v35, v0  }
0xa3: {  	v51 =	vshrl.u32 v26, $0x10;
	v59 =	vmul.f32 v30, v1;
	v60 =	vmul.f32 v18, v57  }
0xa4: {  	v36 =	vadd.f32 v56, v46;
	v61 =	vmul.f32 v29, v57;
	v62 =	vmul.f32 v33, v57  }
0xa5: {  	v35 =	vand.u32 $0x1, v51;
	v63 =	vmul.f32 v32, v57;
	v56 =	vmul.f32 v31, v57  }
0xa6: {  	v53 =	vadd.s32 v35, v26;
	v58 =	vmul.f32 v34, v57;
	v30 =	vmul.f32 v30, v57  }
0xa7: {  	v29 =	vmul.f32 v29, v1;
	v34 =	vmul.f32 v34, v1;
	v37 =	vadd.f32 v59, v37  }
0xa8: {  	v38 =	vadd.f32 v60, v38;
	v39 =	vadd.f32 v61, v39;
	v59 =	vmul.f32 v0, v57  }
0xa9: {  	v40 =	vadd.f32 v62, v40;
	v60 =	vmul.f32 v18, v1;
	v41 =	vadd.f32 v63, v41  }
0xaa: {  	v61 =	vmul.f32 v33, v1;
	v42 =	vadd.f32 v56, v42;
	v62 =	vmul.f32 v32, v1  }
0xab: {  	v63 =	vmul.f32 v31, v1;
	v0 =	vmul.f32 v0, v1;
	v1 =	vshrl.u32 v27, $0x10  }
0xac: {  	v32 =	vadd.f32 v58, v20;
	v18 =	vadd.f32 v30, v49;
	v1 =	vand.u32 $0x1, v1  }
0xad: {  	s30 =	simm.s32 $0x0;
	v29 =	vadd.f32 v29, v47;
	v26 =	vadd.f32 v34, v44;
	v1 =	vadd.s32 v1, v27  }
0xae: {  	v57 =	vshrl.u32 v21, $0x10;
	v58 =	vmov s30;
	v1 =	vadd.s32 $0x7FFF, v1  }
0xaf: {  	v20 =	vadd.f32 v60, v54;
	v35 =	vand.u32 $0xFFFF0000, v1;
	v1 =	vadd.s32 $0x7FFF, v53  }
0xb0: {  	v54 =	vshrl.u32 v25, $0x10;
	v34 =	vand.u32 $0xFFFF0000, v1;
	v1 =	vshrl.u32 v23, $0x10  }
0xb1: {  	v31 =	vadd.f32 v62, v36;
	v36 =	vand.u32 $0x1, v54;
	v1 =	vand.u32 $0x1, v1  }
0xb2: {  	v1 =	vadd.s32 v1, v23;
	v23 =	vadd.s32 v36, v25;
	v25 =	vand.u32 $0x1, v55  }
0xb3: {  	v33 =	vadd.f32 v59, v50;
	v1 =	vadd.s32 $0x7FFF, v1;
	v56 =	vadd.s32 v25, v24  }
0xb4: {  	v23 =	vadd.s32 $0x7FFF, v23;
	v24 =	vand.u32 $0xFFFF0000, v1;
	v1 =	vadd.s32 $0x7FFF, v56  }
0xb5: {  	v25 =	vand.u32 $0xFFFF0000, v23;
	v23 =	vand.u32 $0xFFFF0000, v1;
	v1 =	vshrl.u32 v22, $0x10  }
0xb6: {  	s3 =	simm.s32 $0x460;
	v27 =	vadd.f32 v63, v45;
	v36 =	vand.u32 $0x1, v57;
	v1 =	vand.u32 $0x1, v1  }
0xb7: {  	v45 =	vld [tilespmem:s3+$0xFFFFFFF0];
	v21 =	vadd.s32 v36, v21;
	v1 =	vadd.s32 v1, v22;
	v22 =	vand.u32 $0xF, v58  }
0xb8: {  	v54 =	vld [tilespmem:s3+$0x0];
	v36 =	vadd.s32 $0x7FFF, v21;
	v1 =	vadd.s32 $0x7FFF, v1;
	v44 =	vbroadcast v22, $0x0  }
0xb9: {  	v30 =	vadd.f32 v61, v48;
	v36 =	vand.u32 $0xFFFF0000, v36;
	v21 =	vand.u32 $0xFFFF0000, v1  }
0xba: {  	v1 =	vshrl.u32 v28, $0x10;
	v47 =	vperm.xlane v35, v44;
	v46 =	vperm.xlane v36, v44  }
0xbb: {  	v1 =	vand.u32 $0x1, v1;
	v48 =	vperm.xlane v34, v44;
	v50 =	vperm.xlane v24, v44  }
0xbc: {  	v53 =	vperm.xlane v25, v44;
	v55 =	vperm.xlane v21, v44;
	v1 =	vadd.s32 v1, v28  }
0xbd: {  	v28 =	vadd.f32 v0, v43;
	v59 =	vmul.f32 v46, v54;
	v0 =	vmul.f32 v47, v45  }
0xbe: {  	v61 =	vmul.f32 v48, v45;
	v62 =	vmul.f32 v50, v45  }
0xbf: {  	v51 =	vmul.f32 v55, v45;
	v46 =	vmul.f32 v46, v45  }
0xc0: {  	v1 =	vadd.s32 $0x7FFF, v1;
	v47 =	vmul.f32 v47, v54;
	v52 =	vmul.f32 v48, v54  }
0xc1: {  	v50 =	vmul.f32 v50, v54;
	v48 =	vmul.f32 v53, v54;
	v22 =	vand.u32 $0xFFFF0000, v1  }
0xc2: {  	v1 =	vperm.xlane v23, v44;
	v60 =	vperm.xlane v22, v44;
	v37 =	vadd.f32 v59, v37  }
0xc3: {  	s31 =	simm.s32 $0x1;
	v38 =	vadd.f32 v0, v38;
	v0 =	vmul.f32 v53, v45;
	v39 =	vadd.f32 v61, v39  }
0xc4: {  	v40 =	vadd.f32 v62, v40;
	v53 =	vmov s31;
	v63 =	vmul.f32 v1, v45  }
0xc5: {  	v44 =	vmul.f32 v1, v54;
	v49 =	vmul.f32 v60, v45;
	v41 =	vadd.f32 v0, v41  }
0xc6: {  	s2 =	simm.s32 $0x480;
	s3 =	simm.s32 $0x2;
	v45 =	vmul.f32 v55, v54;
	v43 =	vmul.f32 v60, v54;
	v42 =	vadd.f32 v63, v42  }
.LBB2_6:
0xc7: {  	p1 =	sne.s32 s3, $0xF;
	v0 =	vld [tilespmem:s2+$0x0];
	v1 =	vand.u32 $0xF, v53;
	v32 =	vadd.f32 v51, v32;
	v33 =	vadd.f32 v49, v33  }
0xc8: {  	v18 =	vadd.f32 v46, v18;
	v20 =	vadd.f32 v47, v20;
	v53 =	vld [tilespmem:s2+$0xFFFFFFF0];
	v1 =	vbroadcast v1, $0x0  }
0xc9: {  	v29 =	vadd.f32 v52, v29;
	v30 =	vadd.f32 v50, v30  }
0xca: {  	v31 =	vadd.f32 v48, v31;
	v47 =	vperm.xlane v35, v1;
	v46 =	vperm.xlane v36, v1  }
0xcb: {  	v27 =	vadd.f32 v44, v27;
	v48 =	vperm.xlane v34, v1;
	v50 =	vperm.xlane v24, v1  }
0xcc: {  	v26 =	vadd.f32 v45, v26;
	v44 =	vperm.xlane v25, v1;
	v49 =	vmul.f32 v46, v0  }
0xcd: {  	v28 =	vadd.f32 v43, v28;
	v45 =	vperm.xlane v23, v1;
	v54 =	vperm.xlane v21, v1  }
0xce: {  	v1 =	vperm.xlane v22, v1;
	v43 =	vmul.f32 v47, v53;
	v37 =	vadd.f32 v49, v37  }
0xcf: {  	v52 =	vmul.f32 v50, v53;
	v49 =	vmul.f32 v48, v53  }
0xd0: {  	v55 =	vmul.f32 v45, v53;
	v38 =	vadd.f32 v43, v38;
	v43 =	vmul.f32 v44, v53  }
.Ltmp3:
0xd1: {  	v51 =	vmul.f32 v54, v53;
	v39 =	vadd.f32 v49, v39;
	v49 =	vmul.f32 v1, v53;
	(pc) =	sbr.rel @p1 .LBB2_6-.Ltmp3, $4  }
0xd2: {  	v46 =	vmul.f32 v46, v53;
	v47 =	vmul.f32 v47, v0;
	v40 =	vadd.f32 v52, v40  }
0xd3: {  	v50 =	vmul.f32 v50, v0;
	v52 =	vmul.f32 v48, v0;
	v41 =	vadd.f32 v43, v41  }
0xd4: {  	v42 =	vadd.f32 v55, v42;
	v48 =	vmul.f32 v44, v0;
	v44 =	vmul.f32 v45, v0  }
0xd5: {  	s2 =	sadd.s32 $0x20, s2;
	v45 =	vmul.f32 v54, v0;
	v53 =	vmov s3;
	s3 =	sadd.s32 $0x1, s3;
	v43 =	vmul.f32 v1, v0  }
0xd6: {  	v0 =	vand.u32 $0xF, v53  }
0xd7: {  	v1 =	vld [tilespmem:s2+$0x0];
	v0 =	vbroadcast v0, $0x0  }
0xd8: {  	v32 =	vadd.f32 v51, v32;
	v33 =	vadd.f32 v49, v33;
	v61 =	vld [tilespmem:s2+$0xFFFFFFF0]  }
0xd9: {  	v62 =	vadd.f32 v46, v18;
	v35 =	vperm.xlane v35, v0;
	v36 =	vperm.xlane v36, v0  }
0xda: {  	v20 =	vadd.f32 v47, v20;
	v34 =	vperm.xlane v34, v0;
	v24 =	vperm.xlane v24, v0  }
0xdb: {  	v47 =	vadd.f32 v52, v29;
	v25 =	vperm.xlane v25, v0;
	v23 =	vperm.xlane v23, v0  }
0xdc: {  	v27 =	vadd.f32 v44, v27;
	v21 =	vperm.xlane v21, v0;
	v0 =	vperm.xlane v22, v0  }
0xdd: {  	v44 =	vadd.f32 v45, v26;
	v18 =	vmul.f32 v36, v1;
	v26 =	vmul.f32 v35, v61  }
0xde: {  	v63 =	vadd.f32 v43, v28;
	v22 =	vmul.f32 v34, v61;
	v28 =	vmul.f32 v24, v61  }
0xdf: {  	v30 =	vadd.f32 v50, v30;
	v58 =	vmul.f32 v23, v61;
	v59 =	vmul.f32 v0, v61  }
0xe0: {  	v31 =	vadd.f32 v48, v31;
	v35 =	vmul.f32 v35, v1;
	v60 =	vmul.f32 v34, v1  }
0xe1: {  	v24 =	vmul.f32 v24, v1;
	v29 =	vadd.f32 v26, v38;
	v26 =	vmul.f32 v25, v61  }
0xe2: {  	s30 =	simm.s32 $0x0;
	v54 =	vadd.f32 v22, v39;
	v22 =	vmul.f32 v21, v61;
	v50 =	vadd.f32 v28, v40  }
0xe3: {  	v28 =	vmul.f32 v36, v61;
	v46 =	vadd.f32 v26, v41;
	v26 =	vmov s30  }
0xe4: {  	v23 =	vmul.f32 v23, v1;
	v34 =	vadd.f32 v22, v32;
	v22 =	vand.u32 $0xF, v26  }
0xe5: {  	s3 =	simm.s32 $0x660;
	v61 =	vmul.f32 v21, v1;
	v21 =	vadd.f32 v28, v62;
	v62 =	vbroadcast v22, $0x0  }
0xe6: {  	v0 =	vmul.f32 v0, v1;
	v18 =	vadd.f32 v18, v37;
	v25 =	vmul.f32 v25, v1;
	v32 =	vld [tilespmem:s3+$0x0]  }
0xe7: {  	v51 =	vadd.f32 v60, v47;
	v1 =	vld [tilespmem:s3+$0xFFFFFFF0];
	v47 =	vadd.f32 v24, v30;
	v24 =	vperm.xlane v17, v62  }
0xe8: {  	v43 =	vadd.f32 v25, v31;
	v30 =	vperm.xlane v9, v62;
	v31 =	vperm.xlane v16, v62  }
0xe9: {  	v37 =	vadd.f32 v23, v27;
	v36 =	vperm.xlane v15, v62;
	v23 =	vperm.xlane v14, v62  }
0xea: {  	v56 =	vadd.f32 v35, v20;
	v27 =	vperm.xlane v12, v62;
	v38 =	vperm.xlane v11, v62  }
0xeb: {  	v26 =	vadd.f32 v59, v33;
	v33 =	vperm.xlane v10, v62;
	v20 =	vmul.f32 v30, v32  }
0xec: {  	v22 =	vadd.f32 v0, v63;
	v0 =	vmul.f32 v24, v1;
	v25 =	vmul.f32 v31, v1  }
0xed: {  	v63 =	vmul.f32 v36, v1;
	v45 =	vmul.f32 v27, v1  }
0xee: {  	v41 =	vmul.f32 v38, v1;
	v35 =	vmul.f32 v33, v1  }
0xef: {  	v60 =	vmul.f32 v24, v32;
	v57 =	vmul.f32 v31, v32  }
0xf0: {  	v40 =	vadd.f32 v58, v42;
	v52 =	vmul.f32 v36, v32;
	v48 =	vmul.f32 v23, v32  }
0xf1: {  	v28 =	vadd.f32 v61, v44;
	v42 =	vmul.f32 v27, v32;
	v36 =	vmul.f32 v38, v32  }
0xf2: {  	v55 =	vmovc v19;
	v27 =	vmul.f32 v33, v32;
	v20 =	vadd.f32 v20, v19;
	v59 =	vadd.f32 v0, v13  }
0xf3: {  	s31 =	simm.s32 $0x1;
	v39 =	vmovc v19;
	v0 =	vmul.f32 v23, v1;
	v58 =	vadd.f32 v25, v13;
	v53 =	vadd.f32 v63, v13  }
0xf4: {  	v25 =	vmul.f32 v30, v1;
	v44 =	vadd.f32 v45, v13;
	v30 =	vmov s31;
	v31 =	vmovc v13;
	v23 =	vmovc v13  }
0xf5: {  	s2 =	simm.s32 $0x680;
	s3 =	simm.s32 $0x2;
	v38 =	vmovc v19;
	v33 =	vmovc v19;
	v24 =	vmov v19;
	v49 =	vadd.f32 v0, v13;
	v45 =	vmov v19  }
.LBB2_8:
0xf6: {  	p1 =	sne.s32 s3, $0x7;
	v0 =	vld [tilespmem:s2+$0x0];
	v1 =	vand.u32 $0xF, v30;
	v13 =	vadd.f32 v41, v13;
	v31 =	vadd.f32 v35, v31  }
0xf7: {  	v23 =	vadd.f32 v25, v23;
	v19 =	vadd.f32 v60, v19;
	v30 =	vld [tilespmem:s2+$0xFFFFFFF0];
	v1 =	vbroadcast v1, $0x0  }
0xf8: {  	v55 =	vadd.f32 v57, v55;
	v38 =	vadd.f32 v52, v38  }
0xf9: {  	v45 =	vadd.f32 v48, v45;
	v32 =	vperm.xlane v17, v1;
	v25 =	vperm.xlane v9, v1  }
0xfa: {  	v39 =	vadd.f32 v42, v39;
	v48 =	vperm.xlane v16, v1;
	v52 =	vperm.xlane v15, v1  }
0xfb: {  	v33 =	vadd.f32 v36, v33;
	v42 =	vperm.xlane v14, v1;
	v35 =	vmul.f32 v25, v0  }
0xfc: {  	v24 =	vadd.f32 v27, v24;
	v36 =	vperm.xlane v12, v1;
	v61 =	vperm.xlane v11, v1  }
0xfd: {  	v1 =	vperm.xlane v10, v1;
	v27 =	vmul.f32 v32, v30;
	v20 =	vadd.f32 v35, v20  }
0xfe: {  	v57 =	vmul.f32 v52, v30;
	v35 =	vmul.f32 v48, v30  }
0xff: {  	v62 =	vmul.f32 v36, v30;
	v59 =	vadd.f32 v27, v59;
	v27 =	vmul.f32 v42, v30  }
.Ltmp4:
0x100: {  	v41 =	vmul.f32 v61, v30;
	v58 =	vadd.f32 v35, v58;
	v35 =	vmul.f32 v1, v30;
	(pc) =	sbr.rel @p1 .LBB2_8-.Ltmp4, $4  }
0x101: {  	v60 =	vmul.f32 v32, v0;
	v25 =	vmul.f32 v25, v30;
	v53 =	vadd.f32 v57, v53  }
0x102: {  	v52 =	vmul.f32 v52, v0;
	v57 =	vmul.f32 v48, v0;
	v49 =	vadd.f32 v27, v49  }
0x103: {  	v44 =	vadd.f32 v62, v44;
	v48 =	vmul.f32 v42, v0;
	v42 =	vmul.f32 v36, v0  }
0x104: {  	s2 =	sadd.s32 $0x20, s2;
	v36 =	vmul.f32 v61, v0;
	v30 =	vmov s3;
	s3 =	sadd.s32 $0x1, s3;
	v27 =	vmul.f32 v1, v0  }
0x105: {  	v0 =	vand.u32 $0xF, v30;
	v30 =	vld [tilespmem:s2+$0xFFFFFFF0]  }
0x106: {  	v32 =	vbroadcast v0, $0x0;
	_ =	sdelay $0x1  }
0x107: {  	v0 =	vperm.xlane v17, v32;
	_ =	sdelay $0x1  }
0x108: {  	v1 =	vmul.f32 v0, v30;
	_ =	sdelay $0x1  }
0x109: {  	v1 =	vadd.f32 v1, v59;
	_ =	sdelay $0x1  }
0x10a: {  	v1 =	vadd.f32 v1, v29;
	_ =	sdelay $0x1  }
0x10b: {  	v1 =	vsub.f32 $0.0e+00, v1;
	_ =	sdelay $0x1  }
0x10c: {  	v62 =	vmul.f32 $1.442695020e+00, v1;
	_ =	sdelay $0x1  }
0x10d: {  	v17 =	vimm.f32 $-5.000000000e-01;
	vm1 =	vge.f32 v62, $0.0e+00  }
0x10e: {  	v63 =	vsel vm1, $0x3F000000, v17  }
0x10f: {  	v29 =	vadd.f32 v63, v62;
	_ =	sdelay $0x1  }
0x110: {  	v29 =	vtrunc.f32 v29  }
0x111: {  	v29 =	vcvt.f32.s32 v29;
	_ =	sdelay $0x1  }
0x112: {  	vm4 =	vgt.s32 v29, $0xFFFFFF82  }
0x113: {  	v29 =	vnsel vm4, $0xFFFFFF82, v29  }
0x114: {  	vm1 =	vlt.s32 v29, $0x7E  }
0x115: {  	v29 =	vnsel vm1, $0x7E, v29  }
0x116: {  	v59 =	vcvt.s32.f32 v29;
	_ =	sdelay $0x1  }
0x117: {  	v61 =	vmul.f32 $6.933593750e-01, v59;
	_ =	sdelay $0x1  }
0x118: {  	v59 =	vmul.f32 $2.121944420e-04, v59;
	v1 =	vsub.f32 v1, v61;
	_ =	sdelay $0x1  }
0x119: {  	v1 =	vadd.f32 v59, v1;
	_ =	sdelay $0x1  }
0x11a: {  	v59 =	vmul.f32 $1.388888920e-03, v1;
	_ =	sdelay $0x1  }
0x11b: {  	v59 =	vadd.f32 $8.333333770e-03, v59;
	_ =	sdelay $0x1  }
0x11c: {  	v59 =	vmul.f32 v59, v1;
	_ =	sdelay $0x1  }
0x11d: {  	v59 =	vadd.f32 $4.166666790e-02, v59;
	_ =	sdelay $0x1  }
0x11e: {  	v59 =	vmul.f32 v59, v1;
	_ =	sdelay $0x1  }
0x11f: {  	v59 =	vadd.f32 $1.666666720e-01, v59;
	_ =	sdelay $0x1  }
0x120: {  	v59 =	vmul.f32 v59, v1;
	_ =	sdelay $0x1  }
0x121: {  	v59 =	vadd.f32 $5.000000000e-01, v59;
	_ =	sdelay $0x1  }
0x122: {  	v59 =	vmul.f32 v59, v1;
	_ =	sdelay $0x1  }
0x123: {  	v59 =	vadd.f32 $1.000000000e+00, v59;
	_ =	sdelay $0x1  }
0x124: {  	v1 =	vmul.f32 v59, v1;
	_ =	sdelay $0x1  }
0x125: {  	v29 =	vshll.u32 v29, $0x17;
	v1 =	vadd.f32 $1.000000000e+00, v1  }
0x126: {  	v29 =	vadd.s32 $0x3F800000, v29  }
0x127: {  	v1 =	vmul.f32 v29, v1;
	_ =	sdelay $0x1  }
0x128: {  	v1 =	vadd.f32 $1.000000000e+00, v1;
	_ =	sdelay $0x1  }
0x129: {  	(erf) = vrcp.f32 v1  }
0x12a: {  	v29 =	vld [tilespmem:s2+$0x0];
	_ =	sdelay $0x4  }
0x12b: {  	v60 =	vadd.f32 v60, v19;
	v0 =	vmul.f32 v0, v29  }
0x12c: {  	v19 =	vperm.xlane v16, v32  }
0x12d: {  	v0 =	vadd.f32 v0, v60  }
0x12e: {  	v61 =	vmul.f32 v19, v30;
	v16 =	vpop (erf)  }
0x12f: {  	v0 =	vmul.f32 v16, v0  }
0x130: {  	v1 =	vadd.f32 v61, v58  }
0x131: {  	v0 =	vadd.f32 v0, v56  }
0x132: {  	v1 =	vadd.f32 v1, v54  }
0x133: {  	v0 =	vmul.f32 $-2.000000000e+00, v0  }
0x134: {  	v1 =	vsub.f32 $0.0e+00, v1  }
0x135: {  	v62 =	vmul.f32 $1.442695020e+00, v0  }
0x136: {  	v63 =	vmul.f32 $1.442695020e+00, v1  }
0x137: {  	vm5 =	vge.f32 v62, $0.0e+00  }
0x138: {  	vm6 =	vge.f32 v63, $0.0e+00;
	v60 =	vsel vm5, $0x3F000000, v17  }
0x139: {  	v61 =	vsel vm6, $0x3F000000, v17;
	v54 =	vadd.f32 v60, v62  }
0x13a: {  	v56 =	vadd.f32 v61, v63  }
0x13b: {  	v54 =	vtrunc.f32 v54  }
0x13c: {  	v56 =	vtrunc.f32 v56;
	v54 =	vcvt.f32.s32 v54  }
0x13d: {  	v56 =	vcvt.f32.s32 v56  }
0x13e: {  	vm7 =	vgt.s32 v54, $0xFFFFFF82  }
0x13f: {  	vm8 =	vgt.s32 v56, $0xFFFFFF82;
	v54 =	vnsel vm7, $0xFFFFFF82, v54  }
0x140: {  	v56 =	vnsel vm8, $0xFFFFFF82, v56;
	vm9 =	vlt.s32 v54, $0x7E  }
0x141: {  	vm10 =	vlt.s32 v56, $0x7E;
	v54 =	vnsel vm9, $0x7E, v54  }
0x142: {  	v56 =	vnsel vm10, $0x7E, v56;
	v58 =	vcvt.s32.f32 v54  }
0x143: {  	v59 =	vcvt.s32.f32 v56  }
0x144: {  	v60 =	vmul.f32 $6.933593750e-01, v58  }
0x145: {  	v61 =	vmul.f32 $6.933593750e-01, v59  }
0x146: {  	v58 =	vmul.f32 $2.121944420e-04, v58;
	v0 =	vsub.f32 v0, v60  }
0x147: {  	v59 =	vmul.f32 $2.121944420e-04, v59;
	v1 =	vsub.f32 v1, v61  }
0x148: {  	v0 =	vadd.f32 v58, v0  }
0x149: {  	v1 =	vadd.f32 v59, v1  }
0x14a: {  	v58 =	vmul.f32 $1.388888920e-03, v0  }
0x14b: {  	v59 =	vmul.f32 $1.388888920e-03, v1  }
0x14c: {  	v58 =	vadd.f32 $8.333333770e-03, v58  }
0x14d: {  	v59 =	vadd.f32 $8.333333770e-03, v59  }
0x14e: {  	v58 =	vmul.f32 v58, v0  }
0x14f: {  	v59 =	vmul.f32 v59, v1  }
0x150: {  	v58 =	vadd.f32 $4.166666790e-02, v58  }
0x151: {  	v59 =	vadd.f32 $4.166666790e-02, v59  }
0x152: {  	v58 =	vmul.f32 v58, v0  }
0x153: {  	v59 =	vmul.f32 v59, v1  }
0x154: {  	v58 =	vadd.f32 $1.666666720e-01, v58  }
0x155: {  	v59 =	vadd.f32 $1.666666720e-01, v59  }
0x156: {  	v58 =	vmul.f32 v58, v0  }
0x157: {  	v59 =	vmul.f32 v59, v1  }
0x158: {  	v58 =	vadd.f32 $5.000000000e-01, v58  }
0x159: {  	v59 =	vadd.f32 $5.000000000e-01, v59  }
0x15a: {  	v58 =	vmul.f32 v58, v0  }
0x15b: {  	v59 =	vmul.f32 v59, v1  }
0x15c: {  	v58 =	vadd.f32 $1.000000000e+00, v58  }
0x15d: {  	v59 =	vadd.f32 $1.000000000e+00, v59  }
0x15e: {  	v0 =	vmul.f32 v58, v0  }
0x15f: {  	v1 =	vmul.f32 v59, v1  }
0x160: {  	v54 =	vshll.u32 v54, $0x17;
	v0 =	vadd.f32 $1.000000000e+00, v0  }
0x161: {  	v56 =	vshll.u32 v56, $0x17;
	v54 =	vadd.s32 $0x3F800000, v54;
	v1 =	vadd.f32 $1.000000000e+00, v1  }
0x162: {  	v62 =	vadd.s32 $0x3F800000, v56;
	v0 =	vmul.f32 v54, v0  }
0x163: {  	v1 =	vmul.f32 v62, v1  }
0x164: {  	v0 =	vadd.f32 $1.000000000e+00, v0  }
0x165: {  	v1 =	vadd.f32 $1.000000000e+00, v1  }
0x166: {  	(erf) = vrcp.f32 v0  }
0x167: {  	(erf) = vrcp.f32 v1;
	_ =	sdelay $0x3  }
0x168: {  	v19 =	vmul.f32 v19, v29;
	_ =	sdelay $0x1  }
0x169: {  	v63 =	vadd.f32 v57, v55  }
0x16a: {  	v54 =	vperm.xlane v15, v32  }
0x16b: {  	v0 =	vadd.f32 v19, v63;
	v19 =	vpop (erf)  }
0x16c: {  	v55 =	vmul.f32 v54, v30;
	v15 =	vpop (erf)  }
0x16d: {  	v0 =	vmul.f32 v15, v0  }
0x16e: {  	v1 =	vadd.f32 v55, v53  }
0x16f: {  	v0 =	vadd.f32 v0, v51  }
0x170: {  	v1 =	vadd.f32 v1, v50  }
0x171: {  	v0 =	vmul.f32 $-2.000000000e+00, v0  }
0x172: {  	v1 =	vsub.f32 $0.0e+00, v1  }
0x173: {  	v56 =	vmul.f32 $1.442695020e+00, v0  }
0x174: {  	v57 =	vmul.f32 $1.442695020e+00, v1  }
0x175: {  	vm11 =	vge.f32 v56, $0.0e+00  }
0x176: {  	vm12 =	vge.f32 v57, $0.0e+00;
	v58 =	vsel vm11, $0x3F000000, v17  }
0x177: {  	v59 =	vsel vm12, $0x3F000000, v17;
	v50 =	vadd.f32 v58, v56  }
0x178: {  	v51 =	vadd.f32 v59, v57  }
0x179: {  	v50 =	vtrunc.f32 v50  }
0x17a: {  	v51 =	vtrunc.f32 v51;
	v50 =	vcvt.f32.s32 v50  }
0x17b: {  	v51 =	vcvt.f32.s32 v51  }
0x17c: {  	vm13 =	vgt.s32 v50, $0xFFFFFF82  }
0x17d: {  	vm14 =	vgt.s32 v51, $0xFFFFFF82;
	v50 =	vnsel vm13, $0xFFFFFF82, v50  }
0x17e: {  	v51 =	vnsel vm14, $0xFFFFFF82, v51;
	vm15 =	vlt.s32 v50, $0x7E  }
0x17f: {  	vm4 =	vlt.s32 v51, $0x7E;
	v50 =	vnsel vm15, $0x7E, v50  }
0x180: {  	v51 =	vnsel vm4, $0x7E, v51;
	v60 =	vcvt.s32.f32 v50  }
0x181: {  	v61 =	vcvt.s32.f32 v51  }
0x182: {  	v62 =	vmul.f32 $6.933593750e-01, v60  }
0x183: {  	v63 =	vmul.f32 $6.933593750e-01, v61  }
0x184: {  	v53 =	vmul.f32 $2.121944420e-04, v60;
	v0 =	vsub.f32 v0, v62  }
0x185: {  	v55 =	vmul.f32 $2.121944420e-04, v61;
	v1 =	vsub.f32 v1, v63  }
0x186: {  	v0 =	vadd.f32 v53, v0  }
0x187: {  	v1 =	vadd.f32 v55, v1  }
0x188: {  	v53 =	vmul.f32 $1.388888920e-03, v0  }
0x189: {  	v55 =	vmul.f32 $1.388888920e-03, v1  }
0x18a: {  	v53 =	vadd.f32 $8.333333770e-03, v53  }
0x18b: {  	v55 =	vadd.f32 $8.333333770e-03, v55  }
0x18c: {  	v53 =	vmul.f32 v53, v0  }
0x18d: {  	v55 =	vmul.f32 v55, v1  }
0x18e: {  	v53 =	vadd.f32 $4.166666790e-02, v53  }
0x18f: {  	v55 =	vadd.f32 $4.166666790e-02, v55  }
0x190: {  	v53 =	vmul.f32 v53, v0  }
0x191: {  	v55 =	vmul.f32 v55, v1  }
0x192: {  	v53 =	vadd.f32 $1.666666720e-01, v53  }
0x193: {  	v55 =	vadd.f32 $1.666666720e-01, v55  }
0x194: {  	v53 =	vmul.f32 v53, v0  }
0x195: {  	v55 =	vmul.f32 v55, v1  }
0x196: {  	v53 =	vadd.f32 $5.000000000e-01, v53  }
0x197: {  	v55 =	vadd.f32 $5.000000000e-01, v55  }
0x198: {  	v53 =	vmul.f32 v53, v0  }
0x199: {  	v55 =	vmul.f32 v55, v1  }
0x19a: {  	v53 =	vadd.f32 $1.000000000e+00, v53  }
0x19b: {  	v55 =	vadd.f32 $1.000000000e+00, v55  }
0x19c: {  	v0 =	vmul.f32 v53, v0  }
0x19d: {  	v1 =	vmul.f32 v55, v1  }
0x19e: {  	v50 =	vshll.u32 v50, $0x17;
	v0 =	vadd.f32 $1.000000000e+00, v0  }
0x19f: {  	v51 =	vshll.u32 v51, $0x17;
	v50 =	vadd.s32 $0x3F800000, v50;
	v1 =	vadd.f32 $1.000000000e+00, v1  }
0x1a0: {  	v60 =	vadd.s32 $0x3F800000, v51;
	v0 =	vmul.f32 v50, v0  }
0x1a1: {  	v1 =	vmul.f32 v60, v1  }
0x1a2: {  	v0 =	vadd.f32 $1.000000000e+00, v0  }
0x1a3: {  	v1 =	vadd.f32 $1.000000000e+00, v1  }
0x1a4: {  	(erf) = vrcp.f32 v0  }
0x1a5: {  	(erf) = vrcp.f32 v1;
	_ =	sdelay $0x5  }
0x1a6: {  	v61 =	vadd.f32 v52, v38;
	v62 =	vmul.f32 v54, v29  }
0x1a7: {  	v63 =	vperm.xlane v14, v32  }
0x1a8: {  	v0 =	vadd.f32 v62, v61;
	v38 =	vpop (erf)  }
0x1a9: {  	v51 =	vmul.f32 v63, v30;
	v14 =	vpop (erf)  }
0x1aa: {  	v0 =	vmul.f32 v14, v0  }
0x1ab: {  	v1 =	vadd.f32 v51, v49  }
0x1ac: {  	v0 =	vadd.f32 v0, v47  }
0x1ad: {  	v1 =	vadd.f32 v1, v46  }
0x1ae: {  	v0 =	vmul.f32 $-2.000000000e+00, v0  }
0x1af: {  	v1 =	vsub.f32 $0.0e+00, v1  }
0x1b0: {  	v52 =	vmul.f32 $1.442695020e+00, v0  }
0x1b1: {  	v53 =	vmul.f32 $1.442695020e+00, v1  }
0x1b2: {  	vm5 =	vge.f32 v52, $0.0e+00  }
0x1b3: {  	vm6 =	vge.f32 v53, $0.0e+00;
	v54 =	vsel vm5, $0x3F000000, v17  }
0x1b4: {  	v55 =	vsel vm6, $0x3F000000, v17;
	v46 =	vadd.f32 v54, v52  }
0x1b5: {  	v47 =	vadd.f32 v55, v53  }
0x1b6: {  	v46 =	vtrunc.f32 v46  }
0x1b7: {  	v47 =	vtrunc.f32 v47;
	v46 =	vcvt.f32.s32 v46  }
0x1b8: {  	v47 =	vcvt.f32.s32 v47  }
0x1b9: {  	vm7 =	vgt.s32 v46, $0xFFFFFF82  }
0x1ba: {  	vm8 =	vgt.s32 v47, $0xFFFFFF82;
	v46 =	vnsel vm7, $0xFFFFFF82, v46  }
0x1bb: {  	v47 =	vnsel vm8, $0xFFFFFF82, v47;
	vm9 =	vlt.s32 v46, $0x7E  }
0x1bc: {  	vm10 =	vlt.s32 v47, $0x7E;
	v46 =	vnsel vm9, $0x7E, v46  }
0x1bd: {  	v47 =	vnsel vm10, $0x7E, v47;
	v56 =	vcvt.s32.f32 v46  }
0x1be: {  	v57 =	vcvt.s32.f32 v47  }
0x1bf: {  	v58 =	vmul.f32 $6.933593750e-01, v56  }
0x1c0: {  	v59 =	vmul.f32 $6.933593750e-01, v57  }
0x1c1: {  	v49 =	vmul.f32 $2.121944420e-04, v56;
	v0 =	vsub.f32 v0, v58  }
0x1c2: {  	v51 =	vmul.f32 $2.121944420e-04, v57;
	v1 =	vsub.f32 v1, v59  }
0x1c3: {  	v0 =	vadd.f32 v49, v0  }
0x1c4: {  	v1 =	vadd.f32 v51, v1  }
0x1c5: {  	v49 =	vmul.f32 $1.388888920e-03, v0  }
0x1c6: {  	v51 =	vmul.f32 $1.388888920e-03, v1  }
0x1c7: {  	v49 =	vadd.f32 $8.333333770e-03, v49  }
0x1c8: {  	v51 =	vadd.f32 $8.333333770e-03, v51  }
0x1c9: {  	v49 =	vmul.f32 v49, v0  }
0x1ca: {  	v51 =	vmul.f32 v51, v1  }
0x1cb: {  	v49 =	vadd.f32 $4.166666790e-02, v49  }
0x1cc: {  	v51 =	vadd.f32 $4.166666790e-02, v51  }
0x1cd: {  	v49 =	vmul.f32 v49, v0  }
0x1ce: {  	v51 =	vmul.f32 v51, v1  }
0x1cf: {  	v49 =	vadd.f32 $1.666666720e-01, v49  }
0x1d0: {  	v51 =	vadd.f32 $1.666666720e-01, v51  }
0x1d1: {  	v49 =	vmul.f32 v49, v0  }
0x1d2: {  	v51 =	vmul.f32 v51, v1  }
0x1d3: {  	v49 =	vadd.f32 $5.000000000e-01, v49  }
0x1d4: {  	v51 =	vadd.f32 $5.000000000e-01, v51  }
0x1d5: {  	v49 =	vmul.f32 v49, v0  }
0x1d6: {  	v51 =	vmul.f32 v51, v1  }
0x1d7: {  	v49 =	vadd.f32 $1.000000000e+00, v49  }
0x1d8: {  	v51 =	vadd.f32 $1.000000000e+00, v51  }
0x1d9: {  	v0 =	vmul.f32 v49, v0  }
0x1da: {  	v1 =	vmul.f32 v51, v1  }
0x1db: {  	v46 =	vshll.u32 v46, $0x17;
	v0 =	vadd.f32 $1.000000000e+00, v0  }
0x1dc: {  	v47 =	vshll.u32 v47, $0x17;
	v46 =	vadd.s32 $0x3F800000, v46;
	v1 =	vadd.f32 $1.000000000e+00, v1  }
0x1dd: {  	v60 =	vadd.s32 $0x3F800000, v47;
	v0 =	vmul.f32 v46, v0  }
0x1de: {  	v1 =	vmul.f32 v60, v1  }
0x1df: {  	v0 =	vadd.f32 $1.000000000e+00, v0  }
0x1e0: {  	v1 =	vadd.f32 $1.000000000e+00, v1  }
0x1e1: {  	(erf) = vrcp.f32 v0  }
0x1e2: {  	(erf) = vrcp.f32 v1;
	_ =	sdelay $0x5  }
0x1e3: {  	v61 =	vadd.f32 v48, v45;
	v62 =	vmul.f32 v63, v29  }
0x1e4: {  	v63 =	vperm.xlane v12, v32  }
0x1e5: {  	v0 =	vadd.f32 v62, v61;
	v45 =	vpop (erf)  }
0x1e6: {  	v49 =	vmul.f32 v63, v30;
	v12 =	vpop (erf)  }
0x1e7: {  	v0 =	vmul.f32 v12, v0  }
0x1e8: {  	v1 =	vadd.f32 v49, v44  }
0x1e9: {  	v0 =	vadd.f32 v0, v43  }
0x1ea: {  	v1 =	vadd.f32 v1, v40  }
0x1eb: {  	v0 =	vmul.f32 $-2.000000000e+00, v0  }
0x1ec: {  	v1 =	vsub.f32 $0.0e+00, v1  }
0x1ed: {  	v50 =	vmul.f32 $1.442695020e+00, v0  }
0x1ee: {  	v51 =	vmul.f32 $1.442695020e+00, v1  }
0x1ef: {  	vm11 =	vge.f32 v50, $0.0e+00  }
0x1f0: {  	vm12 =	vge.f32 v51, $0.0e+00;
	v52 =	vsel vm11, $0x3F000000, v17  }
0x1f1: {  	v53 =	vsel vm12, $0x3F000000, v17;
	v40 =	vadd.f32 v52, v50  }
0x1f2: {  	v43 =	vadd.f32 v53, v51  }
0x1f3: {  	v40 =	vtrunc.f32 v40  }
0x1f4: {  	v43 =	vtrunc.f32 v43;
	v40 =	vcvt.f32.s32 v40  }
0x1f5: {  	v43 =	vcvt.f32.s32 v43  }
0x1f6: {  	vm13 =	vgt.s32 v40, $0xFFFFFF82  }
0x1f7: {  	vm14 =	vgt.s32 v43, $0xFFFFFF82;
	v40 =	vnsel vm13, $0xFFFFFF82, v40  }
0x1f8: {  	v43 =	vnsel vm14, $0xFFFFFF82, v43;
	vm15 =	vlt.s32 v40, $0x7E  }
0x1f9: {  	vm4 =	vlt.s32 v43, $0x7E;
	v40 =	vnsel vm15, $0x7E, v40  }
0x1fa: {  	v43 =	vnsel vm4, $0x7E, v43;
	v54 =	vcvt.s32.f32 v40  }
0x1fb: {  	v55 =	vcvt.s32.f32 v43  }
0x1fc: {  	v56 =	vmul.f32 $6.933593750e-01, v54  }
0x1fd: {  	v57 =	vmul.f32 $6.933593750e-01, v55  }
0x1fe: {  	v44 =	vmul.f32 $2.121944420e-04, v54;
	v0 =	vsub.f32 v0, v56  }
0x1ff: {  	v47 =	vmul.f32 $2.121944420e-04, v55;
	v1 =	vsub.f32 v1, v57  }
0x200: {  	v0 =	vadd.f32 v44, v0  }
0x201: {  	v1 =	vadd.f32 v47, v1  }
0x202: {  	v44 =	vmul.f32 $1.388888920e-03, v0  }
0x203: {  	v47 =	vmul.f32 $1.388888920e-03, v1  }
0x204: {  	v44 =	vadd.f32 $8.333333770e-03, v44  }
0x205: {  	v47 =	vadd.f32 $8.333333770e-03, v47  }
0x206: {  	v44 =	vmul.f32 v44, v0  }
0x207: {  	v47 =	vmul.f32 v47, v1  }
0x208: {  	v44 =	vadd.f32 $4.166666790e-02, v44  }
0x209: {  	v47 =	vadd.f32 $4.166666790e-02, v47  }
0x20a: {  	v44 =	vmul.f32 v44, v0  }
0x20b: {  	v47 =	vmul.f32 v47, v1  }
0x20c: {  	v44 =	vadd.f32 $1.666666720e-01, v44  }
0x20d: {  	v47 =	vadd.f32 $1.666666720e-01, v47  }
0x20e: {  	v44 =	vmul.f32 v44, v0  }
0x20f: {  	v47 =	vmul.f32 v47, v1  }
0x210: {  	v44 =	vadd.f32 $5.000000000e-01, v44  }
0x211: {  	v47 =	vadd.f32 $5.000000000e-01, v47  }
0x212: {  	v44 =	vmul.f32 v44, v0  }
0x213: {  	v47 =	vmul.f32 v47, v1  }
0x214: {  	v44 =	vadd.f32 $1.000000000e+00, v44  }
0x215: {  	v47 =	vadd.f32 $1.000000000e+00, v47  }
0x216: {  	v0 =	vmul.f32 v44, v0  }
0x217: {  	v1 =	vmul.f32 v47, v1  }
0x218: {  	v40 =	vshll.u32 v40, $0x17;
	v0 =	vadd.f32 $1.000000000e+00, v0  }
0x219: {  	v43 =	vshll.u32 v43, $0x17;
	v40 =	vadd.s32 $0x3F800000, v40;
	v1 =	vadd.f32 $1.000000000e+00, v1  }
0x21a: {  	v58 =	vadd.s32 $0x3F800000, v43;
	v0 =	vmul.f32 v40, v0  }
0x21b: {  	v1 =	vmul.f32 v58, v1  }
0x21c: {  	v0 =	vadd.f32 $1.000000000e+00, v0  }
0x21d: {  	v1 =	vadd.f32 $1.000000000e+00, v1  }
0x21e: {  	(erf) = vrcp.f32 v0  }
0x21f: {  	(erf) = vrcp.f32 v1;
	_ =	sdelay $0x5  }
0x220: {  	v59 =	vadd.f32 v42, v39;
	v60 =	vmul.f32 v63, v29  }
0x221: {  	v61 =	vperm.xlane v11, v32  }
0x222: {  	v0 =	vadd.f32 v60, v59;
	v39 =	vpop (erf)  }
0x223: {  	v62 =	vadd.f32 v41, v13;
	v63 =	vmul.f32 v61, v30;
	v11 =	vpop (erf)  }
0x224: {  	v0 =	vmul.f32 v11, v0  }
0x225: {  	v1 =	vadd.f32 v63, v62  }
0x226: {  	v0 =	vadd.f32 v0, v37  }
0x227: {  	v1 =	vadd.f32 v1, v34  }
0x228: {  	v0 =	vmul.f32 $-2.000000000e+00, v0  }
0x229: {  	v1 =	vsub.f32 $0.0e+00, v1  }
0x22a: {  	v41 =	vmul.f32 $1.442695020e+00, v0  }
0x22b: {  	v42 =	vmul.f32 $1.442695020e+00, v1  }
0x22c: {  	vm5 =	vge.f32 v41, $0.0e+00  }
0x22d: {  	vm6 =	vge.f32 v42, $0.0e+00;
	v43 =	vsel vm5, $0x3F000000, v17  }
0x22e: {  	v44 =	vsel vm6, $0x3F000000, v17;
	v13 =	vadd.f32 v43, v41  }
0x22f: {  	v34 =	vadd.f32 v44, v42  }
0x230: {  	v13 =	vtrunc.f32 v13  }
0x231: {  	v34 =	vtrunc.f32 v34;
	v13 =	vcvt.f32.s32 v13  }
0x232: {  	v34 =	vcvt.f32.s32 v34  }
0x233: {  	vm7 =	vgt.s32 v13, $0xFFFFFF82  }
0x234: {  	vm8 =	vgt.s32 v34, $0xFFFFFF82;
	v13 =	vnsel vm7, $0xFFFFFF82, v13  }
0x235: {  	v34 =	vnsel vm8, $0xFFFFFF82, v34;
	vm9 =	vlt.s32 v13, $0x7E  }
0x236: {  	vm10 =	vlt.s32 v34, $0x7E;
	v13 =	vnsel vm9, $0x7E, v13  }
0x237: {  	v34 =	vnsel vm10, $0x7E, v34;
	v46 =	vcvt.s32.f32 v13  }
0x238: {  	v47 =	vcvt.s32.f32 v34  }
0x239: {  	v48 =	vmul.f32 $6.933593750e-01, v46  }
0x23a: {  	v49 =	vmul.f32 $6.933593750e-01, v47  }
0x23b: {  	v37 =	vmul.f32 $2.121944420e-04, v46;
	v0 =	vsub.f32 v0, v48  }
0x23c: {  	v41 =	vmul.f32 $2.121944420e-04, v47;
	v1 =	vsub.f32 v1, v49  }
0x23d: {  	v0 =	vadd.f32 v37, v0  }
0x23e: {  	v1 =	vadd.f32 v41, v1  }
0x23f: {  	v37 =	vmul.f32 $1.388888920e-03, v0  }
0x240: {  	v41 =	vmul.f32 $1.388888920e-03, v1  }
0x241: {  	v37 =	vadd.f32 $8.333333770e-03, v37  }
0x242: {  	v41 =	vadd.f32 $8.333333770e-03, v41  }
0x243: {  	v37 =	vmul.f32 v37, v0  }
0x244: {  	v41 =	vmul.f32 v41, v1  }
0x245: {  	v37 =	vadd.f32 $4.166666790e-02, v37  }
0x246: {  	v41 =	vadd.f32 $4.166666790e-02, v41  }
0x247: {  	v37 =	vmul.f32 v37, v0  }
0x248: {  	v41 =	vmul.f32 v41, v1  }
0x249: {  	v37 =	vadd.f32 $1.666666720e-01, v37  }
0x24a: {  	v41 =	vadd.f32 $1.666666720e-01, v41  }
0x24b: {  	v37 =	vmul.f32 v37, v0  }
0x24c: {  	v41 =	vmul.f32 v41, v1  }
0x24d: {  	v37 =	vadd.f32 $5.000000000e-01, v37  }
0x24e: {  	v41 =	vadd.f32 $5.000000000e-01, v41  }
0x24f: {  	v37 =	vmul.f32 v37, v0  }
0x250: {  	v41 =	vmul.f32 v41, v1  }
0x251: {  	v37 =	vadd.f32 $1.000000000e+00, v37  }
0x252: {  	v41 =	vadd.f32 $1.000000000e+00, v41  }
0x253: {  	v0 =	vmul.f32 v37, v0  }
0x254: {  	v1 =	vmul.f32 v41, v1  }
0x255: {  	v13 =	vshll.u32 v13, $0x17;
	v0 =	vadd.f32 $1.000000000e+00, v0  }
0x256: {  	v34 =	vshll.u32 v34, $0x17;
	v13 =	vadd.s32 $0x3F800000, v13;
	v1 =	vadd.f32 $1.000000000e+00, v1  }
0x257: {  	v50 =	vadd.s32 $0x3F800000, v34;
	v0 =	vmul.f32 v13, v0  }
0x258: {  	v1 =	vmul.f32 v50, v1  }
0x259: {  	v0 =	vadd.f32 $1.000000000e+00, v0  }
0x25a: {  	v1 =	vadd.f32 $1.000000000e+00, v1  }
0x25b: {  	(erf) = vrcp.f32 v0  }
0x25c: {  	(erf) = vrcp.f32 v1;
	_ =	sdelay $0x5  }
0x25d: {  	v51 =	vadd.f32 v36, v33;
	v52 =	vmul.f32 v61, v29  }
0x25e: {  	v53 =	vperm.xlane v10, v32  }
0x25f: {  	v0 =	vadd.f32 v52, v51;
	v13 =	vpop (erf)  }
0x260: {  	v55 =	vmul.f32 v53, v30;
	v54 =	vadd.f32 v35, v31;
	v10 =	vpop (erf)  }
0x261: {  	v0 =	vmul.f32 v10, v0  }
0x262: {  	v1 =	vadd.f32 v55, v54  }
0x263: {  	v0 =	vadd.f32 v0, v28  }
0x264: {  	v1 =	vadd.f32 v1, v26  }
0x265: {  	v0 =	vmul.f32 $-2.000000000e+00, v0  }
0x266: {  	v1 =	vsub.f32 $0.0e+00, v1  }
0x267: {  	v56 =	vmul.f32 $1.442695020e+00, v0  }
0x268: {  	v57 =	vmul.f32 $1.442695020e+00, v1  }
0x269: {  	vm11 =	vge.f32 v56, $0.0e+00  }
0x26a: {  	vm12 =	vge.f32 v57, $0.0e+00;
	v58 =	vsel vm11, $0x3F000000, v17  }
0x26b: {  	v59 =	vsel vm12, $0x3F000000, v17;
	v26 =	vadd.f32 v58, v56  }
0x26c: {  	v28 =	vadd.f32 v59, v57  }
0x26d: {  	v26 =	vtrunc.f32 v26  }
0x26e: {  	v28 =	vtrunc.f32 v28;
	v26 =	vcvt.f32.s32 v26  }
0x26f: {  	v28 =	vcvt.f32.s32 v28  }
0x270: {  	vm13 =	vgt.s32 v26, $0xFFFFFF82  }
0x271: {  	vm14 =	vgt.s32 v28, $0xFFFFFF82;
	v26 =	vnsel vm13, $0xFFFFFF82, v26  }
0x272: {  	v28 =	vnsel vm14, $0xFFFFFF82, v28;
	vm15 =	vlt.s32 v26, $0x7E  }
0x273: {  	vm4 =	vlt.s32 v28, $0x7E;
	v26 =	vnsel vm15, $0x7E, v26  }
0x274: {  	v28 =	vnsel vm4, $0x7E, v28;
	v60 =	vcvt.s32.f32 v26  }
0x275: {  	v61 =	vcvt.s32.f32 v28  }
0x276: {  	v62 =	vmul.f32 $6.933593750e-01, v60  }
0x277: {  	v63 =	vmul.f32 $6.933593750e-01, v61  }
0x278: {  	v31 =	vmul.f32 $2.121944420e-04, v60;
	v0 =	vsub.f32 v0, v62  }
0x279: {  	v34 =	vmul.f32 $2.121944420e-04, v61;
	v1 =	vsub.f32 v1, v63  }
0x27a: {  	v0 =	vadd.f32 v31, v0  }
0x27b: {  	v1 =	vadd.f32 v34, v1  }
0x27c: {  	v31 =	vmul.f32 $1.388888920e-03, v0  }
0x27d: {  	v34 =	vmul.f32 $1.388888920e-03, v1  }
0x27e: {  	v31 =	vadd.f32 $8.333333770e-03, v31  }
0x27f: {  	v34 =	vadd.f32 $8.333333770e-03, v34  }
0x280: {  	v31 =	vmul.f32 v31, v0  }
0x281: {  	v34 =	vmul.f32 v34, v1  }
0x282: {  	v31 =	vadd.f32 $4.166666790e-02, v31  }
0x283: {  	v34 =	vadd.f32 $4.166666790e-02, v34  }
0x284: {  	v31 =	vmul.f32 v31, v0  }
0x285: {  	v34 =	vmul.f32 v34, v1  }
0x286: {  	v31 =	vadd.f32 $1.666666720e-01, v31  }
0x287: {  	v34 =	vadd.f32 $1.666666720e-01, v34  }
0x288: {  	v31 =	vmul.f32 v31, v0  }
0x289: {  	v34 =	vmul.f32 v34, v1  }
0x28a: {  	v31 =	vadd.f32 $5.000000000e-01, v31  }
0x28b: {  	v34 =	vadd.f32 $5.000000000e-01, v34  }
0x28c: {  	v31 =	vmul.f32 v31, v0  }
0x28d: {  	v34 =	vmul.f32 v34, v1  }
0x28e: {  	v31 =	vadd.f32 $1.000000000e+00, v31  }
0x28f: {  	v34 =	vadd.f32 $1.000000000e+00, v34  }
0x290: {  	v0 =	vmul.f32 v31, v0  }
0x291: {  	v1 =	vmul.f32 v34, v1  }
0x292: {  	v26 =	vshll.u32 v26, $0x17;
	v0 =	vadd.f32 $1.000000000e+00, v0  }
0x293: {  	v28 =	vshll.u32 v28, $0x17;
	v26 =	vadd.s32 $0x3F800000, v26;
	v1 =	vadd.f32 $1.000000000e+00, v1  }
0x294: {  	v34 =	vadd.s32 $0x3F800000, v28;
	v0 =	vmul.f32 v26, v0  }
0x295: {  	v1 =	vmul.f32 v34, v1  }
0x296: {  	v0 =	vadd.f32 $1.000000000e+00, v0  }
0x297: {  	v1 =	vadd.f32 $1.000000000e+00, v1  }
0x298: {  	(erf) = vrcp.f32 v0  }
0x299: {  	(erf) = vrcp.f32 v1;
	_ =	sdelay $0x5  }
0x29a: {  	v36 =	vmul.f32 v53, v29;
	v35 =	vadd.f32 v27, v24  }
0x29b: {  	v37 =	vperm.xlane v9, v32  }
0x29c: {  	v0 =	vadd.f32 v36, v35;
	v24 =	vpop (erf)  }
0x29d: {  	v40 =	vadd.f32 v25, v23;
	v41 =	vmul.f32 v37, v30;
	v9 =	vpop (erf)  }
0x29e: {  	v0 =	vmul.f32 v9, v0  }
0x29f: {  	v1 =	vadd.f32 v41, v40  }
0x2a0: {  	v0 =	vadd.f32 v0, v22  }
0x2a1: {  	v1 =	vadd.f32 v1, v21  }
0x2a2: {  	v0 =	vmul.f32 $-2.000000000e+00, v0  }
0x2a3: {  	v1 =	vsub.f32 $0.0e+00, v1  }
0x2a4: {  	v42 =	vmul.f32 $1.442695020e+00, v0  }
0x2a5: {  	v43 =	vmul.f32 $1.442695020e+00, v1  }
0x2a6: {  	vm5 =	vge.f32 v42, $0.0e+00  }
0x2a7: {  	vm6 =	vge.f32 v43, $0.0e+00;
	v44 =	vsel vm5, $0x3F000000, v17  }
0x2a8: {  	v46 =	vsel vm6, $0x3F000000, v17;
	v21 =	vadd.f32 v44, v42  }
0x2a9: {  	v22 =	vadd.f32 v46, v43  }
0x2aa: {  	v21 =	vtrunc.f32 v21  }
0x2ab: {  	v22 =	vtrunc.f32 v22;
	v21 =	vcvt.f32.s32 v21  }
0x2ac: {  	v22 =	vcvt.f32.s32 v22  }
0x2ad: {  	vm7 =	vgt.s32 v21, $0xFFFFFF82  }
0x2ae: {  	vm8 =	vgt.s32 v22, $0xFFFFFF82;
	v21 =	vnsel vm7, $0xFFFFFF82, v21  }
0x2af: {  	v22 =	vnsel vm8, $0xFFFFFF82, v22;
	vm9 =	vlt.s32 v21, $0x7E  }
0x2b0: {  	vm10 =	vlt.s32 v22, $0x7E;
	v21 =	vnsel vm9, $0x7E, v21  }
0x2b1: {  	v22 =	vnsel vm10, $0x7E, v22;
	v47 =	vcvt.s32.f32 v21  }
0x2b2: {  	v48 =	vcvt.s32.f32 v22  }
0x2b3: {  	v49 =	vmul.f32 $6.933593750e-01, v47  }
0x2b4: {  	v50 =	vmul.f32 $6.933593750e-01, v48  }
0x2b5: {  	v23 =	vmul.f32 $2.121944420e-04, v47;
	v0 =	vsub.f32 v0, v49  }
0x2b6: {  	v25 =	vmul.f32 $2.121944420e-04, v48;
	v1 =	vsub.f32 v1, v50  }
0x2b7: {  	v0 =	vadd.f32 v23, v0  }
0x2b8: {  	v1 =	vadd.f32 v25, v1  }
0x2b9: {  	v23 =	vmul.f32 $1.388888920e-03, v0  }
0x2ba: {  	v25 =	vmul.f32 $1.388888920e-03, v1  }
0x2bb: {  	v23 =	vadd.f32 $8.333333770e-03, v23  }
0x2bc: {  	v25 =	vadd.f32 $8.333333770e-03, v25  }
0x2bd: {  	v23 =	vmul.f32 v23, v0  }
0x2be: {  	v25 =	vmul.f32 v25, v1  }
0x2bf: {  	v23 =	vadd.f32 $4.166666790e-02, v23  }
0x2c0: {  	v25 =	vadd.f32 $4.166666790e-02, v25  }
0x2c1: {  	v23 =	vmul.f32 v23, v0  }
0x2c2: {  	v25 =	vmul.f32 v25, v1  }
0x2c3: {  	v23 =	vadd.f32 $1.666666720e-01, v23  }
0x2c4: {  	v25 =	vadd.f32 $1.666666720e-01, v25  }
0x2c5: {  	v23 =	vmul.f32 v23, v0  }
0x2c6: {  	v25 =	vmul.f32 v25, v1  }
0x2c7: {  	v23 =	vadd.f32 $5.000000000e-01, v23  }
0x2c8: {  	v25 =	vadd.f32 $5.000000000e-01, v25  }
0x2c9: {  	v23 =	vmul.f32 v23, v0  }
0x2ca: {  	v25 =	vmul.f32 v25, v1  }
0x2cb: {  	v23 =	vadd.f32 $1.000000000e+00, v23  }
0x2cc: {  	v25 =	vadd.f32 $1.000000000e+00, v25  }
0x2cd: {  	v0 =	vmul.f32 v23, v0  }
0x2ce: {  	v1 =	vmul.f32 v25, v1  }
0x2cf: {  	v21 =	vshll.u32 v21, $0x17;
	v0 =	vadd.f32 $1.000000000e+00, v0  }
0x2d0: {  	v22 =	vshll.u32 v22, $0x17;
	v21 =	vadd.s32 $0x3F800000, v21;
	v1 =	vadd.f32 $1.000000000e+00, v1  }
0x2d1: {  	v51 =	vadd.s32 $0x3F800000, v22;
	v0 =	vmul.f32 v21, v0  }
0x2d2: {  	v1 =	vmul.f32 v51, v1  }
0x2d3: {  	v0 =	vadd.f32 $1.000000000e+00, v0  }
0x2d4: {  	v1 =	vadd.f32 $1.000000000e+00, v1  }
0x2d5: {  	(erf) = vrcp.f32 v0  }
0x2d6: {  	(erf) = vrcp.f32 v1;
	_ =	sdelay $0x5  }
0x2d7: {  	v52 =	vmul.f32 v37, v29;
	_ =	sdelay $0x1  }
0x2d8: {  	v0 =	vadd.f32 v52, v20;
	v53 =	vpop (erf)  }
0x2d9: {  	v54 =	vpop (erf)  }
0x2da: {  	v0 =	vmul.f32 v54, v0;
	_ =	sdelay $0x1  }
0x2db: {  	v0 =	vadd.f32 v0, v18;
	_ =	sdelay $0x1  }
0x2dc: {  	v0 =	vmul.f32 $-2.000000000e+00, v0;
	_ =	sdelay $0x1  }
0x2dd: {  	v55 =	vmul.f32 $1.442695020e+00, v0;
	_ =	sdelay $0x1  }
0x2de: {  	vm11 =	vge.f32 v55, $0.0e+00  }
0x2df: {  	v56 =	vsel vm11, $0x3F000000, v17  }
0x2e0: {  	v18 =	vadd.f32 v56, v55;
	_ =	sdelay $0x1  }
0x2e1: {  	v18 =	vtrunc.f32 v18  }
0x2e2: {  	v18 =	vcvt.f32.s32 v18;
	_ =	sdelay $0x1  }
0x2e3: {  	vm12 =	vgt.s32 v18, $0xFFFFFF82  }
0x2e4: {  	v18 =	vnsel vm12, $0xFFFFFF82, v18  }
0x2e5: {  	vm1 =	vlt.s32 v18, $0x7E  }
0x2e6: {  	v18 =	vnsel vm1, $0x7E, v18  }
0x2e7: {  	v57 =	vcvt.s32.f32 v18;
	_ =	sdelay $0x1  }
0x2e8: {  	v59 =	vmul.f32 $6.933593750e-01, v57;
	_ =	sdelay $0x1  }
0x2e9: {  	v21 =	vmul.f32 $2.121944420e-04, v57;
	v0 =	vsub.f32 v0, v59  }
0x2ea: {  	v58 =	vimm.s32 $0xFEDCBA98  }
0x2eb: {  	v22 =	vunpack.c.l.s4.s8 v58;
	v0 =	vadd.f32 v21, v0;
	_ =	sdelay $0x1  }
0x2ec: {  	v22 =	vunpack.c.0.s8.s32 v22;
	v61 =	vmul.f32 $1.388888920e-03, v0;
	_ =	sdelay $0x1  }
0x2ed: {  	v60 =	vand.u32 $0xF, v22;
	v22 =	vadd.f32 $8.333333770e-03, v61;
	_ =	sdelay $0x1  }
0x2ee: {  	v22 =	vmul.f32 v22, v0;
	_ =	sdelay $0x1  }
0x2ef: {  	v22 =	vadd.f32 $4.166666790e-02, v22  }
0x2f0: {  	vm13 =	vcmask $0x1F00  }
0x2f1: {  	v21 =	vnsel vm13, $0x0, v60;
	v22 =	vmul.f32 v22, v0  }
0x2f2: {  	v19 =	vadd.f32 v19, v19;
	v16 =	vperm.xlane v16, v21  }
0x2f3: {  	v22 =	vadd.f32 $1.666666720e-01, v22  }
0x2f4: {  	v19 =	vadd.f32 $-1.000000000e+00, v19;
	v16 =	vnsel vm0, $0x0, v16  }
0x2f5: {  	v63 =	vadd.f32 v38, v38;
	v62 =	vsub.f32 $1.000000000e+00, v16;
	v22 =	vmul.f32 v22, v0  }
0x2f6: {  	v15 =	vperm.xlane v15, v21  }
0x2f7: {  	v25 =	vadd.f32 $-1.000000000e+00, v63;
	v19 =	vmul.f32 v62, v19;
	v29 =	vadd.f32 $5.000000000e-01, v22  }
0x2f8: {  	v14 =	vperm.xlane v14, v21;
	v15 =	vnsel vm0, $0x0, v15;
	v8 =	vmul.f32 v16, v8  }
0x2f9: {  	v26 =	vsub.f32 $1.000000000e+00, v15;
	v19 =	vadd.f32 $0.0e+00, v19;
	v32 =	vmul.f32 v29, v0  }
0x2fa: {  	v27 =	vadd.f32 v45, v45;
	v31 =	vperm.xlane v12, v21;
	v14 =	vnsel vm0, $0x0, v14  }
0x2fb: {  	v16 =	vmul.f32 v26, v25;
	v8 =	vadd.f32 v19, v8;
	v12 =	vadd.f32 $1.000000000e+00, v32  }
0x2fc: {  	v33 =	vadd.f32 v39, v39;
	v28 =	vsub.f32 $1.000000000e+00, v14;
	v7 =	vmul.f32 v15, v7  }
0x2fd: {  	v19 =	vadd.f32 $-1.000000000e+00, v27;
	v8 =	vadd.f32 v8, v16;
	v0 =	vmul.f32 v12, v0  }
0x2fe: {  	v34 =	vadd.f32 $-1.000000000e+00, v33;
	v37 =	vshll.u32 v18, $0x17;
	v11 =	vperm.xlane v11, v21  }
0x2ff: {  	v30 =	vmul.f32 v28, v19;
	v7 =	vadd.f32 v8, v7;
	v0 =	vadd.f32 $1.000000000e+00, v0  }
0x300: {  	v6 =	vmul.f32 v14, v6;
	v8 =	vnsel vm0, $0x0, v31;
	v12 =	vadd.s32 $0x3F800000, v37  }
0x301: {  	v35 =	vsub.f32 $1.000000000e+00, v8;
	v7 =	vadd.f32 v7, v30;
	v0 =	vmul.f32 v12, v0  }
0x302: {  	v13 =	vadd.f32 v13, v13;
	v38 =	vnsel vm0, $0x0, v11  }
0x303: {  	v36 =	vmul.f32 v35, v34;
	v6 =	vadd.f32 v7, v6;
	v0 =	vadd.f32 $1.000000000e+00, v0  }
0x304: {  	v39 =	vadd.f32 $-1.000000000e+00, v13;
	v11 =	vsub.f32 $1.000000000e+00, v38  }
0x305: {  	v5 =	vmul.f32 v8, v5;
	v6 =	vadd.f32 v6, v36;
	(erf) = vrcp.f32 v0  }
0x306: {  	v42 =	vadd.f32 v24, v24;
	v41 =	vperm.xlane v10, v21  }
0x307: {  	v40 =	vmul.f32 v11, v39;
	v5 =	vadd.f32 v6, v5  }
0x308: {  	v45 =	vadd.f32 $-1.000000000e+00, v42;
	v44 =	vnsel vm0, $0x0, v41  }
0x309: {  	v4 =	vmul.f32 v38, v4;
	v46 =	vsub.f32 $1.000000000e+00, v44;
	v43 =	vadd.f32 v5, v40  }
0x30a: {  	v1 =	vadd.f32 v53, v53;
	v48 =	vperm.xlane v9, v21  }
0x30b: {  	v47 =	vmul.f32 v46, v45;
	v0 =	vadd.f32 v43, v4  }
0x30c: {  	v1 =	vadd.f32 $-1.000000000e+00, v1;
	v52 =	vperm.xlane v54, v21;
	v49 =	vnsel vm0, $0x0, v48  }
0x30d: {  	v3 =	vmul.f32 v44, v3;
	v50 =	vsub.f32 $1.000000000e+00, v49;
	v0 =	vadd.f32 v0, v47  }
0x30e: {  	v53 =	vnsel vm0, $0x0, v52;
	v51 =	vpop (erf)  }
0x30f: {  	v1 =	vmul.f32 v50, v1;
	v0 =	vadd.f32 v0, v3;
	v3 =	vadd.f32 v51, v51  }
0x310: {  	v56 =	vld [tilespmem:$0x1FFF0];
	v54 =	vsub.f32 $1.000000000e+00, v53  }
0x311: {  	v2 =	vmul.f32 v49, v2;
	v0 =	vadd.f32 v0, v1;
	v3 =	vadd.f32 $-1.000000000e+00, v3;
	_ =	sdelay $0x1  }
0x312: {  	v0 =	vadd.f32 v0, v2;
	v55 =	vmul.f32 v54, v3;
	_ =	sdelay $0x1  }
0x313: {  	v1 =	vmul.f32 v53, v56;
	v0 =	vadd.f32 v0, v55;
	_ =	sdelay $0x1  }
0x314: {  	v0 =	vadd.f32 v0, v1;
	_ =	sdelay $0x1  }
0x315: {  	v0 =	vmul.f32 $1.250000000e-01, v0;
	_ =	sdelay $0x1  }
0x316: {  	v57 =	vld [tilespmem:$0x7B0];
	v58 =	vshrl.u32 v0, $0x10  }
0x317: {  	v59 =	vld [tilespmem:$0x1FFE0];
	v2 =	vand.u32 $0x1, v58  }
0x318: {  	v0 =	vadd.s32 v2, v0  }
0x319: {  	v0 =	vadd.s32 $0x7FFF, v0  }
0x31a: {  	v0 =	vand.u32 $0xFFFF0000, v0  }
0x31b: {  	v0 =	vmul.f32 v0, v57  }
0x31c: {  	(v2sf) =	vpush v59, $0x2  }
0x31d: {  	(v2sf) =	vpush v0, $0x0;
	_ =	sdelay $0x1  }
0x31e: {  	(v2sf) =	vpush v0, $0x1;
	_ =	sdelay $0x1  }
0x31f: {  	(v2sf) =	vpush v0, $0x2;
	_ =	sdelay $0x1  }
0x320: {  	(v2sf) =	vpush v0, $0x3;
	_ =	sdelay $0x1  }
0x321: {  	(v2sf) =	vpush v0, $0x4;
	_ =	sdelay $0x1  }
0x322: {  	(v2sf) =	vpush v0, $0x5;
	_ =	sdelay $0x1  }
0x323: {  	(v2sf) =	vpush v0, $0x6;
	_ =	sdelay $0x1  }
0x324: {  	s20 =	spop (v2sf);
	(v2sf) =	vpush v0, $0x7  }
0x325: {  	s3 =	spop (v2sf)  }
0x326: {  	s2 =	sadd.f32 s3, s20  }
0x327: {  	s21 =	spop (v2sf)  }
0x328: {  	s2 =	sadd.f32 s2, s21  }
0x329: {  	s22 =	spop (v2sf)  }
0x32a: {  	s2 =	sadd.f32 s2, s22  }
0x32b: {  	s23 =	spop (v2sf)  }
0x32c: {  	s2 =	sadd.f32 s2, s23  }
0x32d: {  	s24 =	spop (v2sf)  }
0x32e: {  	s2 =	sadd.f32 s2, s24  }
0x32f: {  	s25 =	spop (v2sf)  }
0x330: {  	s2 =	sadd.f32 s2, s25  }
0x331: {  	s26 =	spop (v2sf)  }
0x332: {  	s2 =	sadd.f32 s2, s26  }
0x333: {  	s28 =	spop (v2sf)  }
0x334: {  	s2 =	sadd.f32 s2, s28;
	_ =	sdelay $0x1  }
0x335: {  	v60 =	vmov s2  }
0x336: {  	v0 =	vmul.f32 $1.442695020e+00, v60;
	_ =	sdelay $0x1  }
0x337: {  	vm14 =	vge.f32 v0, $0.0e+00  }
0x338: {  	v61 =	vsel vm14, $0x3F000000, v17  }
0x339: {  	v0 =	vadd.f32 v61, v0;
	_ =	sdelay $0x1  }
0x33a: {  	v0 =	vtrunc.f32 v0  }
0x33b: {  	v0 =	vcvt.f32.s32 v0;
	_ =	sdelay $0x1  }
0x33c: {  	vm15 =	vgt.s32 v0, $0xFFFFFF82  }
0x33d: {  	v0 =	vnsel vm15, $0xFFFFFF82, v0  }
0x33e: {  	vm0 =	vlt.s32 v0, $0x7E  }
0x33f: {  	v0 =	vnsel vm0, $0x7E, v0  }
0x340: {  	v62 =	vcvt.s32.f32 v0;
	_ =	sdelay $0x1  }
0x341: {  	v63 =	vmul.f32 $6.933593750e-01, v62;
	_ =	sdelay $0x1  }
0x342: {  	v1 =	vmul.f32 $2.121944420e-04, v62;
	v2 =	vsub.f32 s2, v63;
	_ =	sdelay $0x1  }
0x343: {  	v1 =	vadd.f32 v1, v2;
	_ =	sdelay $0x1  }
0x344: {  	v2 =	vmul.f32 $1.388888920e-03, v1;
	_ =	sdelay $0x1  }
0x345: {  	v2 =	vadd.f32 $8.333333770e-03, v2;
	_ =	sdelay $0x1  }
0x346: {  	v2 =	vmul.f32 v2, v1;
	_ =	sdelay $0x1  }
0x347: {  	v2 =	vadd.f32 $4.166666790e-02, v2;
	_ =	sdelay $0x1  }
0x348: {  	v2 =	vmul.f32 v2, v1;
	_ =	sdelay $0x1  }
0x349: {  	v2 =	vadd.f32 $1.666666720e-01, v2;
	_ =	sdelay $0x1  }
0x34a: {  	v2 =	vmul.f32 v2, v1;
	_ =	sdelay $0x1  }
0x34b: {  	v2 =	vadd.f32 $5.000000000e-01, v2;
	_ =	sdelay $0x1  }
0x34c: {  	v2 =	vmul.f32 v2, v1;
	_ =	sdelay $0x1  }
0x34d: {  	v2 =	vadd.f32 $1.000000000e+00, v2;
	_ =	sdelay $0x1  }
0x34e: {  	v1 =	vmul.f32 v2, v1;
	_ =	sdelay $0x1  }
0x34f: {  	v0 =	vshll.u32 v0, $0x17;
	v1 =	vadd.f32 $1.000000000e+00, v1  }
0x350: {  	v0 =	vadd.s32 $0x3F800000, v0  }
0x351: {  	v0 =	vmul.f32 v0, v1;
	_ =	sdelay $0x1  }
0x352: {  	v0 =	vmax.f32 v0, $1.000000050e-03  }
0x353: {  	v0 =	vmin.f32 v0, $5.000000000e+00  }
0x354: {  	s29 =	simm.s32 $0x0;
	s30 =	simm.s32 $0x800;
	s31 =	simm.s32 $0x1;
	[tilespmem:$0x800] =	vst v0  }
0x355: {  	[hbm4b:s1+s29] =	stream.linear.scatter [tilespmem:s30], [sflag:$0x1], $0x1, $0x38;
	[tilespmem:$0x880] =	vst v63  }
0x356: {  	_ =	swait.ge [sflag:s31], $0x1  }
0x357: {  	[sflag:s31] =	ssyncset.done $0x0  }
0x358: {  	[sflag:s31] =	ssyncadd.s32 $0xFFFFFFFF  }
.LBB2_10:
0x359: {  	_ =	sfence.sel $0x180000  }
0x35a: {  	[bflag:$0x0] =	sbarrier.arrive $0xFFFF  }
0x35b: {  	_ =	strace $0x90000047  }
0x35c: {  	s0 =	sadd.s32 @!p0 $0x100000, s0;
	[bflag:$0x2] =	sbarrier.arrive $0xFFFF  }
0x35d: {  	[sflag:s0] =	ssyncadd.tile.s32 @!p0 $0x1;
	_ =	shalt  }
.Lfunc_end2:
_tile_overlayer_lowered:
.L_overlay_start_2:
0x35e: {  	(tag) =	ssettag $0x2  }
0x35f: {  	s0 =	rddreg [dreg:$0x0];
	s2 =	stileid.u32  }
0x360: {  	s1 =	rddreg [dreg:$0x1];
	p0 =	sne.s32 s2, $0x0  }
0x361: {  	s3 =	rddreg [dreg:$0x2];
	[bflag:$0x3] =	sbarrier.arrive $0xFFFF;
	s2 =	simm.s32 @!p0 $0x1C01  }
0x362: {  	[timem:s3], [sflag:s2] =	dma.local @!p0 [hbm:s0], s1  }
0x363: {  	s0 =	simm.s32 @!p0 $0x1  }
0x364: {  	_ =	swait.ge @!p0 [sflag:s0], s1  }
0x365: {  	s1 =	ssub.s32 @!p0 $0x0, s1;
	[sflag:s0] =	ssyncset.done @!p0 $0x0  }
0x366: {  	[sflag:s0] =	ssyncadd.s32 @!p0 s1  }
0x367: {  	[bflag:$0x3] =	sbarrier.arrive $0xFFFF  }
0x368: {  	_ =	shalt  }

</sc_bundles>
